<compile_context>
chip_gen: v7x
topology: tpu7x:2x2x1
jax: 0.10.2.dev20260603
libtpu: 0.0.44.dev20260713+nightly
codegen_flags: <defaults>
</compile_context>

<pallas_src>
import functools

import jax
import jax.numpy as jnp
from jax import lax
from jax.experimental import pallas as pl
from jax.experimental.pallas import tpu as pltpu
from jax.experimental.pallas import tpu_sc as plsc

_B = 16
_N = 5000
_M = 8192
_S = 8
_R = 64 * _S
_C = 128

_NW = 32
_CH = (_B * _M) // _NW


def _sort_body(prob_ref, cx_ref, cy_ref, w_ref, h_ref, sw_ref, sh_ref,
               scores_ref, gidx_ref, x1_ref, y1_ref, x2_ref, y2_ref):
    shp = (1, _R, _C)
    r_iota = jax.lax.broadcasted_iota(jnp.int32, shp, 1)
    c_iota = jax.lax.broadcasted_iota(jnp.int32, shp, 2)
    rloc = r_iota & 63
    lin = rloc * _C + c_iota

    prob = prob_ref[...]
    key = jax.lax.bitcast_convert_type(prob, jnp.int32)
    idx = lin

    iw = sw_ref[...]
    ih = sh_ref[...]
    cx = cx_ref[...]
    cy = cy_ref[...]
    w = w_ref[...]
    h = h_ref[...]
    x1_ref[...] = (cx - 0.5 * w) * iw
    y1_ref[...] = (cy - 0.5 * h) * ih
    x2_ref[...] = (cx + 0.5 * w) * iw
    y2_ref[...] = (cy + 0.5 * h) * ih

    def cmpx(arrs, asc, is_hi, partners):
        flip = jnp.logical_xor(is_hi, asc)
        k, i = arrs
        kp, ip = partners
        before = (k > kp) | ((k == kp) & (i < ip))
        take_mine = jnp.logical_xor(before, flip)
        return [jnp.where(take_mine, a, p) for a, p in zip(arrs, partners)]

    def lane_pass(arrs, asc, d):
        is_hi = (c_iota & d) != 0
        partners = [
            jnp.where(is_hi, pltpu.roll(a, d, 2), pltpu.roll(a, _C - d, 2))
            for a in arrs
        ]
        return cmpx(arrs, asc, is_hi, partners)

    def row_pass(arrs, asc, dr):
        is_hi = (r_iota & dr) != 0
        partners = [
            jnp.where(is_hi, pltpu.roll(a, dr, 1), pltpu.roll(a, _R - dr, 1))
            for a in arrs
        ]
        return cmpx(arrs, asc, is_hi, partners)

    arrs = [key, idx]
    for size in [2 << s for s in range(13)]:
        asc = (lin & size) != 0
        d = size // 2
        while d >= 128:
            arrs = row_pass(arrs, asc, d // 128)
            d //= 2
        while d >= 1:
            arrs = lane_pass(arrs, asc, d)
            d //= 2

    base = pl.program_id(0) * (_S * _M) + (r_iota >> 6) * _M
    scores_ref[...] = jax.lax.bitcast_convert_type(arrs[0], jnp.float32)
    gidx_ref[...] = arrs[1] + base


def _gather_body(idx_hbm, t0, t1, t2, t3, o0, o1, o2, o3,
                 idx_v, b0, b1, b2, b3, sem):
    wid = lax.axis_index("s") * 2 + lax.axis_index("c")
    base = wid * _CH
    pltpu.sync_copy(idx_hbm.at[pl.ds(base, _CH)], idx_v)
    cps = [
        pltpu.async_copy(t.at[idx_v], b, sem)
        for t, b in ((t0, b0), (t1, b1), (t2, b2), (t3, b3))
    ]
    for c in cps:
        c.wait()
    for b, o in ((b0, o0), (b1, o1), (b2, o2), (b3, o3)):
        pltpu.sync_copy(b, o.at[pl.ds(base, _CH)])


@functools.partial(jax.jit, static_argnames=())
def kernel(pred_logits, pred_boxes, target_sizes):
    B, N, C = pred_logits.shape
    assert (B, N, C) == (_B, _N, 1)
    nblk = B // _S

    prob = jax.nn.sigmoid(pred_logits.reshape(B, N))
    pad = _M - N
    prob_p = jnp.pad(prob, ((0, 0), (0, pad)), constant_values=-1.0).reshape(nblk, _R, _C)

    cx = jnp.pad(pred_boxes[:, :, 0], ((0, 0), (0, pad))).reshape(nblk, _R, _C)
    cy = jnp.pad(pred_boxes[:, :, 1], ((0, 0), (0, pad))).reshape(nblk, _R, _C)
    w = jnp.pad(pred_boxes[:, :, 2], ((0, 0), (0, pad))).reshape(nblk, _R, _C)
    h = jnp.pad(pred_boxes[:, :, 3], ((0, 0), (0, pad))).reshape(nblk, _R, _C)

    img_h = target_sizes[:, 0].astype(jnp.float32)
    img_w = target_sizes[:, 1].astype(jnp.float32)
    sw = jnp.broadcast_to(img_w[:, None, None], (B, 64, _C)).reshape(nblk, _R, _C)
    sh = jnp.broadcast_to(img_h[:, None, None], (B, 64, _C)).reshape(nblk, _R, _C)

    blk = pl.BlockSpec((1, _R, _C), lambda b: (b, 0, 0))
    out_shape = [
        jax.ShapeDtypeStruct((nblk, _R, _C), jnp.float32),
        jax.ShapeDtypeStruct((nblk, _R, _C), jnp.int32),
        jax.ShapeDtypeStruct((nblk, _R, _C), jnp.float32),
        jax.ShapeDtypeStruct((nblk, _R, _C), jnp.float32),
        jax.ShapeDtypeStruct((nblk, _R, _C), jnp.float32),
        jax.ShapeDtypeStruct((nblk, _R, _C), jnp.float32),
    ]
    scores, gidx, x1, y1, x2, y2 = pl.pallas_call(
        _sort_body,
        grid=(nblk,),
        in_specs=[blk] * 7,
        out_specs=[blk] * 6,
        out_shape=out_shape,
    )(prob_p, cx, cy, w, h, sw, sh)

    flat = (_B * _M,)
    mesh = plsc.VectorSubcoreMesh(core_axis_name="c", subcore_axis_name="s")
    gathered = pl.kernel(
        _gather_body,
        mesh=mesh,
        out_type=[jax.ShapeDtypeStruct(flat, jnp.float32)] * 4,
        scratch_types=[
            pltpu.VMEM((_CH,), jnp.int32),
            pltpu.VMEM((_CH,), jnp.float32),
            pltpu.VMEM((_CH,), jnp.float32),
            pltpu.VMEM((_CH,), jnp.float32),
            pltpu.VMEM((_CH,), jnp.float32),
            pltpu.SemaphoreType.DMA,
        ],
    )(gidx.reshape(flat), x1.reshape(flat), y1.reshape(flat),
      x2.reshape(flat), y2.reshape(flat))

    scores = scores.reshape(B, _M)[:, :_N]
    boxes = jnp.stack(
        [g.reshape(B, _M)[:, :_N] for g in gathered], axis=-1)
    labels = jnp.full((B, N), 1, dtype=jnp.int32)
    return scores, labels, boxes

# --- scband reference (transcript-rebuilt; emitter-appended) ---
"""Pipeline reference for scband-crowd-human-post-process-77249281786084 (READ-ONLY COPY).

The authoritative reference and input builder live on the scoring server;
editing this copy changes nothing except your own understanding.
"""

import jax, jax.numpy as jnp
import numpy as np


def box_cxcywh_to_xyxy(b):
    cx, cy, w, h = b[..., 0], b[..., 1], b[..., 2], b[..., 3]
    return jnp.stack([cx - 0.5 * w, cy - 0.5 * h, cx + 0.5 * w, cy + 0.5 * h], axis=-1)


def setup_inputs(seed: int = 0):
    key = jax.random.key(seed)
    k1, k2, k3 = jax.random.split(key, 3)
    pred_logits = jax.random.normal(k1, (16, 5000, 1), dtype=jnp.float32)
    pred_boxes = jax.random.uniform(k2, (16, 5000, 4), dtype=jnp.float32)
    target_sizes = jax.random.randint(k3, (16, 2), 0, 1333).astype(jnp.int64)
    return {"pred_logits": pred_logits, "pred_boxes": pred_boxes, "target_sizes": target_sizes}


def reference(pred_logits, pred_boxes, target_sizes):
    B, num_proposal, C = pred_logits.shape
    prob = jax.nn.sigmoid(pred_logits)
    flat = prob.reshape(B, -1)
    topk_values, topk_indexes = jax.lax.top_k(flat, num_proposal)
    scores = topk_values
    topk_boxes = topk_indexes // C
    labels = topk_indexes % C
    boxes = box_cxcywh_to_xyxy(pred_boxes)
    boxes = jnp.take_along_axis(boxes, topk_boxes[:, :, None], axis=1)
    img_h = target_sizes[:, 0].astype(jnp.float32)
    img_w = target_sizes[:, 1].astype(jnp.float32)
    scale_fct = jnp.stack([img_w, img_h, img_w, img_h], axis=1)
    boxes = boxes * scale_fct[:, None, :]
    transform = jnp.array([1], dtype=jnp.int32)
    labels_out = transform[labels]
    return scores, labels_out, boxes

if __name__ == "__main__":
    import jax
    _d = setup_inputs()
    print(jax.jit(kernel)(*tuple(_d.values())))

</pallas_src>

<mosaic_0001>
#map = affine_map<(d0, d1) -> (0)>
module attributes {stable_mosaic.version = 14 : i64} {
  func.func @_gather_body(%arg0: i32, %arg1: i32, %arg2: memref<131072xi32, #tpu.memory_space<hbm>>, %arg3: memref<131072xf32, #tpu.memory_space<hbm>>, %arg4: memref<131072xf32, #tpu.memory_space<hbm>>, %arg5: memref<131072xf32, #tpu.memory_space<hbm>>, %arg6: memref<131072xf32, #tpu.memory_space<hbm>>, %arg7: memref<131072xf32, #tpu.memory_space<hbm>>, %arg8: memref<131072xf32, #tpu.memory_space<hbm>>, %arg9: memref<131072xf32, #tpu.memory_space<hbm>>, %arg10: memref<131072xf32, #tpu.memory_space<hbm>>, %arg11: memref<4096xi32, #tpu.memory_space<vmem>>, %arg12: memref<4096xf32, #tpu.memory_space<vmem>>, %arg13: memref<4096xf32, #tpu.memory_space<vmem>>, %arg14: memref<4096xf32, #tpu.memory_space<vmem>>, %arg15: memref<4096xf32, #tpu.memory_space<vmem>>, %arg16: memref<!tpu.dma_semaphore, #tpu.memory_space<semaphore_mem>>) attributes {dimension_semantics = [#tpu.dimension_semantics<core_parallel>, #tpu.dimension_semantics<subcore_parallel>], iteration_bounds = array<i64: 2, 16>, scalar_prefetch = 0 : i64, scratch_operands = 6 : i64, tpu.core_type = #tpu.core_type<sc_vector_subcore>, window_params = [{transform_indices = #map}, {transform_indices = #map}, {transform_indices = #map}, {transform_indices = #map}, {transform_indices = #map}, {transform_indices = #map}, {transform_indices = #map}, {transform_indices = #map}, {transform_indices = #map}]} {
    %mul3A = arith.constant 2 : i32
    %mul3A_0 = arith.muli %arg1, %mul3A : i32
    %add3A = arith.addi %mul3A_0, %arg0 : i32
    %mul3A_1 = arith.constant 4096 : i32
    %mul3A_2 = arith.muli %add3A, %mul3A_1 : i32
    "tpu.region"() ({
      %run_scoped3A = tpu.sem_alloc : memref<!tpu.dma_semaphore, #tpu.memory_space<semaphore_mem>>
      %dma_start3A_17 = tpu.memref_slice %arg2[%mul3A_2] : memref<131072xi32, #tpu.memory_space<hbm>> -> memref<4096xi32, #tpu.memory_space<hbm>>
      %dma_start3A_18 = tpu.memref_slice %arg2[%mul3A_2] : memref<131072xi32, #tpu.memory_space<hbm>> -> memref<4096xi32, #tpu.memory_space<hbm>>
      tpu.enqueue_dma source(%dma_start3A_18 : memref<4096xi32, #tpu.memory_space<hbm>>) target(%arg11 : memref<4096xi32, #tpu.memory_space<vmem>>) target_semaphore(%run_scoped3A : memref<!tpu.dma_semaphore, #tpu.memory_space<semaphore_mem>>)
      %dma_wait3A_19 = tpu.memref_slice %arg2[%mul3A_2] : memref<131072xi32, #tpu.memory_space<hbm>> -> memref<4096xi32, #tpu.memory_space<hbm>>
      %dma_wait3A_20 = tpu.memref_slice %arg2[%mul3A_2] : memref<131072xi32, #tpu.memory_space<hbm>> -> memref<4096xi32, #tpu.memory_space<hbm>>
      tpu.wait_dma2 semaphore(%run_scoped3A : memref<!tpu.dma_semaphore, #tpu.memory_space<semaphore_mem>>) src(%dma_wait3A_20 : memref<4096xi32, #tpu.memory_space<hbm>>) dst(%arg11 : memref<4096xi32, #tpu.memory_space<vmem>>)
      tpu.yield
    }) : () -> ()
    %dma_start3A = arith.constant 0 : i32
    %dma_start3A_3 = tpu.memref_slice %arg3[%dma_start3A] : memref<131072xf32, #tpu.memory_space<hbm>> -> memref<131072xf32, #tpu.memory_space<hbm>>
    tpu.enqueue_indirect_dma source(%dma_start3A_3 : memref<131072xf32, #tpu.memory_space<hbm>>) target(%arg12 : memref<4096xf32, #tpu.memory_space<vmem>>) offsets(%arg11 : memref<4096xi32, #tpu.memory_space<vmem>>) semaphore(%arg16 : memref<!tpu.dma_semaphore, #tpu.memory_space<semaphore_mem>>)
    %dma_start3A_4 = arith.constant 0 : i32
    %dma_start3A_5 = tpu.memref_slice %arg4[%dma_start3A_4] : memref<131072xf32, #tpu.memory_space<hbm>> -> memref<131072xf32, #tpu.memory_space<hbm>>
    tpu.enqueue_indirect_dma source(%dma_start3A_5 : memref<131072xf32, #tpu.memory_space<hbm>>) target(%arg13 : memref<4096xf32, #tpu.memory_space<vmem>>) offsets(%arg11 : memref<4096xi32, #tpu.memory_space<vmem>>) semaphore(%arg16 : memref<!tpu.dma_semaphore, #tpu.memory_space<semaphore_mem>>)
    %dma_start3A_6 = arith.constant 0 : i32
    %dma_start3A_7 = tpu.memref_slice %arg5[%dma_start3A_6] : memref<131072xf32, #tpu.memory_space<hbm>> -> memref<131072xf32, #tpu.memory_space<hbm>>
    tpu.enqueue_indirect_dma source(%dma_start3A_7 : memref<131072xf32, #tpu.memory_space<hbm>>) target(%arg14 : memref<4096xf32, #tpu.memory_space<vmem>>) offsets(%arg11 : memref<4096xi32, #tpu.memory_space<vmem>>) semaphore(%arg16 : memref<!tpu.dma_semaphore, #tpu.memory_space<semaphore_mem>>)
    %dma_start3A_8 = arith.constant 0 : i32
    %dma_start3A_9 = tpu.memref_slice %arg6[%dma_start3A_8] : memref<131072xf32, #tpu.memory_space<hbm>> -> memref<131072xf32, #tpu.memory_space<hbm>>
    tpu.enqueue_indirect_dma source(%dma_start3A_9 : memref<131072xf32, #tpu.memory_space<hbm>>) target(%arg15 : memref<4096xf32, #tpu.memory_space<vmem>>) offsets(%arg11 : memref<4096xi32, #tpu.memory_space<vmem>>) semaphore(%arg16 : memref<!tpu.dma_semaphore, #tpu.memory_space<semaphore_mem>>)
    %dma_wait3A = arith.constant 0 : i32
    %dma_wait3A_10 = tpu.memref_slice %arg3[%dma_wait3A] : memref<131072xf32, #tpu.memory_space<hbm>> -> memref<131072xf32, #tpu.memory_space<hbm>>
    tpu.wait_indirect_dma semaphore(%arg16 : memref<!tpu.dma_semaphore, #tpu.memory_space<semaphore_mem>>) src(%dma_wait3A_10 : memref<131072xf32, #tpu.memory_space<hbm>>) dst(%arg12 : memref<4096xf32, #tpu.memory_space<vmem>>)
    %dma_wait3A_11 = arith.constant 0 : i32
    %dma_wait3A_12 = tpu.memref_slice %arg4[%dma_wait3A_11] : memref<131072xf32, #tpu.memory_space<hbm>> -> memref<131072xf32, #tpu.memory_space<hbm>>
    tpu.wait_indirect_dma semaphore(%arg16 : memref<!tpu.dma_semaphore, #tpu.memory_space<semaphore_mem>>) src(%dma_wait3A_12 : memref<131072xf32, #tpu.memory_space<hbm>>) dst(%arg13 : memref<4096xf32, #tpu.memory_space<vmem>>)
    %dma_wait3A_13 = arith.constant 0 : i32
    %dma_wait3A_14 = tpu.memref_slice %arg5[%dma_wait3A_13] : memref<131072xf32, #tpu.memory_space<hbm>> -> memref<131072xf32, #tpu.memory_space<hbm>>
    tpu.wait_indirect_dma semaphore(%arg16 : memref<!tpu.dma_semaphore, #tpu.memory_space<semaphore_mem>>) src(%dma_wait3A_14 : memref<131072xf32, #tpu.memory_space<hbm>>) dst(%arg14 : memref<4096xf32, #tpu.memory_space<vmem>>)
    %dma_wait3A_15 = arith.constant 0 : i32
    %dma_wait3A_16 = tpu.memref_slice %arg6[%dma_wait3A_15] : memref<131072xf32, #tpu.memory_space<hbm>> -> memref<131072xf32, #tpu.memory_space<hbm>>
    tpu.wait_indirect_dma semaphore(%arg16 : memref<!tpu.dma_semaphore, #tpu.memory_space<semaphore_mem>>) src(%dma_wait3A_16 : memref<131072xf32, #tpu.memory_space<hbm>>) dst(%arg15 : memref<4096xf32, #tpu.memory_space<vmem>>)
    "tpu.region"() ({
      %run_scoped3A = tpu.sem_alloc : memref<!tpu.dma_semaphore, #tpu.memory_space<semaphore_mem>>
      %dma_start3A_17 = tpu.memref_slice %arg7[%mul3A_2] : memref<131072xf32, #tpu.memory_space<hbm>> -> memref<4096xf32, #tpu.memory_space<hbm>>
      %dma_start3A_18 = tpu.memref_slice %arg7[%mul3A_2] : memref<131072xf32, #tpu.memory_space<hbm>> -> memref<4096xf32, #tpu.memory_space<hbm>>
      tpu.enqueue_dma source(%arg12 : memref<4096xf32, #tpu.memory_space<vmem>>) target(%dma_start3A_18 : memref<4096xf32, #tpu.memory_space<hbm>>) target_semaphore(%run_scoped3A : memref<!tpu.dma_semaphore, #tpu.memory_space<semaphore_mem>>)
      %dma_wait3A_19 = tpu.memref_slice %arg7[%mul3A_2] : memref<131072xf32, #tpu.memory_space<hbm>> -> memref<4096xf32, #tpu.memory_space<hbm>>
      %dma_wait3A_20 = tpu.memref_slice %arg7[%mul3A_2] : memref<131072xf32, #tpu.memory_space<hbm>> -> memref<4096xf32, #tpu.memory_space<hbm>>
      tpu.wait_dma2 semaphore(%run_scoped3A : memref<!tpu.dma_semaphore, #tpu.memory_space<semaphore_mem>>) src(%arg12 : memref<4096xf32, #tpu.memory_space<vmem>>) dst(%dma_wait3A_20 : memref<4096xf32, #tpu.memory_space<hbm>>)
      tpu.yield
    }) : () -> ()
    "tpu.region"() ({
      %run_scoped3A = tpu.sem_alloc : memref<!tpu.dma_semaphore, #tpu.memory_space<semaphore_mem>>
      %dma_start3A_17 = tpu.memref_slice %arg8[%mul3A_2] : memref<131072xf32, #tpu.memory_space<hbm>> -> memref<4096xf32, #tpu.memory_space<hbm>>
      %dma_start3A_18 = tpu.memref_slice %arg8[%mul3A_2] : memref<131072xf32, #tpu.memory_space<hbm>> -> memref<4096xf32, #tpu.memory_space<hbm>>
      tpu.enqueue_dma source(%arg13 : memref<4096xf32, #tpu.memory_space<vmem>>) target(%dma_start3A_18 : memref<4096xf32, #tpu.memory_space<hbm>>) target_semaphore(%run_scoped3A : memref<!tpu.dma_semaphore, #tpu.memory_space<semaphore_mem>>)
      %dma_wait3A_19 = tpu.memref_slice %arg8[%mul3A_2] : memref<131072xf32, #tpu.memory_space<hbm>> -> memref<4096xf32, #tpu.memory_space<hbm>>
      %dma_wait3A_20 = tpu.memref_slice %arg8[%mul3A_2] : memref<131072xf32, #tpu.memory_space<hbm>> -> memref<4096xf32, #tpu.memory_space<hbm>>
      tpu.wait_dma2 semaphore(%run_scoped3A : memref<!tpu.dma_semaphore, #tpu.memory_space<semaphore_mem>>) src(%arg13 : memref<4096xf32, #tpu.memory_space<vmem>>) dst(%dma_wait3A_20 : memref<4096xf32, #tpu.memory_space<hbm>>)
      tpu.yield
    }) : () -> ()
    "tpu.region"() ({
      %run_scoped3A = tpu.sem_alloc : memref<!tpu.dma_semaphore, #tpu.memory_space<semaphore_mem>>
      %dma_start3A_17 = tpu.memref_slice %arg9[%mul3A_2] : memref<131072xf32, #tpu.memory_space<hbm>> -> memref<4096xf32, #tpu.memory_space<hbm>>
      %dma_start3A_18 = tpu.memref_slice %arg9[%mul3A_2] : memref<131072xf32, #tpu.memory_space<hbm>> -> memref<4096xf32, #tpu.memory_space<hbm>>
      tpu.enqueue_dma source(%arg14 : memref<4096xf32, #tpu.memory_space<vmem>>) target(%dma_start3A_18 : memref<4096xf32, #tpu.memory_space<hbm>>) target_semaphore(%run_scoped3A : memref<!tpu.dma_semaphore, #tpu.memory_space<semaphore_mem>>)
      %dma_wait3A_19 = tpu.memref_slice %arg9[%mul3A_2] : memref<131072xf32, #tpu.memory_space<hbm>> -> memref<4096xf32, #tpu.memory_space<hbm>>
      %dma_wait3A_20 = tpu.memref_slice %arg9[%mul3A_2] : memref<131072xf32, #tpu.memory_space<hbm>> -> memref<4096xf32, #tpu.memory_space<hbm>>
      tpu.wait_dma2 semaphore(%run_scoped3A : memref<!tpu.dma_semaphore, #tpu.memory_space<semaphore_mem>>) src(%arg14 : memref<4096xf32, #tpu.memory_space<vmem>>) dst(%dma_wait3A_20 : memref<4096xf32, #tpu.memory_space<hbm>>)
      tpu.yield
    }) : () -> ()
    "tpu.region"() ({
      %run_scoped3A = tpu.sem_alloc : memref<!tpu.dma_semaphore, #tpu.memory_space<semaphore_mem>>
      %dma_start3A_17 = tpu.memref_slice %arg10[%mul3A_2] : memref<131072xf32, #tpu.memory_space<hbm>> -> memref<4096xf32, #tpu.memory_space<hbm>>
      %dma_start3A_18 = tpu.memref_slice %arg10[%mul3A_2] : memref<131072xf32, #tpu.memory_space<hbm>> -> memref<4096xf32, #tpu.memory_space<hbm>>
      tpu.enqueue_dma source(%arg15 : memref<4096xf32, #tpu.memory_space<vmem>>) target(%dma_start3A_18 : memref<4096xf32, #tpu.memory_space<hbm>>) target_semaphore(%run_scoped3A : memref<!tpu.dma_semaphore, #tpu.memory_space<semaphore_mem>>)
      %dma_wait3A_19 = tpu.memref_slice %arg10[%mul3A_2] : memref<131072xf32, #tpu.memory_space<hbm>> -> memref<4096xf32, #tpu.memory_space<hbm>>
      %dma_wait3A_20 = tpu.memref_slice %arg10[%mul3A_2] : memref<131072xf32, #tpu.memory_space<hbm>> -> memref<4096xf32, #tpu.memory_space<hbm>>
      tpu.wait_dma2 semaphore(%run_scoped3A : memref<!tpu.dma_semaphore, #tpu.memory_space<semaphore_mem>>) src(%arg15 : memref<4096xf32, #tpu.memory_space<vmem>>) dst(%dma_wait3A_20 : memref<4096xf32, #tpu.memory_space<hbm>>)
      tpu.yield
    }) : () -> ()
    return
  }
}

module attributes {stable_mosaic.version = 14 : i64} {
  func.func @_sort_body(%arg0: i32, %arg1: memref<1x512x128xf32, #tpu.memory_space<vmem>>, %arg2: memref<1x512x128xf32, #tpu.memory_space<vmem>>, %arg3: memref<1x512x128xf32, #tpu.memory_space<vmem>>, %arg4: memref<1x512x128xf32, #tpu.memory_space<vmem>>, %arg5: memref<1x512x128xf32, #tpu.memory_space<vmem>>, %arg6: memref<1x512x128xf32, #tpu.memory_space<vmem>>, %arg7: memref<1x512x128xf32, #tpu.memory_space<vmem>>, %arg8: memref<1x512x128xf32, #tpu.memory_space<vmem>>, %arg9: memref<1x512x128xi32, #tpu.memory_space<vmem>>, %arg10: memref<1x512x128xf32, #tpu.memory_space<vmem>>, %arg11: memref<1x512x128xf32, #tpu.memory_space<vmem>>, %arg12: memref<1x512x128xf32, #tpu.memory_space<vmem>>, %arg13: memref<1x512x128xf32, #tpu.memory_space<vmem>>) attributes {dimension_semantics = [#tpu.dimension_semantics<arbitrary>], iteration_bounds = array<i64: 2>, scalar_prefetch = 0 : i64, scratch_operands = 0 : i64, tpu.core_type = #tpu.core_type<tc>, window_params = [{transform_indices = @transform_0, window_bounds = array<i64: 1, 512, 128>}, {transform_indices = @transform_1, window_bounds = array<i64: 1, 512, 128>}, {transform_indices = @transform_2, window_bounds = array<i64: 1, 512, 128>}, {transform_indices = @transform_3, window_bounds = array<i64: 1, 512, 128>}, {transform_indices = @transform_4, window_bounds = array<i64: 1, 512, 128>}, {transform_indices = @transform_5, window_bounds = array<i64: 1, 512, 128>}, {transform_indices = @transform_6, window_bounds = array<i64: 1, 512, 128>}, {transform_indices = @transform_7, window_bounds = array<i64: 1, 512, 128>}, {transform_indices = @transform_8, window_bounds = array<i64: 1, 512, 128>}, {transform_indices = @transform_9, window_bounds = array<i64: 1, 512, 128>}, {transform_indices = @transform_10, window_bounds = array<i64: 1, 512, 128>}, {transform_indices = @transform_11, window_bounds = array<i64: 1, 512, 128>}, {transform_indices = @transform_12, window_bounds = array<i64: 1, 512, 128>}]} {
    %iota3A = tpu.iota {dimensions = array<i32: 1>} : vector<1x512x128xi32>
    %iota3A_0 = tpu.iota {dimensions = array<i32: 2>} : vector<1x512x128xi32>
    %and3A = arith.constant 63 : i32
    %and3A_1 = vector.broadcast %and3A : i32 to vector<1x512x128xi32>
    %and3A_2 = arith.andi %iota3A, %and3A_1 : vector<1x512x128xi32>
    %mul3A = arith.constant 128 : i32
    %mul3A_3 = vector.broadcast %mul3A : i32 to vector<1x512x128xi32>
    %mul3A_4 = arith.muli %and3A_2, %mul3A_3 : vector<1x512x128xi32>
    %add3A = arith.addi %mul3A_4, %iota3A_0 : vector<1x512x128xi32>
    %get3A = arith.constant 0 : index
    %get3A_5 = arith.constant 0 : index
    %get3A_6 = arith.constant 0 : index
    %get3A_7 = vector.load %arg1[%get3A, %get3A_5, %get3A_6] : memref<1x512x128xf32, #tpu.memory_space<vmem>>, vector<1x512x128xf32>
    %bitcast_convert_type3A = tpu.bitcast %get3A_7 : vector<1x512x128xf32> -> vector<1x512x128xi32>
    %get3A_8 = arith.constant 0 : index
    %get3A_9 = arith.constant 0 : index
    %get3A_10 = arith.constant 0 : index
    %get3A_11 = vector.load %arg6[%get3A_8, %get3A_9, %get3A_10] : memref<1x512x128xf32, #tpu.memory_space<vmem>>, vector<1x512x128xf32>
    %get3A_12 = arith.constant 0 : index
    %get3A_13 = arith.constant 0 : index
    %get3A_14 = arith.constant 0 : index
    %get3A_15 = vector.load %arg7[%get3A_12, %get3A_13, %get3A_14] : memref<1x512x128xf32, #tpu.memory_space<vmem>>, vector<1x512x128xf32>
    %get3A_16 = arith.constant 0 : index
    %get3A_17 = arith.constant 0 : index
    %get3A_18 = arith.constant 0 : index
    %get3A_19 = vector.load %arg2[%get3A_16, %get3A_17, %get3A_18] : memref<1x512x128xf32, #tpu.memory_space<vmem>>, vector<1x512x128xf32>
    %get3A_20 = arith.constant 0 : index
    %get3A_21 = arith.constant 0 : index
    %get3A_22 = arith.constant 0 : index
    %get3A_23 = vector.load %arg3[%get3A_20, %get3A_21, %get3A_22] : memref<1x512x128xf32, #tpu.memory_space<vmem>>, vector<1x512x128xf32>
    %get3A_24 = arith.constant 0 : index
    %get3A_25 = arith.constant 0 : index
    %get3A_26 = arith.constant 0 : index
    %get3A_27 = vector.load %arg4[%get3A_24, %get3A_25, %get3A_26] : memref<1x512x128xf32, #tpu.memory_space<vmem>>, vector<1x512x128xf32>
    %get3A_28 = arith.constant 0 : index
    %get3A_29 = arith.constant 0 : index
    %get3A_30 = arith.constant 0 : index
    %get3A_31 = vector.load %arg5[%get3A_28, %get3A_29, %get3A_30] : memref<1x512x128xf32, #tpu.memory_space<vmem>>, vector<1x512x128xf32>
    %mul3A_32 = arith.constant 5.000000e-01 : f32
    %mul3A_33 = vector.broadcast %mul3A_32 : f32 to vector<1x512x128xf32>
    %mul3A_34 = arith.mulf %mul3A_33, %get3A_27 : vector<1x512x128xf32>
    %sub3A = arith.subf %get3A_19, %mul3A_34 : vector<1x512x128xf32>
    %mul3A_35 = arith.mulf %sub3A, %get3A_11 : vector<1x512x128xf32>
    %swap3A = arith.constant 0 : index
    %swap3A_36 = arith.constant 0 : index
    %swap3A_37 = arith.constant 0 : index
    %swap3A_38 = vector.load %arg10[%swap3A, %swap3A_36, %swap3A_37] : memref<1x512x128xf32, #tpu.memory_space<vmem>>, vector<1x512x128xf32>
    tpu.vector_store %arg10[%swap3A, %swap3A_36, %swap3A_37], %mul3A_35 {strides = array<i32>} : memref<1x512x128xf32, #tpu.memory_space<vmem>>, vector<1x512x128xf32>,
    %mul3A_39 = arith.constant 5.000000e-01 : f32
    %mul3A_40 = vector.broadcast %mul3A_39 : f32 to vector<1x512x128xf32>
    %mul3A_41 = arith.mulf %mul3A_40, %get3A_31 : vector<1x512x128xf32>
    %sub3A_42 = arith.subf %get3A_23, %mul3A_41 : vector<1x512x128xf32>
    %mul3A_43 = arith.mulf %sub3A_42, %get3A_15 : vector<1x512x128xf32>
    %swap3A_44 = arith.constant 0 : index
    %swap3A_45 = arith.constant 0 : index
    %swap3A_46 = arith.constant 0 : index
    %swap3A_47 = vector.load %arg11[%swap3A_44, %swap3A_45, %swap3A_46] : memref<1x512x128xf32, #tpu.memory_space<vmem>>, vector<1x512x128xf32>
    tpu.vector_store %arg11[%swap3A_44, %swap3A_45, %swap3A_46], %mul3A_43 {strides = array<i32>} : memref<1x512x128xf32, #tpu.memory_space<vmem>>, vector<1x512x128xf32>,
    %mul3A_48 = arith.constant 5.000000e-01 : f32
    %mul3A_49 = vector.broadcast %mul3A_48 : f32 to vector<1x512x128xf32>
    %mul3A_50 = arith.mulf %mul3A_49, %get3A_27 : vector<1x512x128xf32>
    %add3A_51 = arith.addf %get3A_19, %mul3A_50 : vector<1x512x128xf32>
    %mul3A_52 = arith.mulf %add3A_51, %get3A_11 : vector<1x512x128xf32>
    %swap3A_53 = arith.constant 0 : index
    %swap3A_54 = arith.constant 0 : index
    %swap3A_55 = arith.constant 0 : index
    %swap3A_56 = vector.load %arg12[%swap3A_53, %swap3A_54, %swap3A_55] : memref<1x512x128xf32, #tpu.memory_space<vmem>>, vector<1x512x128xf32>
    tpu.vector_store %arg12[%swap3A_53, %swap3A_54, %swap3A_55], %mul3A_52 {strides = array<i32>} : memref<1x512x128xf32, #tpu.memory_space<vmem>>, vector<1x512x128xf32>,
    %mul3A_57 = arith.constant 5.000000e-01 : f32
    %mul3A_58 = vector.broadcast %mul3A_57 : f32 to vector<1x512x128xf32>
    %mul3A_59 = arith.mulf %mul3A_58, %get3A_31 : vector<1x512x128xf32>
    %add3A_60 = arith.addf %get3A_23, %mul3A_59 : vector<1x512x128xf32>
    %mul3A_61 = arith.mulf %add3A_60, %get3A_15 : vector<1x512x128xf32>
    %swap3A_62 = arith.constant 0 : index
    %swap3A_63 = arith.constant 0 : index
    %swap3A_64 = arith.constant 0 : index
    %swap3A_65 = vector.load %arg13[%swap3A_62, %swap3A_63, %swap3A_64] : memref<1x512x128xf32, #tpu.memory_space<vmem>>, vector<1x512x128xf32>
    tpu.vector_store %arg13[%swap3A_62, %swap3A_63, %swap3A_64], %mul3A_61 {strides = array<i32>} : memref<1x512x128xf32, #tpu.memory_space<vmem>>, vector<1x512x128xf32>,
    %and3A_66 = arith.constant 2 : i32
    %and3A_67 = vector.broadcast %and3A_66 : i32 to vector<1x512x128xi32>
    %and3A_68 = arith.andi %add3A, %and3A_67 : vector<1x512x128xi32>
    %ne3A = arith.constant 0 : i32
    %ne3A_69 = vector.broadcast %ne3A : i32 to vector<1x512x128xi32>
    %ne3A_70 = arith.cmpi ne, %and3A_68, %ne3A_69 : vector<1x512x128xi32>
    %and3A_71 = arith.constant 1 : i32
    %and3A_72 = vector.broadcast %and3A_71 : i32 to vector<1x512x128xi32>
    %and3A_73 = arith.andi %iota3A_0, %and3A_72 : vector<1x512x128xi32>
    %ne3A_74 = arith.constant 0 : i32
    %ne3A_75 = vector.broadcast %ne3A_74 : i32 to vector<1x512x128xi32>
    %ne3A_76 = arith.cmpi ne, %and3A_73, %ne3A_75 : vector<1x512x128xi32>
    %roll3A = arith.constant 1 : i32
    %roll3A_77 = tpu.dynamic_rotate %bitcast_convert_type3A by %roll3A dim 2 : vector<1x512x128xi32>, i32 -> vector<1x512x128xi32>
    %roll3A_78 = arith.constant 127 : i32
    %roll3A_79 = tpu.dynamic_rotate %bitcast_convert_type3A by %roll3A_78 dim 2 : vector<1x512x128xi32>, i32 -> vector<1x512x128xi32>
    %select_n3A = arith.select %ne3A_76, %roll3A_77, %roll3A_79 : vector<1x512x128xi1>, vector<1x512x128xi32>
    %roll3A_80 = arith.constant 1 : i32
    %roll3A_81 = tpu.dynamic_rotate %add3A by %roll3A_80 dim 2 : vector<1x512x128xi32>, i32 -> vector<1x512x128xi32>
    %roll3A_82 = arith.constant 127 : i32
    %roll3A_83 = tpu.dynamic_rotate %add3A by %roll3A_82 dim 2 : vector<1x512x128xi32>, i32 -> vector<1x512x128xi32>
    %select_n3A_84 = arith.select %ne3A_76, %roll3A_81, %roll3A_83 : vector<1x512x128xi1>, vector<1x512x128xi32>
    %xor3A = arith.xori %ne3A_76, %ne3A_70 : vector<1x512x128xi1>
    %gt3A = arith.cmpi sgt, %bitcast_convert_type3A, %select_n3A : vector<1x512x128xi32>
    %eq3A = arith.cmpi eq, %bitcast_convert_type3A, %select_n3A : vector<1x512x128xi32>
    %lt3A = arith.cmpi slt, %add3A, %select_n3A_84 : vector<1x512x128xi32>
    %and3A_85 = arith.andi %eq3A, %lt3A : vector<1x512x128xi1>
    %or3A = arith.ori %gt3A, %and3A_85 : vector<1x512x128xi1>
    %xor3A_86 = arith.xori %or3A, %xor3A : vector<1x512x128xi1>
    %select_n3A_87 = arith.select %xor3A_86, %bitcast_convert_type3A, %select_n3A : vector<1x512x128xi1>, vector<1x512x128xi32>
    %select_n3A_88 = arith.select %xor3A_86, %add3A, %select_n3A_84 : vector<1x512x128xi1>, vector<1x512x128xi32>
    %and3A_89 = arith.constant 4 : i32
    %and3A_90 = vector.broadcast %and3A_89 : i32 to vector<1x512x128xi32>
    %and3A_91 = arith.andi %add3A, %and3A_90 : vector<1x512x128xi32>
    %ne3A_92 = arith.constant 0 : i32
    %ne3A_93 = vector.broadcast %ne3A_92 : i32 to vector<1x512x128xi32>
    %ne3A_94 = arith.cmpi ne, %and3A_91, %ne3A_93 : vector<1x512x128xi32>
    %and3A_95 = arith.constant 2 : i32
    %and3A_96 = vector.broadcast %and3A_95 : i32 to vector<1x512x128xi32>
    %and3A_97 = arith.andi %iota3A_0, %and3A_96 : vector<1x512x128xi32>
    %ne3A_98 = arith.constant 0 : i32
    %ne3A_99 = vector.broadcast %ne3A_98 : i32 to vector<1x512x128xi32>
    %ne3A_100 = arith.cmpi ne, %and3A_97, %ne3A_99 : vector<1x512x128xi32>
    %roll3A_101 = arith.constant 2 : i32
    %roll3A_102 = tpu.dynamic_rotate %select_n3A_87 by %roll3A_101 dim 2 : vector<1x512x128xi32>, i32 -> vector<1x512x128xi32>
    %roll3A_103 = arith.constant 126 : i32
    %roll3A_104 = tpu.dynamic_rotate %select_n3A_87 by %roll3A_103 dim 2 : vector<1x512x128xi32>, i32 -> vector<1x512x128xi32>
    %select_n3A_105 = arith.select %ne3A_100, %roll3A_102, %roll3A_104 : vector<1x512x128xi1>, vector<1x512x128xi32>
    %roll3A_106 = arith.constant 2 : i32
    %roll3A_107 = tpu.dynamic_rotate %select_n3A_88 by %roll3A_106 dim 2 : vector<1x512x128xi32>, i32 -> vector<1x512x128xi32>
    %roll3A_108 = arith.constant 126 : i32
    %roll3A_109 = tpu.dynamic_rotate %select_n3A_88 by %roll3A_108 dim 2 : vector<1x512x128xi32>, i32 -> vector<1x512x128xi32>
    %select_n3A_110 = arith.select %ne3A_100, %roll3A_107, %roll3A_109 : vector<1x512x128xi1>, vector<1x512x128xi32>
    %xor3A_111 = arith.xori %ne3A_100, %ne3A_94 : vector<1x512x128xi1>
    %gt3A_112 = arith.cmpi sgt, %select_n3A_87, %select_n3A_105 : vector<1x512x128xi32>
    %eq3A_113 = arith.cmpi eq, %select_n3A_87, %select_n3A_105 : vector<1x512x128xi32>
    %lt3A_114 = arith.cmpi slt, %select_n3A_88, %select_n3A_110 : vector<1x512x128xi32>
    %and3A_115 = arith.andi %eq3A_113, %lt3A_114 : vector<1x512x128xi1>
    %or3A_116 = arith.ori %gt3A_112, %and3A_115 : vector<1x512x128xi1>
    %xor3A_117 = arith.xori %or3A_116, %xor3A_111 : vector<1x512x128xi1>
    %select_n3A_118 = arith.select %xor3A_117, %select_n3A_87, %select_n3A_105 : vector<1x512x128xi1>, vector<1x512x128xi32>
    %select_n3A_119 = arith.select %xor3A_117, %select_n3A_88, %select_n3A_110 : vector<1x512x128xi1>, vector<1x512x128xi32>
    %and3A_120 = arith.constant 1 : i32
    %and3A_121 = vector.broadcast %and3A_120 : i32 to vector<1x512x128xi32>
    %and3A_122 = arith.andi %iota3A_0, %and3A_121 : vector<1x512x128xi32>
    %ne3A_123 = arith.constant 0 : i32
    %ne3A_124 = vector.broadcast %ne3A_123 : i32 to vector<1x512x128xi32>
    %ne3A_125 = arith.cmpi ne, %and3A_122, %ne3A_124 : vector<1x512x128xi32>
    %roll3A_126 = arith.constant 1 : i32
    %roll3A_127 = tpu.dynamic_rotate %select_n3A_118 by %roll3A_126 dim 2 : vector<1x512x128xi32>, i32 -> vector<1x512x128xi32>
    %roll3A_128 = arith.constant 127 : i32
    %roll3A_129 = tpu.dynamic_rotate %select_n3A_118 by %roll3A_128 dim 2 : vector<1x512x128xi32>, i32 -> vector<1x512x128xi32>
    %select_n3A_130 = arith.select %ne3A_125, %roll3A_127, %roll3A_129 : vector<1x512x128xi1>, vector<1x512x128xi32>
    %roll3A_131 = arith.constant 1 : i32
    %roll3A_132 = tpu.dynamic_rotate %select_n3A_119 by %roll3A_131 dim 2 : vector<1x512x128xi32>, i32 -> vector<1x512x128xi32>
    %roll3A_133 = arith.constant 127 : i32
    %roll3A_134 = tpu.dynamic_rotate %select_n3A_119 by %roll3A_133 dim 2 : vector<1x512x128xi32>, i32 -> vector<1x512x128xi32>
    %select_n3A_135 = arith.select %ne3A_125, %roll3A_132, %roll3A_134 : vector<1x512x128xi1>, vector<1x512x128xi32>
    %xor3A_136 = arith.xori %ne3A_125, %ne3A_94 : vector<1x512x128xi1>
    %gt3A_137 = arith.cmpi sgt, %select_n3A_118, %select_n3A_130 : vector<1x512x128xi32>
    %eq3A_138 = arith.cmpi eq, %select_n3A_118, %select_n3A_130 : vector<1x512x128xi32>
    %lt3A_139 = arith.cmpi slt, %select_n3A_119, %select_n3A_135 : vector<1x512x128xi32>
    %and3A_140 = arith.andi %eq3A_138, %lt3A_139 : vector<1x512x128xi1>
    %or3A_141 = arith.ori %gt3A_137, %and3A_140 : vector<1x512x128xi1>
    %xor3A_142 = arith.xori %or3A_141, %xor3A_136 : vector<1x512x128xi1>
    %select_n3A_143 = arith.select %xor3A_142, %select_n3A_118, %select_n3A_130 : vector<1x512x128xi1>, vector<1x512x128xi32>
    %select_n3A_144 = arith.select %xor3A_142, %select_n3A_119, %select_n3A_135 : vector<1x512x128xi1>, vector<1x512x128xi32>
    %and3A_145 = arith.constant 8 : i32
    %and3A_146 = vector.broadcast %and3A_145 : i32 to vector<1x512x128xi32>
    %and3A_147 = arith.andi %add3A, %and3A_146 : vector<1x512x128xi32>
    %ne3A_148 = arith.constant 0 : i32
    %ne3A_149 = vector.broadcast %ne3A_148 : i32 to vector<1x512x128xi32>
    %ne3A_150 = arith.cmpi ne, %and3A_147, %ne3A_149 : vector<1x512x128xi32>
    %and3A_151 = arith.constant 4 : i32
    %and3A_152 = vector.broadcast %and3A_151 : i32 to vector<1x512x128xi32>
    %and3A_153 = arith.andi %iota3A_0, %and3A_152 : vector<1x512x128xi32>
    %ne3A_154 = arith.constant 0 : i32
    %ne3A_155 = vector.broadcast %ne3A_154 : i32 to vector<1x512x128xi32>
    %ne3A_156 = arith.cmpi ne, %and3A_153, %ne3A_155 : vector<1x512x128xi32>
    %roll3A_157 = arith.constant 4 : i32
    %roll3A_158 = tpu.dynamic_rotate %select_n3A_143 by %roll3A_157 dim 2 : vector<1x512x128xi32>, i32 -> vector<1x512x128xi32>
    %roll3A_159 = arith.constant 124 : i32
    %roll3A_160 = tpu.dynamic_rotate %select_n3A_143 by %roll3A_159 dim 2 : vector<1x512x128xi32>, i32 -> vector<1x512x128xi32>
    %select_n3A_161 = arith.select %ne3A_156, %roll3A_158, %roll3A_160 : vector<1x512x128xi1>, vector<1x512x128xi32>
    %roll3A_162 = arith.constant 4 : i32
    %roll3A_163 = tpu.dynamic_rotate %select_n3A_144 by %roll3A_162 dim 2 : vector<1x512x128xi32>, i32 -> vector<1x512x128xi32>
    %roll3A_164 = arith.constant 124 : i32
    %roll3A_165 = tpu.dynamic_rotate %select_n3A_144 by %roll3A_164 dim 2 : vector<1x512x128xi32>, i32 -> vector<1x512x128xi32>
    %select_n3A_166 = arith.select %ne3A_156, %roll3A_163, %roll3A_165 : vector<1x512x128xi1>, vector<1x512x128xi32>
    %xor3A_167 = arith.xori %ne3A_156, %ne3A_150 : vector<1x512x128xi1>
    %gt3A_168 = arith.cmpi sgt, %select_n3A_143, %select_n3A_161 : vector<1x512x128xi32>
    %eq3A_169 = arith.cmpi eq, %select_n3A_143, %select_n3A_161 : vector<1x512x128xi32>
    %lt3A_170 = arith.cmpi slt, %select_n3A_144, %select_n3A_166 : vector<1x512x128xi32>
    %and3A_171 = arith.andi %eq3A_169, %lt3A_170 : vector<1x512x128xi1>
    %or3A_172 = arith.ori %gt3A_168, %and3A_171 : vector<1x512x128xi1>
    %xor3A_173 = arith.xori %or3A_172, %xor3A_167 : vector<1x512x128xi1>
    %select_n3A_174 = arith.select %xor3A_173, %select_n3A_143, %select_n3A_161 : vector<1x512x128xi1>, vector<1x512x128xi32>
    %select_n3A_175 = arith.select %xor3A_173, %select_n3A_144, %select_n3A_166 : vector<1x512x128xi1>, vector<1x512x128xi32>
    %and3A_176 = arith.constant 2 : i32
    %and3A_177 = vector.broadcast %and3A_176 : i32 to vector<1x512x128xi32>
    %and3A_178 = arith.andi %iota3A_0, %and3A_177 : vector<1x512x128xi32>
    %ne3A_179 = arith.constant 0 : i32
    %ne3A_180 = vector.broadcast %ne3A_179 : i32 to vector<1x512x128xi32>
    %ne3A_181 = arith.cmpi ne, %and3A_178, %ne3A_180 : vector<1x512x128xi32>
    %roll3A_182 = arith.constant 2 : i32
    %roll3A_183 = tpu.dynamic_rotate %select_n3A_174 by %roll3A_182 dim 2 : vector<1x512x128xi32>, i32 -> vector<1x512x128xi32>
    %roll3A_184 = arith.constant 126 : i32
    %roll3A_185 = tpu.dynamic_rotate %select_n3A_174 by %roll3A_184 dim 2 : vector<1x512x128xi32>, i32 -> vector<1x512x128xi32>
    %select_n3A_186 = arith.select %ne3A_181, %roll3A_183, %roll3A_185 : vector<1x512x128xi1>, vector<1x512x128xi32>
    %roll3A_187 = arith.constant 2 : i32
    %roll3A_188 = tpu.dynamic_rotate %select_n3A_175 by %roll3A_187 dim 2 : vector<1x512x128xi32>, i32 -> vector<1x512x128xi32>
    %roll3A_189 = arith.constant 126 : i32
    %roll3A_190 = tpu.dynamic_rotate %select_n3A_175 by %roll3A_189 dim 2 : vector<1x512x128xi32>, i32 -> vector<1x512x128xi32>
    %select_n3A_191 = arith.select %ne3A_181, %roll3A_188, %roll3A_190 : vector<1x512x128xi1>, vector<1x512x128xi32>
    %xor3A_192 = arith.xori %ne3A_181, %ne3A_150 : vector<1x512x128xi1>
    %gt3A_193 = arith.cmpi sgt, %select_n3A_174, %select_n3A_186 : vector<1x512x128xi32>
    %eq3A_194 = arith.cmpi eq, %select_n3A_174, %select_n3A_186 : vector<1x512x128xi32>
    %lt3A_195 = arith.cmpi slt, %select_n3A_175, %select_n3A_191 : vector<1x512x128xi32>
    %and3A_196 = arith.andi %eq3A_194, %lt3A_195 : vector<1x512x128xi1>
    %or3A_197 = arith.ori %gt3A_193, %and3A_196 : vector<1x512x128xi1>
    %xor3A_198 = arith.xori %or3A_197, %xor3A_192 : vector<1x512x128xi1>
    %select_n3A_199 = arith.select %xor3A_198, %select_n3A_174, %select_n3A_186 : vector<1x512x128xi1>, vector<1x512x128xi32>
    %select_n3A_200 = arith.select %xor3A_198, %select_n3A_175, %select_n3A_191 : vector<1x512x128xi1>, vector<1x512x128xi32>
    %and3A_201 = arith.constant 1 : i32
    %and3A_202 = vector.broadcast %and3A_201 : i32 to vector<1x512x128xi32>
    %and3A_203 = arith.andi %iota3A_0, %and3A_202 : vector<1x512x128xi32>
    %ne3A_204 = arith.constant 0 : i32
    %ne3A_205 = vector.broadcast %ne3A_204 : i32 to vector<1x512x128xi32>
    %ne3A_206 = arith.cmpi ne, %and3A_203, %ne3A_205 : vector<1x512x128xi32>
    %roll3A_207 = arith.constant 1 : i32
    %roll3A_208 = tpu.dynamic_rotate %select_n3A_199 by %roll3A_207 dim 2 : vector<1x512x128xi32>, i32 -> vector<1x512x128xi32>
    %roll3A_209 = arith.constant 127 : i32
    %roll3A_210 = tpu.dynamic_rotate %select_n3A_199 by %roll3A_209 dim 2 : vector<1x512x128xi32>, i32 -> vector<1x512x128xi32>
    %select_n3A_211 = arith.select %ne3A_206, %roll3A_208, %roll3A_210 : vector<1x512x128xi1>, vector<1x512x128xi32>
    %roll3A_212 = arith.constant 1 : i32
    %roll3A_213 = tpu.dynamic_rotate %select_n3A_200 by %roll3A_212 dim 2 : vector<1x512x128xi32>, i32 -> vector<1x512x128xi32>
    %roll3A_214 = arith.constant 127 : i32
    %roll3A_215 = tpu.dynamic_rotate %select_n3A_200 by %roll3A_214 dim 2 : vector<1x512x128xi32>, i32 -> vector<1x512x128xi32>
    %select_n3A_216 = arith.select %ne3A_206, %roll3A_213, %roll3A_215 : vector<1x512x128xi1>, vector<1x512x128xi32>
    %xor3A_217 = arith.xori %ne3A_206, %ne3A_150 : vector<1x512x128xi1>
    %gt3A_218 = arith.cmpi sgt, %select_n3A_199, %select_n3A_211 : vector<1x512x128xi32>
    %eq3A_219 = arith.cmpi eq, %select_n3A_199, %select_n3A_211 : vector<1x512x128xi32>
    %lt3A_220 = arith.cmpi slt, %select_n3A_200, %select_n3A_216 : vector<1x512x128xi32>
    %and3A_221 = arith.andi %eq3A_219, %lt3A_220 : vector<1x512x128xi1>
    %or3A_222 = arith.ori %gt3A_218, %and3A_221 : vector<1x512x128xi1>
    %xor3A_223 = arith.xori %or3A_222, %xor3A_217 : vector<1x512x128xi1>
    %select_n3A_224 = arith.select %xor3A_223, %select_n3A_199, %select_n3A_211 : vector<1x512x128xi1>, vector<1x512x128xi32>
    %select_n3A_225 = arith.select %xor3A_223, %select_n3A_200, %select_n3A_216 : vector<1x512x128xi1>, vector<1x512x128xi32>
    %and3A_226 = arith.constant 16 : i32
    %and3A_227 = vector.broadcast %and3A_226 : i32 to vector<1x512x128xi32>
    %and3A_228 = arith.andi %add3A, %and3A_227 : vector<1x512x128xi32>
    %ne3A_229 = arith.constant 0 : i32
    %ne3A_230 = vector.broadcast %ne3A_229 : i32 to vector<1x512x128xi32>
    %ne3A_231 = arith.cmpi ne, %and3A_228, %ne3A_230 : vector<1x512x128xi32>
    %and3A_232 = arith.constant 8 : i32
    %and3A_233 = vector.broadcast %and3A_232 : i32 to vector<1x512x128xi32>
    %and3A_234 = arith.andi %iota3A_0, %and3A_233 : vector<1x512x128xi32>
    %ne3A_235 = arith.constant 0 : i32
    %ne3A_236 = vector.broadcast %ne3A_235 : i32 to vector<1x512x128xi32>
    %ne3A_237 = arith.cmpi ne, %and3A_234, %ne3A_236 : vector<1x512x128xi32>
    %roll3A_238 = arith.constant 8 : i32
    %roll3A_239 = tpu.dynamic_rotate %select_n3A_224 by %roll3A_238 dim 2 : vector<1x512x128xi32>, i32 -> vector<1x512x128xi32>
    %roll3A_240 = arith.constant 120 : i32
    %roll3A_241 = tpu.dynamic_rotate %select_n3A_224 by %roll3A_240 dim 2 : vector<1x512x128xi32>, i32 -> vector<1x512x128xi32>
    %select_n3A_242 = arith.select %ne3A_237, %roll3A_239, %roll3A_241 : vector<1x512x128xi1>, vector<1x512x128xi32>
    %roll3A_243 = arith.constant 8 : i32
    %roll3A_244 = tpu.dynamic_rotate %select_n3A_225 by %roll3A_243 dim 2 : vector<1x512x128xi32>, i32 -> vector<1x512x128xi32>
    %roll3A_245 = arith.constant 120 : i32
    %roll3A_246 = tpu.dynamic_rotate %select_n3A_225 by %roll3A_245 dim 2 : vector<1x512x128xi32>, i32 -> vector<1x512x128xi32>
    %select_n3A_247 = arith.select %ne3A_237, %roll3A_244, %roll3A_246 : vector<1x512x128xi1>, vector<1x512x128xi32>
    %xor3A_248 = arith.xori %ne3A_237, %ne3A_231 : vector<1x512x128xi1>
    %gt3A_249 = arith.cmpi sgt, %select_n3A_224, %select_n3A_242 : vector<1x512x128xi32>
    %eq3A_250 = arith.cmpi eq, %select_n3A_224, %select_n3A_242 : vector<1x512x128xi32>
    %lt3A_251 = arith.cmpi slt, %select_n3A_225, %select_n3A_247 : vector<1x512x128xi32>
    %and3A_252 = arith.andi %eq3A_250, %lt3A_251 : vector<1x512x128xi1>
    %or3A_253 = arith.ori %gt3A_249, %and3A_252 : vector<1x512x128xi1>
    %xor3A_254 = arith.xori %or3A_253, %xor3A_248 : vector<1x512x128xi1>
    %select_n3A_255 = arith.select %xor3A_254, %select_n3A_224, %select_n3A_242 : vector<1x512x128xi1>, vector<1x512x128xi32>
    %select_n3A_256 = arith.select %xor3A_254, %select_n3A_225, %select_n3A_247 : vector<1x512x128xi1>, vector<1x512x128xi32>
    %and3A_257 = arith.constant 4 : i32
    %and3A_258 = vector.broadcast %and3A_257 : i32 to vector<1x512x128xi32>
    %and3A_259 = arith.andi %iota3A_0, %and3A_258 : vector<1x512x128xi32>
    %ne3A_260 = arith.constant 0 : i32
    %ne3A_261 = vector.broadcast %ne3A_260 : i32 to vector<1x512x128xi32>
    %ne3A_262 = arith.cmpi ne, %and3A_259, %ne3A_261 : vector<1x512x128xi32>
    %roll3A_263 = arith.constant 4 : i32
    %roll3A_264 = tpu.dynamic_rotate %select_n3A_255 by %roll3A_263 dim 2 : vector<1x512x128xi32>, i32 -> vector<1x512x128xi32>
    %roll3A_265 = arith.constant 124 : i32
    %roll3A_266 = tpu.dynamic_rotate %select_n3A_255 by %roll3A_265 dim 2 : vector<1x512x128xi32>, i32 -> vector<1x512x128xi32>
    %select_n3A_267 = arith.select %ne3A_262, %roll3A_264, %roll3A_266 : vector<1x512x128xi1>, vector<1x512x128xi32>
    %roll3A_268 = arith.constant 4 : i32
    %roll3A_269 = tpu.dynamic_rotate %select_n3A_256 by %roll3A_268 dim 2 : vector<1x512x128xi32>, i32 -> vector<1x512x128xi32>
    %roll3A_270 = arith.constant 124 : i32
    %roll3A_271 = tpu.dynamic_rotate %select_n3A_256 by %roll3A_270 dim 2 : vector<1x512x128xi32>, i32 -> vector<1x512x128xi32>
    %select_n3A_272 = arith.select %ne3A_262, %roll3A_269, %roll3A_271 : vector<1x512x128xi1>, vector<1x512x128xi32>
    %xor3A_273 = arith.xori %ne3A_262, %ne3A_231 : vector<1x512x128xi1>
    %gt3A_274 = arith.cmpi sgt, %select_n3A_255, %select_n3A_267 : vector<1x512x128xi32>
    %eq3A_275 = arith.cmpi eq, %select_n3A_255, %select_n3A_267 : vector<1x512x128xi32>
    %lt3A_276 = arith.cmpi slt, %select_n3A_256, %select_n3A_272 : vector<1x512x128xi32>
    %and3A_277 = arith.andi %eq3A_275, %lt3A_276 : vector<1x512x128xi1>
    %or3A_278 = arith.ori %gt3A_274, %and3A_277 : vector<1x512x128xi1>
    %xor3A_279 = arith.xori %or3A_278, %xor3A_273 : vector<1x512x128xi1>
    %select_n3A_280 = arith.select %xor3A_279, %select_n3A_255, %select_n3A_267 : vector<1x512x128xi1>, vector<1x512x128xi32>
    %select_n3A_281 = arith.select %xor3A_279, %select_n3A_256, %select_n3A_272 : vector<1x512x128xi1>, vector<1x512x128xi32>
    %and3A_282 = arith.constant 2 : i32
    %and3A_283 = vector.broadcast %and3A_282 : i32 to vector<1x512x128xi32>
    %and3A_284 = arith.andi %iota3A_0, %and3A_283 : vector<1x512x128xi32>
    %ne3A_285 = arith.constant 0 : i32
    %ne3A_286 = vector.broadcast %ne3A_285 : i32 to vector<1x512x128xi32>
    %ne3A_287 = arith.cmpi ne, %and3A_284, %ne3A_286 : vector<1x512x128xi32>
    %roll3A_288 = arith.constant 2 : i32
    %roll3A_289 = tpu.dynamic_rotate %select_n3A_280 by %roll3A_288 dim 2 : vector<1x512x128xi32>, i32 -> vector<1x512x128xi32>
    %roll3A_290 = arith.constant 126 : i32
    %roll3A_291 = tpu.dynamic_rotate %select_n3A_280 by %roll3A_290 dim 2 : vector<1x512x128xi32>, i32 -> vector<1x512x128xi32>
    %select_n3A_292 = arith.select %ne3A_287, %roll3A_289, %roll3A_291 : vector<1x512x128xi1>, vector<1x512x128xi32>
    %roll3A_293 = arith.constant 2 : i32
    %roll3A_294 = tpu.dynamic_rotate %select_n3A_281 by %roll3A_293 dim 2 : vector<1x512x128xi32>, i32 -> vector<1x512x128xi32>
    %roll3A_295 = arith.constant 126 : i32
    %roll3A_296 = tpu.dynamic_rotate %select_n3A_281 by %roll3A_295 dim 2 : vector<1x512x128xi32>, i32 -> vector<1x512x128xi32>
    %select_n3A_297 = arith.select %ne3A_287, %roll3A_294, %roll3A_296 : vector<1x512x128xi1>, vector<1x512x128xi32>
    %xor3A_298 = arith.xori %ne3A_287, %ne3A_231 : vector<1x512x128xi1>
    %gt3A_299 = arith.cmpi sgt, %select_n3A_280, %select_n3A_292 : vector<1x512x128xi32>
    %eq3A_300 = arith.cmpi eq, %select_n3A_280, %select_n3A_292 : vector<1x512x128xi32>
    %lt3A_301 = arith.cmpi slt, %select_n3A_281, %select_n3A_297 : vector<1x512x128xi32>
    %and3A_302 = arith.andi %eq3A_300, %lt3A_301 : vector<1x512x128xi1>
    %or3A_303 = arith.ori %gt3A_299, %and3A_302 : vector<1x512x128xi1>
    %xor3A_304 = arith.xori %or3A_303, %xor3A_298 : vector<1x512x128xi1>
    %select_n3A_305 = arith.select %xor3A_304, %select_n3A_280, %select_n3A_292 : vector<1x512x128xi1>, vector<1x512x128xi32>
    %select_n3A_306 = arith.select %xor3A_304, %select_n3A_281, %select_n3A_297 : vector<1x512x128xi1>, vector<1x512x128xi32>
    %and3A_307 = arith.constant 1 : i32
    %and3A_308 = vector.broadcast %and3A_307 : i32 to vector<1x512x128xi32>
    %and3A_309 = arith.andi %iota3A_0, %and3A_308 : vector<1x512x128xi32>
    %ne3A_310 = arith.constant 0 : i32
    %ne3A_311 = vector.broadcast %ne3A_310 : i32 to vector<1x512x128xi32>
    %ne3A_312 = arith.cmpi ne, %and3A_309, %ne3A_311 : vector<1x512x128xi32>
    %roll3A_313 = arith.constant 1 : i32
    %roll3A_314 = tpu.dynamic_rotate %select_n3A_305 by %roll3A_313 dim 2 : vector<1x512x128xi32>, i32 -> vector<1x512x128xi32>
    %roll3A_315 = arith.constant 127 : i32
    %roll3A_316 = tpu.dynamic_rotate %select_n3A_305 by %roll3A_315 dim 2 : vector<1x512x128xi32>, i32 -> vector<1x512x128xi32>
    %select_n3A_317 = arith.select %ne3A_312, %roll3A_314, %roll3A_316 : vector<1x512x128xi1>, vector<1x512x128xi32>
    %roll3A_318 = arith.constant 1 : i32
    %roll3A_319 = tpu.dynamic_rotate %select_n3A_306 by %roll3A_318 dim 2 : vector<1x512x128xi32>, i32 -> vector<1x512x128xi32>
    %roll3A_320 = arith.constant 127 : i32
    %roll3A_321 = tpu.dynamic_rotate %select_n3A_306 by %roll3A_320 dim 2 : vector<1x512x128xi32>, i32 -> vector<1x512x128xi32>
    %select_n3A_322 = arith.select %ne3A_312, %roll3A_319, %roll3A_321 : vector<1x512x128xi1>, vector<1x512x128xi32>
    %xor3A_323 = arith.xori %ne3A_312, %ne3A_231 : vector<1x512x128xi1>
    %gt3A_324 = arith.cmpi sgt, %select_n3A_305, %select_n3A_317 : vector<1x512x128xi32>
    %eq3A_325 = arith.cmpi eq, %select_n3A_305, %select_n3A_317 : vector<1x512x128xi32>
    %lt3A_326 = arith.cmpi slt, %select_n3A_306, %select_n3A_322 : vector<1x512x128xi32>
    %and3A_327 = arith.andi %eq3A_325, %lt3A_326 : vector<1x512x128xi1>
    %or3A_328 = arith.ori %gt3A_324, %and3A_327 : vector<1x512x128xi1>
    %xor3A_329 = arith.xori %or3A_328, %xor3A_323 : vector<1x512x128xi1>
    %select_n3A_330 = arith.select %xor3A_329, %select_n3A_305, %select_n3A_317 : vector<1x512x128xi1>, vector<1x512x128xi32>
    %select_n3A_331 = arith.select %xor3A_329, %select_n3A_306, %select_n3A_322 : vector<1x512x128xi1>, vector<1x512x128xi32>
    %and3A_332 = arith.constant 32 : i32
    %and3A_333 = vector.broadcast %and3A_332 : i32 to vector<1x512x128xi32>
    %and3A_334 = arith.andi %add3A, %and3A_333 : vector<1x512x128xi32>
    %ne3A_335 = arith.constant 0 : i32
    %ne3A_336 = vector.broadcast %ne3A_335 : i32 to vector<1x512x128xi32>
    %ne3A_337 = arith.cmpi ne, %and3A_334, %ne3A_336 : vector<1x512x128xi32>
    %and3A_338 = arith.constant 16 : i32
    %and3A_339 = vector.broadcast %and3A_338 : i32 to vector<1x512x128xi32>
    %and3A_340 = arith.andi %iota3A_0, %and3A_339 : vector<1x512x128xi32>
    %ne3A_341 = arith.constant 0 : i32
    %ne3A_342 = vector.broadcast %ne3A_341 : i32 to vector<1x512x128xi32>
    %ne3A_343 = arith.cmpi ne, %and3A_340, %ne3A_342 : vector<1x512x128xi32>
    %roll3A_344 = arith.constant 16 : i32
    %roll3A_345 = tpu.dynamic_rotate %select_n3A_330 by %roll3A_344 dim 2 : vector<1x512x128xi32>, i32 -> vector<1x512x128xi32>
    %roll3A_346 = arith.constant 112 : i32
    %roll3A_347 = tpu.dynamic_rotate %select_n3A_330 by %roll3A_346 dim 2 : vector<1x512x128xi32>, i32 -> vector<1x512x128xi32>
    %select_n3A_348 = arith.select %ne3A_343, %roll3A_345, %roll3A_347 : vector<1x512x128xi1>, vector<1x512x128xi32>
    %roll3A_349 = arith.constant 16 : i32
    %roll3A_350 = tpu.dynamic_rotate %select_n3A_331 by %roll3A_349 dim 2 : vector<1x512x128xi32>, i32 -> vector<1x512x128xi32>
    %roll3A_351 = arith.constant 112 : i32
    %roll3A_352 = tpu.dynamic_rotate %select_n3A_331 by %roll3A_351 dim 2 : vector<1x512x128xi32>, i32 -> vector<1x512x128xi32>
    %select_n3A_353 = arith.select %ne3A_343, %roll3A_350, %roll3A_352 : vector<1x512x128xi1>, vector<1x512x128xi32>
    %xor3A_354 = arith.xori %ne3A_343, %ne3A_337 : vector<1x512x128xi1>
    %gt3A_355 = arith.cmpi sgt, %select_n3A_330, %select_n3A_348 : vector<1x512x128xi32>
    %eq3A_356 = arith.cmpi eq, %select_n3A_330, %select_n3A_348 : vector<1x512x128xi32>
    %lt3A_357 = arith.cmpi slt, %select_n3A_331, %select_n3A_353 : vector<1x512x128xi32>
    %and3A_358 = arith.andi %eq3A_356, %lt3A_357 : vector<1x512x128xi1>
    %or3A_359 = arith.ori %gt3A_355, %and3A_358 : vector<1x512x128xi1>
    %xor3A_360 = arith.xori %or3A_359, %xor3A_354 : vector<1x512x128xi1>
    %select_n3A_361 = arith.select %xor3A_360, %select_n3A_330, %select_n3A_348 : vector<1x512x128xi1>, vector<1x512x128xi32>
    %select_n3A_362 = arith.select %xor3A_360, %select_n3A_331, %select_n3A_353 : vector<1x512x128xi1>, vector<1x512x128xi32>
    %and3A_363 = arith.constant 8 : i32
    %and3A_364 = vector.broadcast %and3A_363 : i32 to vector<1x512x128xi32>
    %and3A_365 = arith.andi %iota3A_0, %and3A_364 : vector<1x512x128xi32>
    %ne3A_366 = arith.constant 0 : i32
    %ne3A_367 = vector.broadcast %ne3A_366 : i32 to vector<1x512x128xi32>
    %ne3A_368 = arith.cmpi ne, %and3A_365, %ne3A_367 : vector<1x512x128xi32>
    %roll3A_369 = arith.constant 8 : i32
    %roll3A_370 = tpu.dynamic_rotate %select_n3A_361 by %roll3A_369 dim 2 : vector<1x512x128xi32>, i32 -> vector<1x512x128xi32>
    %roll3A_371 = arith.constant 120 : i32
    %roll3A_372 = tpu.dynamic_rotate %select_n3A_361 by %roll3A_371 dim 2 : vector<1x512x128xi32>, i32 -> vector<1x512x128xi32>
    %select_n3A_373 = arith.select %ne3A_368, %roll3A_370, %roll3A_372 : vector<1x512x128xi1>, vector<1x512x128xi32>
    %roll3A_374 = arith.constant 8 : i32
    %roll3A_375 = tpu.dynamic_rotate %select_n3A_362 by %roll3A_374 dim 2 : vector<1x512x128xi32>, i32 -> vector<1x512x128xi32>
    %roll3A_376 = arith.constant 120 : i32
    %roll3A_377 = tpu.dynamic_rotate %select_n3A_362 by %roll3A_376 dim 2 : vector<1x512x128xi32>, i32 -> vector<1x512x128xi32>
    %select_n3A_378 = arith.select %ne3A_368, %roll3A_375, %roll3A_377 : vector<1x512x128xi1>, vector<1x512x128xi32>
    %xor3A_379 = arith.xori %ne3A_368, %ne3A_337 : vector<1x512x128xi1>
    %gt3A_380 = arith.cmpi sgt, %select_n3A_361, %select_n3A_373 : vector<1x512x128xi32>
    %eq3A_381 = arith.cmpi eq, %select_n3A_361, %select_n3A_373 : vector<1x512x128xi32>
    %lt3A_382 = arith.cmpi slt, %select_n3A_362, %select_n3A_378 : vector<1x512x128xi32>
    %and3A_383 = arith.andi %eq3A_381, %lt3A_382 : vector<1x512x128xi1>
    %or3A_384 = arith.ori %gt3A_380, %and3A_383 : vector<1x512x128xi1>
    %xor3A_385 = arith.xori %or3A_384, %xor3A_379 : vector<1x512x128xi1>
    %select_n3A_386 = arith.select %xor3A_385, %select_n3A_361, %select_n3A_373 : vector<1x512x128xi1>, vector<1x512x128xi32>
    %select_n3A_387 = arith.select %xor3A_385, %select_n3A_362, %select_n3A_378 : vector<1x512x128xi1>, vector<1x512x128xi32>
    %and3A_388 = arith.constant 4 : i32
    %and3A_389 = vector.broadcast %and3A_388 : i32 to vector<1x512x128xi32>
    %and3A_390 = arith.andi %iota3A_0, %and3A_389 : vector<1x512x128xi32>
    %ne3A_391 = arith.constant 0 : i32
    %ne3A_392 = vector.broadcast %ne3A_391 : i32 to vector<1x512x128xi32>
    %ne3A_393 = arith.cmpi ne, %and3A_390, %ne3A_392 : vector<1x512x128xi32>
    %roll3A_394 = arith.constant 4 : i32
    %roll3A_395 = tpu.dynamic_rotate %select_n3A_386 by %roll3A_394 dim 2 : vector<1x512x128xi32>, i32 -> vector<1x512x128xi32>
    %roll3A_396 = arith.constant 124 : i32
    %roll3A_397 = tpu.dynamic_rotate %select_n3A_386 by %roll3A_396 dim 2 : vector<1x512x128xi32>, i32 -> vector<1x512x128xi32>
    %select_n3A_398 = arith.select %ne3A_393, %roll3A_395, %roll3A_397 : vector<1x512x128xi1>, vector<1x512x128xi32>
    %roll3A_399 = arith.constant 4 : i32
    %roll3A_400 = tpu.dynamic_rotate %select_n3A_387 by %roll3A_399 dim 2 : vector<1x512x128xi32>, i32 -> vector<1x512x128xi32>
    %roll3A_401 = arith.constant 124 : i32
    %roll3A_402 = tpu.dynamic_rotate %select_n3A_387 by %roll3A_401 dim 2 : vector<1x512x128xi32>, i32 -> vector<1x512x128xi32>
    %select_n3A_403 = arith.select %ne3A_393, %roll3A_400, %roll3A_402 : vector<1x512x128xi1>, vector<1x512x128xi32>
    %xor3A_404 = arith.xori %ne3A_393, %ne3A_337 : vector<1x512x128xi1>
    %gt3A_405 = arith.cmpi sgt, %select_n3A_386, %select_n3A_398 : vector<1x512x128xi32>
    %eq3A_406 = arith.cmpi eq, %select_n3A_386, %select_n3A_398 : vector<1x512x128xi32>
    %lt3A_407 = arith.cmpi slt, %select_n3A_387, %select_n3A_403 : vector<1x512x128xi32>
    %and3A_408 = arith.andi %eq3A_406, %lt3A_407 : vector<1x512x128xi1>
    %or3A_409 = arith.ori %gt3A_405, %and3A_408 : vector<1x512x128xi1>
    %xor3A_410 = arith.xori %or3A_409, %xor3A_404 : vector<1x512x128xi1>
    %select_n3A_411 = arith.select %xor3A_410, %select_n3A_386, %select_n3A_398 : vector<1x512x128xi1>, vector<1x512x128xi32>
    %select_n3A_412 = arith.select %xor3A_410, %select_n3A_387, %select_n3A_403 : vector<1x512x128xi1>, vector<1x512x128xi32>
    %and3A_413 = arith.constant 2 : i32
    %and3A_414 = vector.broadcast %and3A_413 : i32 to vector<1x512x128xi32>
    %and3A_415 = arith.andi %iota3A_0, %and3A_414 : vector<1x512x128xi32>
    %ne3A_416 = arith.constant 0 : i32
    %ne3A_417 = vector.broadcast %ne3A_416 : i32 to vector<1x512x128xi32>
    %ne3A_418 = arith.cmpi ne, %and3A_415, %ne3A_417 : vector<1x512x128xi32>
    %roll3A_419 = arith.constant 2 : i32
    %roll3A_420 = tpu.dynamic_rotate %select_n3A_411 by %roll3A_419 dim 2 : vector<1x512x128xi32>, i32 -> vector<1x512x128xi32>
    %roll3A_421 = arith.constant 126 : i32
    %roll3A_422 = tpu.dynamic_rotate %select_n3A_411 by %roll3A_421 dim 2 : vector<1x512x128xi32>, i32 -> vector<1x512x128xi32>
    %select_n3A_423 = arith.select %ne3A_418, %roll3A_420, %roll3A_422 : vector<1x512x128xi1>, vector<1x512x128xi32>
    %roll3A_424 = arith.constant 2 : i32
    %roll3A_425 = tpu.dynamic_rotate %select_n3A_412 by %roll3A_424 dim 2 : vector<1x512x128xi32>, i32 -> vector<1x512x128xi32>
    %roll3A_426 = arith.constant 126 : i32
    %roll3A_427 = tpu.dynamic_rotate %select_n3A_412 by %roll3A_426 dim 2 : vector<1x512x128xi32>, i32 -> vector<1x512x128xi32>
    %select_n3A_428 = arith.select %ne3A_418, %roll3A_425, %roll3A_427 : vector<1x512x128xi1>, vector<1x512x128xi32>
    %xor3A_429 = arith.xori %ne3A_418, %ne3A_337 : vector<1x512x128xi1>
    %gt3A_430 = arith.cmpi sgt, %select_n3A_411, %select_n3A_423 : vector<1x512x128xi32>
    %eq3A_431 = arith.cmpi eq, %select_n3A_411, %select_n3A_423 : vector<1x512x128xi32>
    %lt3A_432 = arith.cmpi slt, %select_n3A_412, %select_n3A_428 : vector<1x512x128xi32>
    %and3A_433 = arith.andi %eq3A_431, %lt3A_432 : vector<1x512x128xi1>
    %or3A_434 = arith.ori %gt3A_430, %and3A_433 : vector<1x512x128xi1>
    %xor3A_435 = arith.xori %or3A_434, %xor3A_429 : vector<1x512x128xi1>
    %select_n3A_436 = arith.select %xor3A_435, %select_n3A_411, %select_n3A_423 : vector<1x512x128xi1>, vector<1x512x128xi32>
    %select_n3A_437 = arith.select %xor3A_435, %select_n3A_412, %select_n3A_428 : vector<1x512x128xi1>, vector<1x512x128xi32>
    %and3A_438 = arith.constant 1 : i32
    %and3A_439 = vector.broadcast %and3A_438 : i32 to vector<1x512x128xi32>
    %and3A_440 = arith.andi %iota3A_0, %and3A_439 : vector<1x512x128xi32>
    %ne3A_441 = arith.constant 0 : i32
    %ne3A_442 = vector.broadcast %ne3A_441 : i32 to vector<1x512x128xi32>
    %ne3A_443 = arith.cmpi ne, %and3A_440, %ne3A_442 : vector<1x512x128xi32>
    %roll3A_444 = arith.constant 1 : i32
    %roll3A_445 = tpu.dynamic_rotate %select_n3A_436 by %roll3A_444 dim 2 : vector<1x512x128xi32>, i32 -> vector<1x512x128xi32>
    %roll3A_446 = arith.constant 127 : i32
    %roll3A_447 = tpu.dynamic_rotate %select_n3A_436 by %roll3A_446 dim 2 : vector<1x512x128xi32>, i32 -> vector<1x512x128xi32>
    %select_n3A_448 = arith.select %ne3A_443, %roll3A_445, %roll3A_447 : vector<1x512x128xi1>, vector<1x512x128xi32>
    %roll3A_449 = arith.constant 1 : i32
    %roll3A_450 = tpu.dynamic_rotate %select_n3A_437 by %roll3A_449 dim 2 : vector<1x512x128xi32>, i32 -> vector<1x512x128xi32>
    %roll3A_451 = arith.constant 127 : i32
    %roll3A_452 = tpu.dynamic_rotate %select_n3A_437 by %roll3A_451 dim 2 : vector<1x512x128xi32>, i32 -> vector<1x512x128xi32>
    %select_n3A_453 = arith.select %ne3A_443, %roll3A_450, %roll3A_452 : vector<1x512x128xi1>, vector<1x512x128xi32>
    %xor3A_454 = arith.xori %ne3A_443, %ne3A_337 : vector<1x512x128xi1>
    %gt3A_455 = arith.cmpi sgt, %select_n3A_436, %select_n3A_448 : vector<1x512x128xi32>
    %eq3A_456 = arith.cmpi eq, %select_n3A_436, %select_n3A_448 : vector<1x512x128xi32>
    %lt3A_457 = arith.cmpi slt, %select_n3A_437, %select_n3A_453 : vector<1x512x128xi32>
    %and3A_458 = arith.andi %eq3A_456, %lt3A_457 : vector<1x512x128xi1>
    %or3A_459 = arith.ori %gt3A_455, %and3A_458 : vector<1x512x128xi1>
    %xor3A_460 = arith.xori %or3A_459, %xor3A_454 : vector<1x512x128xi1>
    %select_n3A_461 = arith.select %xor3A_460, %select_n3A_436, %select_n3A_448 : vector<1x512x128xi1>, vector<1x512x128xi32>
    %select_n3A_462 = arith.select %xor3A_460, %select_n3A_437, %select_n3A_453 : vector<1x512x128xi1>, vector<1x512x128xi32>
    %and3A_463 = arith.constant 64 : i32
    %and3A_464 = vector.broadcast %and3A_463 : i32 to vector<1x512x128xi32>
    %and3A_465 = arith.andi %add3A, %and3A_464 : vector<1x512x128xi32>
    %ne3A_466 = arith.constant 0 : i32
    %ne3A_467 = vector.broadcast %ne3A_466 : i32 to vector<1x512x128xi32>
    %ne3A_468 = arith.cmpi ne, %and3A_465, %ne3A_467 : vector<1x512x128xi32>
    %and3A_469 = arith.constant 32 : i32
    %and3A_470 = vector.broadcast %and3A_469 : i32 to vector<1x512x128xi32>
    %and3A_471 = arith.andi %iota3A_0, %and3A_470 : vector<1x512x128xi32>
    %ne3A_472 = arith.constant 0 : i32
    %ne3A_473 = vector.broadcast %ne3A_472 : i32 to vector<1x512x128xi32>
    %ne3A_474 = arith.cmpi ne, %and3A_471, %ne3A_473 : vector<1x512x128xi32>
    %roll3A_475 = arith.constant 32 : i32
    %roll3A_476 = tpu.dynamic_rotate %select_n3A_461 by %roll3A_475 dim 2 : vector<1x512x128xi32>, i32 -> vector<1x512x128xi32>
    %roll3A_477 = arith.constant 96 : i32
    %roll3A_478 = tpu.dynamic_rotate %select_n3A_461 by %roll3A_477 dim 2 : vector<1x512x128xi32>, i32 -> vector<1x512x128xi32>
    %select_n3A_479 = arith.select %ne3A_474, %roll3A_476, %roll3A_478 : vector<1x512x128xi1>, vector<1x512x128xi32>
    %roll3A_480 = arith.constant 32 : i32
    %roll3A_481 = tpu.dynamic_rotate %select_n3A_462 by %roll3A_480 dim 2 : vector<1x512x128xi32>, i32 -> vector<1x512x128xi32>
    %roll3A_482 = arith.constant 96 : i32
    %roll3A_483 = tpu.dynamic_rotate %select_n3A_462 by %roll3A_482 dim 2 : vector<1x512x128xi32>, i32 -> vector<1x512x128xi32>
    %select_n3A_484 = arith.select %ne3A_474, %roll3A_481, %roll3A_483 : vector<1x512x128xi1>, vector<1x512x128xi32>
    %xor3A_485 = arith.xori %ne3A_474, %ne3A_468 : vector<1x512x128xi1>
    %gt3A_486 = arith.cmpi sgt, %select_n3A_461, %select_n3A_479 : vector<1x512x128xi32>
    %eq3A_487 = arith.cmpi eq, %select_n3A_461, %select_n3A_479 : vector<1x512x128xi32>
    %lt3A_488 = arith.cmpi slt, %select_n3A_462, %select_n3A_484 : vector<1x512x128xi32>
    %and3A_489 = arith.andi %eq3A_487, %lt3A_488 : vector<1x512x128xi1>
    %or3A_490 = arith.ori %gt3A_486, %and3A_489 : vector<1x512x128xi1>
    %xor3A_491 = arith.xori %or3A_490, %xor3A_485 : vector<1x512x128xi1>
    %select_n3A_492 = arith.select %xor3A_491, %select_n3A_461, %select_n3A_479 : vector<1x512x128xi1>, vector<1x512x128xi32>
    %select_n3A_493 = arith.select %xor3A_491, %select_n3A_462, %select_n3A_484 : vector<1x512x128xi1>, vector<1x512x128xi32>
    %and3A_494 = arith.constant 16 : i32
    %and3A_495 = vector.broadcast %and3A_494 : i32 to vector<1x512x128xi32>
    %and3A_496 = arith.andi %iota3A_0, %and3A_495 : vector<1x512x128xi32>
    %ne3A_497 = arith.constant 0 : i32
    %ne3A_498 = vector.broadcast %ne3A_497 : i32 to vector<1x512x128xi32>
    %ne3A_499 = arith.cmpi ne, %and3A_496, %ne3A_498 : vector<1x512x128xi32>
    %roll3A_500 = arith.constant 16 : i32
    %roll3A_501 = tpu.dynamic_rotate %select_n3A_492 by %roll3A_500 dim 2 : vector<1x512x128xi32>, i32 -> vector<1x512x128xi32>
    %roll3A_502 = arith.constant 112 : i32
    %roll3A_503 = tpu.dynamic_rotate %select_n3A_492 by %roll3A_502 dim 2 : vector<1x512x128xi32>, i32 -> vector<1x512x128xi32>
    %select_n3A_504 = arith.select %ne3A_499, %roll3A_501, %roll3A_503 : vector<1x512x128xi1>, vector<1x512x128xi32>
    %roll3A_505 = arith.constant 16 : i32
    %roll3A_506 = tpu.dynamic_rotate %select_n3A_493 by %roll3A_505 dim 2 : vector<1x512x128xi32>, i32 -> vector<1x512x128xi32>
    %roll3A_507 = arith.constant 112 : i32
    %roll3A_508 = tpu.dynamic_rotate %select_n3A_493 by %roll3A_507 dim 2 : vector<1x512x128xi32>, i32 -> vector<1x512x128xi32>
    %select_n3A_509 = arith.select %ne3A_499, %roll3A_506, %roll3A_508 : vector<1x512x128xi1>, vector<1x512x128xi32>
    %xor3A_510 = arith.xori %ne3A_499, %ne3A_468 : vector<1x512x128xi1>
    %gt3A_511 = arith.cmpi sgt, %select_n3A_492, %select_n3A_504 : vector<1x512x128xi32>
    %eq3A_512 = arith.cmpi eq, %select_n3A_492, %select_n3A_504 : vector<1x512x128xi32>
    %lt3A_513 = arith.cmpi slt, %select_n3A_493, %select_n3A_509 : vector<1x512x128xi32>
    %and3A_514 = arith.andi %eq3A_512, %lt3A_513 : vector<1x512x128xi1>
    %or3A_515 = arith.ori %gt3A_511, %and3A_514 : vector<1x512x128xi1>
    %xor3A_516 = arith.xori %or3A_515, %xor3A_510 : vector<1x512x128xi1>
    %select_n3A_517 = arith.select %xor3A_516, %select_n3A_492, %select_n3A_504 : vector<1x512x128xi1>, vector<1x512x128xi32>
    %select_n3A_518 = arith.select %xor3A_516, %select_n3A_493, %select_n3A_509 : vector<1x512x128xi1>, vector<1x512x128xi32>
    %and3A_519 = arith.constant 8 : i32
    %and3A_520 = vector.broadcast %and3A_519 : i32 to vector<1x512x128xi32>
    %and3A_521 = arith.andi %iota3A_0, %and3A_520 : vector<1x512x128xi32>
    %ne3A_522 = arith.constant 0 : i32
    %ne3A_523 = vector.broadcast %ne3A_522 : i32 to vector<1x512x128xi32>
    %ne3A_524 = arith.cmpi ne, %and3A_521, %ne3A_523 : vector<1x512x128xi32>
    %roll3A_525 = arith.constant 8 : i32
    %roll3A_526 = tpu.dynamic_rotate %select_n3A_517 by %roll3A_525 dim 2 : vector<1x512x128xi32>, i32 -> vector<1x512x128xi32>
    %roll3A_527 = arith.constant 120 : i32
    %roll3A_528 = tpu.dynamic_rotate %select_n3A_517 by %roll3A_527 dim 2 : vector<1x512x128xi32>, i32 -> vector<1x512x128xi32>
    %select_n3A_529 = arith.select %ne3A_524, %roll3A_526, %roll3A_528 : vector<1x512x128xi1>, vector<1x512x128xi32>
    %roll3A_530 = arith.constant 8 : i32
    %roll3A_531 = tpu.dynamic_rotate %select_n3A_518 by %roll3A_530 dim 2 : vector<1x512x128xi32>, i32 -> vector<1x512x128xi32>
    %roll3A_532 = arith.constant 120 : i32
    %roll3A_533 = tpu.dynamic_rotate %select_n3A_518 by %roll3A_532 dim 2 : vector<1x512x128xi32>, i32 -> vector<1x512x128xi32>
    %select_n3A_534 = arith.select %ne3A_524, %roll3A_531, %roll3A_533 : vector<1x512x128xi1>, vector<1x512x128xi32>
    %xor3A_535 = arith.xori %ne3A_524, %ne3A_468 : vector<1x512x128xi1>
    %gt3A_536 = arith.cmpi sgt, %select_n3A_517, %select_n3A_529 : vector<1x512x128xi32>
    %eq3A_537 = arith.cmpi eq, %select_n3A_517, %select_n3A_529 : vector<1x512x128xi32>
    %lt3A_538 = arith.cmpi slt, %select_n3A_518, %select_n3A_534 : vector<1x512x128xi32>
    %and3A_539 = arith.andi %eq3A_537, %lt3A_538 : vector<1x512x128xi1>
    %or3A_540 = arith.ori %gt3A_536, %and3A_539 : vector<1x512x128xi1>
    %xor3A_541 = arith.xori %or3A_540, %xor3A_535 : vector<1x512x128xi1>
    %select_n3A_542 = arith.select %xor3A_541, %select_n3A_517, %select_n3A_529 : vector<1x512x128xi1>, vector<1x512x128xi32>
    %select_n3A_543 = arith.select %xor3A_541, %select_n3A_518, %select_n3A_534 : vector<1x512x128xi1>, vector<1x512x128xi32>
    %and3A_544 = arith.constant 4 : i32
    %and3A_545 = vector.broadcast %and3A_544 : i32 to vector<1x512x128xi32>
    %and3A_546 = arith.andi %iota3A_0, %and3A_545 : vector<1x512x128xi32>
    %ne3A_547 = arith.constant 0 : i32
    %ne3A_548 = vector.broadcast %ne3A_547 : i32 to vector<1x512x128xi32>
    %ne3A_549 = arith.cmpi ne, %and3A_546, %ne3A_548 : vector<1x512x128xi32>
    %roll3A_550 = arith.constant 4 : i32
    %roll3A_551 = tpu.dynamic_rotate %select_n3A_542 by %roll3A_550 dim 2 : vector<1x512x128xi32>, i32 -> vector<1x512x128xi32>
    %roll3A_552 = arith.constant 124 : i32
    %roll3A_553 = tpu.dynamic_rotate %select_n3A_542 by %roll3A_552 dim 2 : vector<1x512x128xi32>, i32 -> vector<1x512x128xi32>
    %select_n3A_554 = arith.select %ne3A_549, %roll3A_551, %roll3A_553 : vector<1x512x128xi1>, vector<1x512x128xi32>
    %roll3A_555 = arith.constant 4 : i32
    %roll3A_556 = tpu.dynamic_rotate %select_n3A_543 by %roll3A_555 dim 2 : vector<1x512x128xi32>, i32 -> vector<1x512x128xi32>
    %roll3A_557 = arith.constant 124 : i32
    %roll3A_558 = tpu.dynamic_rotate %select_n3A_543 by %roll3A_557 dim 2 : vector<1x512x128xi32>, i32 -> vector<1x512x128xi32>
    %select_n3A_559 = arith.select %ne3A_549, %roll3A_556, %roll3A_558 : vector<1x512x128xi1>, vector<1x512x128xi32>
    %xor3A_560 = arith.xori %ne3A_549, %ne3A_468 : vector<1x512x128xi1>
    %gt3A_561 = arith.cmpi sgt, %select_n3A_542, %select_n3A_554 : vector<1x512x128xi32>
    %eq3A_562 = arith.cmpi eq, %select_n3A_542, %select_n3A_554 : vector<1x512x128xi32>
    %lt3A_563 = arith.cmpi slt, %select_n3A_543, %select_n3A_559 : vector<1x512x128xi32>
    %and3A_564 = arith.andi %eq3A_562, %lt3A_563 : vector<1x512x128xi1>
    %or3A_565 = arith.ori %gt3A_561, %and3A_564 : vector<1x512x128xi1>
    %xor3A_566 = arith.xori %or3A_565, %xor3A_560 : vector<1x512x128xi1>
    %select_n3A_567 = arith.select %xor3A_566, %select_n3A_542, %select_n3A_554 : vector<1x512x128xi1>, vector<1x512x128xi32>
    %select_n3A_568 = arith.select %xor3A_566, %select_n3A_543, %select_n3A_559 : vector<1x512x128xi1>, vector<1x512x128xi32>
    %and3A_569 = arith.constant 2 : i32
    %and3A_570 = vector.broadcast %and3A_569 : i32 to vector<1x512x128xi32>
    %and3A_571 = arith.andi %iota3A_0, %and3A_570 : vector<1x512x128xi32>
    %ne3A_572 = arith.constant 0 : i32
    %ne3A_573 = vector.broadcast %ne3A_572 : i32 to vector<1x512x128xi32>
    %ne3A_574 = arith.cmpi ne, %and3A_571, %ne3A_573 : vector<1x512x128xi32>
    %roll3A_575 = arith.constant 2 : i32
    %roll3A_576 = tpu.dynamic_rotate %select_n3A_567 by %roll3A_575 dim 2 : vector<1x512x128xi32>, i32 -> vector<1x512x128xi32>
    %roll3A_577 = arith.constant 126 : i32
    %roll3A_578 = tpu.dynamic_rotate %select_n3A_567 by %roll3A_577 dim 2 : vector<1x512x128xi32>, i32 -> vector<1x512x128xi32>
    %select_n3A_579 = arith.select %ne3A_574, %roll3A_576, %roll3A_578 : vector<1x512x128xi1>, vector<1x512x128xi32>
    %roll3A_580 = arith.constant 2 : i32
    %roll3A_581 = tpu.dynamic_rotate %select_n3A_568 by %roll3A_580 dim 2 : vector<1x512x128xi32>, i32 -> vector<1x512x128xi32>
    %roll3A_582 = arith.constant 126 : i32
    %roll3A_583 = tpu.dynamic_rotate %select_n3A_568 by %roll3A_582 dim 2 : vector<1x512x128xi32>, i32 -> vector<1x512x128xi32>
    %select_n3A_584 = arith.select %ne3A_574, %roll3A_581, %roll3A_583 : vector<1x512x128xi1>, vector<1x512x128xi32>
    %xor3A_585 = arith.xori %ne3A_574, %ne3A_468 : vector<1x512x128xi1>
    %gt3A_586 = arith.cmpi sgt, %select_n3A_567, %select_n3A_579 : vector<1x512x128xi32>
    %eq3A_587 = arith.cmpi eq, %select_n3A_567, %select_n3A_579 : vector<1x512x128xi32>
    %lt3A_588 = arith.cmpi slt, %select_n3A_568, %select_n3A_584 : vector<1x512x128xi32>
    %and3A_589 = arith.andi %eq3A_587, %lt3A_588 : vector<1x512x128xi1>
    %or3A_590 = arith.ori %gt3A_586, %and3A_589 : vector<1x512x128xi1>
    %xor3A_591 = arith.xori %or3A_590, %xor3A_585 : vector<1x512x128xi1>
    %select_n3A_592 = arith.select %xor3A_591, %select_n3A_567, %select_n3A_579 : vector<1x512x128xi1>, vector<1x512x128xi32>
    %select_n3A_593 = arith.select %xor3A_591, %select_n3A_568, %select_n3A_584 : vector<1x512x128xi1>, vector<1x512x128xi32>
    %and3A_594 = arith.constant 1 : i32
    %and3A_595 = vector.broadcast %and3A_594 : i32 to vector<1x512x128xi32>
    %and3A_596 = arith.andi %iota3A_0, %and3A_595 : vector<1x512x128xi32>
    %ne3A_597 = arith.constant 0 : i32
    %ne3A_598 = vector.broadcast %ne3A_597 : i32 to vector<1x512x128xi32>
    %ne3A_599 = arith.cmpi ne, %and3A_596, %ne3A_598 : vector<1x512x128xi32>
    %roll3A_600 = arith.constant 1 : i32
    %roll3A_601 = tpu.dynamic_rotate %select_n3A_592 by %roll3A_600 dim 2 : vector<1x512x128xi32>, i32 -> vector<1x512x128xi32>
    %roll3A_602 = arith.constant 127 : i32
    %roll3A_603 = tpu.dynamic_rotate %select_n3A_592 by %roll3A_602 dim 2 : vector<1x512x128xi32>, i32 -> vector<1x512x128xi32>
    %select_n3A_604 = arith.select %ne3A_599, %roll3A_601, %roll3A_603 : vector<1x512x128xi1>, vector<1x512x128xi32>
    %roll3A_605 = arith.constant 1 : i32
    %roll3A_606 = tpu.dynamic_rotate %select_n3A_593 by %roll3A_605 dim 2 : vector<1x512x128xi32>, i32 -> vector<1x512x128xi32>
    %roll3A_607 = arith.constant 127 : i32
    %roll3A_608 = tpu.dynamic_rotate %select_n3A_593 by %roll3A_607 dim 2 : vector<1x512x128xi32>, i32 -> vector<1x512x128xi32>
    %select_n3A_609 = arith.select %ne3A_599, %roll3A_606, %roll3A_608 : vector<1x512x128xi1>, vector<1x512x128xi32>
    %xor3A_610 = arith.xori %ne3A_599, %ne3A_468 : vector<1x512x128xi1>
    %gt3A_611 = arith.cmpi sgt, %select_n3A_592, %select_n3A_604 : vector<1x512x128xi32>
    %eq3A_612 = arith.cmpi eq, %select_n3A_592, %select_n3A_604 : vector<1x512x128xi32>
    %lt3A_613 = arith.cmpi slt, %select_n3A_593, %select_n3A_609 : vector<1x512x128xi32>
    %and3A_614 = arith.andi %eq3A_612, %lt3A_613 : vector<1x512x128xi1>
    %or3A_615 = arith.ori %gt3A_611, %and3A_614 : vector<1x512x128xi1>
    %xor3A_616 = arith.xori %or3A_615, %xor3A_610 : vector<1x512x128xi1>
    %select_n3A_617 = arith.select %xor3A_616, %select_n3A_592, %select_n3A_604 : vector<1x512x128xi1>, vector<1x512x128xi32>
    %select_n3A_618 = arith.select %xor3A_616, %select_n3A_593, %select_n3A_609 : vector<1x512x128xi1>, vector<1x512x128xi32>
    %and3A_619 = arith.constant 128 : i32
    %and3A_620 = vector.broadcast %and3A_619 : i32 to vector<1x512x128xi32>
    %and3A_621 = arith.andi %add3A, %and3A_620 : vector<1x512x128xi32>
    %ne3A_622 = arith.constant 0 : i32
    %ne3A_623 = vector.broadcast %ne3A_622 : i32 to vector<1x512x128xi32>
    %ne3A_624 = arith.cmpi ne, %and3A_621, %ne3A_623 : vector<1x512x128xi32>
    %and3A_625 = arith.constant 64 : i32
    %and3A_626 = vector.broadcast %and3A_625 : i32 to vector<1x512x128xi32>
    %and3A_627 = arith.andi %iota3A_0, %and3A_626 : vector<1x512x128xi32>
    %ne3A_628 = arith.constant 0 : i32
    %ne3A_629 = vector.broadcast %ne3A_628 : i32 to vector<1x512x128xi32>
    %ne3A_630 = arith.cmpi ne, %and3A_627, %ne3A_629 : vector<1x512x128xi32>
    %roll3A_631 = arith.constant 64 : i32
    %roll3A_632 = tpu.dynamic_rotate %select_n3A_617 by %roll3A_631 dim 2 : vector<1x512x128xi32>, i32 -> vector<1x512x128xi32>
    %roll3A_633 = arith.constant 64 : i32
    %roll3A_634 = tpu.dynamic_rotate %select_n3A_617 by %roll3A_633 dim 2 : vector<1x512x128xi32>, i32 -> vector<1x512x128xi32>
    %select_n3A_635 = arith.select %ne3A_630, %roll3A_632, %roll3A_634 : vector<1x512x128xi1>, vector<1x512x128xi32>
    %roll3A_636 = arith.constant 64 : i32
    %roll3A_637 = tpu.dynamic_rotate %select_n3A_618 by %roll3A_636 dim 2 : vector<1x512x128xi32>, i32 -> vector<1x512x128xi32>
    %roll3A_638 = arith.constant 64 : i32
    %roll3A_639 = tpu.dynamic_rotate %select_n3A_618 by %roll3A_638 dim 2 : vector<1x512x128xi32>, i32 -> vector<1x512x128xi32>
    %select_n3A_640 = arith.select %ne3A_630, %roll3A_637, %roll3A_639 : vector<1x512x128xi1>, vector<1x512x128xi32>
    %xor3A_641 = arith.xori %ne3A_630, %ne3A_624 : vector<1x512x128xi1>
    %gt3A_642 = arith.cmpi sgt, %select_n3A_617, %select_n3A_635 : vector<1x512x128xi32>
    %eq3A_643 = arith.cmpi eq, %select_n3A_617, %select_n3A_635 : vector<1x512x128xi32>
    %lt3A_644 = arith.cmpi slt, %select_n3A_618, %select_n3A_640 : vector<1x512x128xi32>
    %and3A_645 = arith.andi %eq3A_643, %lt3A_644 : vector<1x512x128xi1>
    %or3A_646 = arith.ori %gt3A_642, %and3A_645 : vector<1x512x128xi1>
    %xor3A_647 = arith.xori %or3A_646, %xor3A_641 : vector<1x512x128xi1>
    %select_n3A_648 = arith.select %xor3A_647, %select_n3A_617, %select_n3A_635 : vector<1x512x128xi1>, vector<1x512x128xi32>
    %select_n3A_649 = arith.select %xor3A_647, %select_n3A_618, %select_n3A_640 : vector<1x512x128xi1>, vector<1x512x128xi32>
    %and3A_650 = arith.constant 32 : i32
    %and3A_651 = vector.broadcast %and3A_650 : i32 to vector<1x512x128xi32>
    %and3A_652 = arith.andi %iota3A_0, %and3A_651 : vector<1x512x128xi32>
    %ne3A_653 = arith.constant 0 : i32
    %ne3A_654 = vector.broadcast %ne3A_653 : i32 to vector<1x512x128xi32>
    %ne3A_655 = arith.cmpi ne, %and3A_652, %ne3A_654 : vector<1x512x128xi32>
    %roll3A_656 = arith.constant 32 : i32
    %roll3A_657 = tpu.dynamic_rotate %select_n3A_648 by %roll3A_656 dim 2 : vector<1x512x128xi32>, i32 -> vector<1x512x128xi32>
    %roll3A_658 = arith.constant 96 : i32
    %roll3A_659 = tpu.dynamic_rotate %select_n3A_648 by %roll3A_658 dim 2 : vector<1x512x128xi32>, i32 -> vector<1x512x128xi32>
    %select_n3A_660 = arith.select %ne3A_655, %roll3A_657, %roll3A_659 : vector<1x512x128xi1>, vector<1x512x128xi32>
    %roll3A_661 = arith.constant 32 : i32
    %roll3A_662 = tpu.dynamic_rotate %select_n3A_649 by %roll3A_661 dim 2 : vector<1x512x128xi32>, i32 -> vector<1x512x128xi32>
    %roll3A_663 = arith.constant 96 : i32
    %roll3A_664 = tpu.dynamic_rotate %select_n3A_649 by %roll3A_663 dim 2 : vector<1x512x128xi32>, i32 -> vector<1x512x128xi32>
    %select_n3A_665 = arith.select %ne3A_655, %roll3A_662, %roll3A_664 : vector<1x512x128xi1>, vector<1x512x128xi32>
    %xor3A_666 = arith.xori %ne3A_655, %ne3A_624 : vector<1x512x128xi1>
    %gt3A_667 = arith.cmpi sgt, %select_n3A_648, %select_n3A_660 : vector<1x512x128xi32>
    %eq3A_668 = arith.cmpi eq, %select_n3A_648, %select_n3A_660 : vector<1x512x128xi32>
    %lt3A_669 = arith.cmpi slt, %select_n3A_649, %select_n3A_665 : vector<1x512x128xi32>
    %and3A_670 = arith.andi %eq3A_668, %lt3A_669 : vector<1x512x128xi1>
    %or3A_671 = arith.ori %gt3A_667, %and3A_670 : vector<1x512x128xi1>
    %xor3A_672 = arith.xori %or3A_671, %xor3A_666 : vector<1x512x128xi1>
    %select_n3A_673 = arith.select %xor3A_672, %select_n3A_648, %select_n3A_660 : vector<1x512x128xi1>, vector<1x512x128xi32>
    %select_n3A_674 = arith.select %xor3A_672, %select_n3A_649, %select_n3A_665 : vector<1x512x128xi1>, vector<1x512x128xi32>
    %and3A_675 = arith.constant 16 : i32
    %and3A_676 = vector.broadcast %and3A_675 : i32 to vector<1x512x128xi32>
    %and3A_677 = arith.andi %iota3A_0, %and3A_676 : vector<1x512x128xi32>
    %ne3A_678 = arith.constant 0 : i32
    %ne3A_679 = vector.broadcast %ne3A_678 : i32 to vector<1x512x128xi32>
    %ne3A_680 = arith.cmpi ne, %and3A_677, %ne3A_679 : vector<1x512x128xi32>
    %roll3A_681 = arith.constant 16 : i32
    %roll3A_682 = tpu.dynamic_rotate %select_n3A_673 by %roll3A_681 dim 2 : vector<1x512x128xi32>, i32 -> vector<1x512x128xi32>
    %roll3A_683 = arith.constant 112 : i32
    %roll3A_684 = tpu.dynamic_rotate %select_n3A_673 by %roll3A_683 dim 2 : vector<1x512x128xi32>, i32 -> vector<1x512x128xi32>
    %select_n3A_685 = arith.select %ne3A_680, %roll3A_682, %roll3A_684 : vector<1x512x128xi1>, vector<1x512x128xi32>
    %roll3A_686 = arith.constant 16 : i32
    %roll3A_687 = tpu.dynamic_rotate %select_n3A_674 by %roll3A_686 dim 2 : vector<1x512x128xi32>, i32 -> vector<1x512x128xi32>
    %roll3A_688 = arith.constant 112 : i32
    %roll3A_689 = tpu.dynamic_rotate %select_n3A_674 by %roll3A_688 dim 2 : vector<1x512x128xi32>, i32 -> vector<1x512x128xi32>
    %select_n3A_690 = arith.select %ne3A_680, %roll3A_687, %roll3A_689 : vector<1x512x128xi1>, vector<1x512x128xi32>
    %xor3A_691 = arith.xori %ne3A_680, %ne3A_624 : vector<1x512x128xi1>
    %gt3A_692 = arith.cmpi sgt, %select_n3A_673, %select_n3A_685 : vector<1x512x128xi32>
    %eq3A_693 = arith.cmpi eq, %select_n3A_673, %select_n3A_685 : vector<1x512x128xi32>
    %lt3A_694 = arith.cmpi slt, %select_n3A_674, %select_n3A_690 : vector<1x512x128xi32>
    %and3A_695 = arith.andi %eq3A_693, %lt3A_694 : vector<1x512x128xi1>
    %or3A_696 = arith.ori %gt3A_692, %and3A_695 : vector<1x512x128xi1>
    %xor3A_697 = arith.xori %or3A_696, %xor3A_691 : vector<1x512x128xi1>
    %select_n3A_698 = arith.select %xor3A_697, %select_n3A_673, %select_n3A_685 : vector<1x512x128xi1>, vector<1x512x128xi32>
    %select_n3A_699 = arith.select %xor3A_697, %select_n3A_674, %select_n3A_690 : vector<1x512x128xi1>, vector<1x512x128xi32>
    %and3A_700 = arith.constant 8 : i32
    %and3A_701 = vector.broadcast %and3A_700 : i32 to vector<1x512x128xi32>
    %and3A_702 = arith.andi %iota3A_0, %and3A_701 : vector<1x512x128xi32>
    %ne3A_703 = arith.constant 0 : i32
    %ne3A_704 = vector.broadcast %ne3A_703 : i32 to vector<1x512x128xi32>
    %ne3A_705 = arith.cmpi ne, %and3A_702, %ne3A_704 : vector<1x512x128xi32>
    %roll3A_706 = arith.constant 8 : i32
    %roll3A_707 = tpu.dynamic_rotate %select_n3A_698 by %roll3A_706 dim 2 : vector<1x512x128xi32>, i32 -> vector<1x512x128xi32>
    %roll3A_708 = arith.constant 120 : i32
    %roll3A_709 = tpu.dynamic_rotate %select_n3A_698 by %roll3A_708 dim 2 : vector<1x512x128xi32>, i32 -> vector<1x512x128xi32>
    %select_n3A_710 = arith.select %ne3A_705, %roll3A_707, %roll3A_709 : vector<1x512x128xi1>, vector<1x512x128xi32>
    %roll3A_711 = arith.constant 8 : i32
    %roll3A_712 = tpu.dynamic_rotate %select_n3A_699 by %roll3A_711 dim 2 : vector<1x512x128xi32>, i32 -> vector<1x512x128xi32>
    %roll3A_713 = arith.constant 120 : i32
    %roll3A_714 = tpu.dynamic_rotate %select_n3A_699 by %roll3A_713 dim 2 : vector<1x512x128xi32>, i32 -> vector<1x512x128xi32>
    %select_n3A_715 = arith.select %ne3A_705, %roll3A_712, %roll3A_714 : vector<1x512x128xi1>, vector<1x512x128xi32>
    %xor3A_716 = arith.xori %ne3A_705, %ne3A_624 : vector<1x512x128xi1>
    %gt3A_717 = arith.cmpi sgt, %select_n3A_698, %select_n3A_710 : vector<1x512x128xi32>
    %eq3A_718 = arith.cmpi eq, %select_n3A_698, %select_n3A_710 : vector<1x512x128xi32>
    %lt3A_719 = arith.cmpi slt, %select_n3A_699, %select_n3A_715 : vector<1x512x128xi32>
    %and3A_720 = arith.andi %eq3A_718, %lt3A_719 : vector<1x512x128xi1>
    %or3A_721 = arith.ori %gt3A_717, %and3A_720 : vector<1x512x128xi1>
    %xor3A_722 = arith.xori %or3A_721, %xor3A_716 : vector<1x512x128xi1>
    %select_n3A_723 = arith.select %xor3A_722, %select_n3A_698, %select_n3A_710 : vector<1x512x128xi1>, vector<1x512x128xi32>
    %select_n3A_724 = arith.select %xor3A_722, %select_n3A_699, %select_n3A_715 : vector<1x512x128xi1>, vector<1x512x128xi32>
    %and3A_725 = arith.constant 4 : i32
    %and3A_726 = vector.broadcast %and3A_725 : i32 to vector<1x512x128xi32>
    %and3A_727 = arith.andi %iota3A_0, %and3A_726 : vector<1x512x128xi32>
    %ne3A_728 = arith.constant 0 : i32
    %ne3A_729 = vector.broadcast %ne3A_728 : i32 to vector<1x512x128xi32>
    %ne3A_730 = arith.cmpi ne, %and3A_727, %ne3A_729 : vector<1x512x128xi32>
    %roll3A_731 = arith.constant 4 : i32
    %roll3A_732 = tpu.dynamic_rotate %select_n3A_723 by %roll3A_731 dim 2 : vector<1x512x128xi32>, i32 -> vector<1x512x128xi32>
    %roll3A_733 = arith.constant 124 : i32
    %roll3A_734 = tpu.dynamic_rotate %select_n3A_723 by %roll3A_733 dim 2 : vector<1x512x128xi32>, i32 -> vector<1x512x128xi32>
    %select_n3A_735 = arith.select %ne3A_730, %roll3A_732, %roll3A_734 : vector<1x512x128xi1>, vector<1x512x128xi32>
    %roll3A_736 = arith.constant 4 : i32
    %roll3A_737 = tpu.dynamic_rotate %select_n3A_724 by %roll3A_736 dim 2 : vector<1x512x128xi32>, i32 -> vector<1x512x128xi32>
    %roll3A_738 = arith.constant 124 : i32
    %roll3A_739 = tpu.dynamic_rotate %select_n3A_724 by %roll3A_738 dim 2 : vector<1x512x128xi32>, i32 -> vector<1x512x128xi32>
    %select_n3A_740 = arith.select %ne3A_730, %roll3A_737, %roll3A_739 : vector<1x512x128xi1>, vector<1x512x128xi32>
    %xor3A_741 = arith.xori %ne3A_730, %ne3A_624 : vector<1x512x128xi1>
    %gt3A_742 = arith.cmpi sgt, %select_n3A_723, %select_n3A_735 : vector<1x512x128xi32>
    %eq3A_743 = arith.cmpi eq, %select_n3A_723, %select_n3A_735 : vector<1x512x128xi32>
    %lt3A_744 = arith.cmpi slt, %select_n3A_724, %select_n3A_740 : vector<1x512x128xi32>
    %and3A_745 = arith.andi %eq3A_743, %lt3A_744 : vector<1x512x128xi1>
    %or3A_746 = arith.ori %gt3A_742, %and3A_745 : vector<1x512x128xi1>
    %xor3A_747 = arith.xori %or3A_746, %xor3A_741 : vector<1x512x128xi1>
    %select_n3A_748 = arith.select %xor3A_747, %select_n3A_723, %select_n3A_735 : vector<1x512x128xi1>, vector<1x512x128xi32>
    %select_n3A_749 = arith.select %xor3A_747, %select_n3A_724, %select_n3A_740 : vector<1x512x128xi1>, vector<1x512x128xi32>
    %and3A_750 = arith.constant 2 : i32
    %and3A_751 = vector.broadcast %and3A_750 : i32 to vector<1x512x128xi32>
    %and3A_752 = arith.andi %iota3A_0, %and3A_751 : vector<1x512x128xi32>
    %ne3A_753 = arith.constant 0 : i32
    %ne3A_754 = vector.broadcast %ne3A_753 : i32 to vector<1x512x128xi32>
    %ne3A_755 = arith.cmpi ne, %and3A_752, %ne3A_754 : vector<1x512x128xi32>
    %roll3A_756 = arith.constant 2 : i32
    %roll3A_757 = tpu.dynamic_rotate %select_n3A_748 by %roll3A_756 dim 2 : vector<1x512x128xi32>, i32 -> vector<1x512x128xi32>
    %roll3A_758 = arith.constant 126 : i32
    %roll3A_759 = tpu.dynamic_rotate %select_n3A_748 by %roll3A_758 dim 2 : vector<1x512x128xi32>, i32 -> vector<1x512x128xi32>
    %select_n3A_760 = arith.select %ne3A_755, %roll3A_757, %roll3A_759 : vector<1x512x128xi1>, vector<1x512x128xi32>
    %roll3A_761 = arith.constant 2 : i32
    %roll3A_762 = tpu.dynamic_rotate %select_n3A_749 by %roll3A_761 dim 2 : vector<1x512x128xi32>, i32 -> vector<1x512x128xi32>
    %roll3A_763 = arith.constant 126 : i32
    %roll3A_764 = tpu.dynamic_rotate %select_n3A_749 by %roll3A_763 dim 2 : vector<1x512x128xi32>, i32 -> vector<1x512x128xi32>
    %select_n3A_765 = arith.select %ne3A_755, %roll3A_762, %roll3A_764 : vector<1x512x128xi1>, vector<1x512x128xi32>
    %xor3A_766 = arith.xori %ne3A_755, %ne3A_624 : vector<1x512x128xi1>
    %gt3A_767 = arith.cmpi sgt, %select_n3A_748, %select_n3A_760 : vector<1x512x128xi32>
    %eq3A_768 = arith.cmpi eq, %select_n3A_748, %select_n3A_760 : vector<1x512x128xi32>
    %lt3A_769 = arith.cmpi slt, %select_n3A_749, %select_n3A_765 : vector<1x512x128xi32>
    %and3A_770 = arith.andi %eq3A_768, %lt3A_769 : vector<1x512x128xi1>
    %or3A_771 = arith.ori %gt3A_767, %and3A_770 : vector<1x512x128xi1>
    %xor3A_772 = arith.xori %or3A_771, %xor3A_766 : vector<1x512x128xi1>
    %select_n3A_773 = arith.select %xor3A_772, %select_n3A_748, %select_n3A_760 : vector<1x512x128xi1>, vector<1x512x128xi32>
    %select_n3A_774 = arith.select %xor3A_772, %select_n3A_749, %select_n3A_765 : vector<1x512x128xi1>, vector<1x512x128xi32>
    %and3A_775 = arith.constant 1 : i32
    %and3A_776 = vector.broadcast %and3A_775 : i32 to vector<1x512x128xi32>
    %and3A_777 = arith.andi %iota3A_0, %and3A_776 : vector<1x512x128xi32>
    %ne3A_778 = arith.constant 0 : i32
    %ne3A_779 = vector.broadcast %ne3A_778 : i32 to vector<1x512x128xi32>
    %ne3A_780 = arith.cmpi ne, %and3A_777, %ne3A_779 : vector<1x512x128xi32>
    %roll3A_781 = arith.constant 1 : i32
    %roll3A_782 = tpu.dynamic_rotate %select_n3A_773 by %roll3A_781 dim 2 : vector<1x512x128xi32>, i32 -> vector<1x512x128xi32>
    %roll3A_783 = arith.constant 127 : i32
    %roll3A_784 = tpu.dynamic_rotate %select_n3A_773 by %roll3A_783 dim 2 : vector<1x512x128xi32>, i32 -> vector<1x512x128xi32>
    %select_n3A_785 = arith.select %ne3A_780, %roll3A_782, %roll3A_784 : vector<1x512x128xi1>, vector<1x512x128xi32>
    %roll3A_786 = arith.constant 1 : i32
    %roll3A_787 = tpu.dynamic_rotate %select_n3A_774 by %roll3A_786 dim 2 : vector<1x512x128xi32>, i32 -> vector<1x512x128xi32>
    %roll3A_788 = arith.constant 127 : i32
    %roll3A_789 = tpu.dynamic_rotate %select_n3A_774 by %roll3A_788 dim 2 : vector<1x512x128xi32>, i32 -> vector<1x512x128xi32>
    %select_n3A_790 = arith.select %ne3A_780, %roll3A_787, %roll3A_789 : vector<1x512x128xi1>, vector<1x512x128xi32>
    %xor3A_791 = arith.xori %ne3A_780, %ne3A_624 : vector<1x512x128xi1>
    %gt3A_792 = arith.cmpi sgt, %select_n3A_773, %select_n3A_785 : vector<1x512x128xi32>
    %eq3A_793 = arith.cmpi eq, %select_n3A_773, %select_n3A_785 : vector<1x512x128xi32>
    %lt3A_794 = arith.cmpi slt, %select_n3A_774, %select_n3A_790 : vector<1x512x128xi32>
    %and3A_795 = arith.andi %eq3A_793, %lt3A_794 : vector<1x512x128xi1>
    %or3A_796 = arith.ori %gt3A_792, %and3A_795 : vector<1x512x128xi1>
    %xor3A_797 = arith.xori %or3A_796, %xor3A_791 : vector<1x512x128xi1>
    %select_n3A_798 = arith.select %xor3A_797, %select_n3A_773, %select_n3A_785 : vector<1x512x128xi1>, vector<1x512x128xi32>
    %select_n3A_799 = arith.select %xor3A_797, %select_n3A_774, %select_n3A_790 : vector<1x512x128xi1>, vector<1x512x128xi32>
    %and3A_800 = arith.constant 256 : i32
    %and3A_801 = vector.broadcast %and3A_800 : i32 to vector<1x512x128xi32>
    %and3A_802 = arith.andi %add3A, %and3A_801 : vector<1x512x128xi32>
    %ne3A_803 = arith.constant 0 : i32
    %ne3A_804 = vector.broadcast %ne3A_803 : i32 to vector<1x512x128xi32>
    %ne3A_805 = arith.cmpi ne, %and3A_802, %ne3A_804 : vector<1x512x128xi32>
    %and3A_806 = arith.constant 1 : i32
    %and3A_807 = vector.broadcast %and3A_806 : i32 to vector<1x512x128xi32>
    %and3A_808 = arith.andi %iota3A, %and3A_807 : vector<1x512x128xi32>
    %ne3A_809 = arith.constant 0 : i32
    %ne3A_810 = vector.broadcast %ne3A_809 : i32 to vector<1x512x128xi32>
    %ne3A_811 = arith.cmpi ne, %and3A_808, %ne3A_810 : vector<1x512x128xi32>
    %roll3A_812 = arith.constant 1 : i32
    %roll3A_813 = tpu.dynamic_rotate %select_n3A_798 by %roll3A_812 dim 1 : vector<1x512x128xi32>, i32 -> vector<1x512x128xi32>
    %roll3A_814 = arith.constant 511 : i32
    %roll3A_815 = tpu.dynamic_rotate %select_n3A_798 by %roll3A_814 dim 1 : vector<1x512x128xi32>, i32 -> vector<1x512x128xi32>
    %select_n3A_816 = arith.select %ne3A_811, %roll3A_813, %roll3A_815 : vector<1x512x128xi1>, vector<1x512x128xi32>
    %roll3A_817 = arith.constant 1 : i32
    %roll3A_818 = tpu.dynamic_rotate %select_n3A_799 by %roll3A_817 dim 1 : vector<1x512x128xi32>, i32 -> vector<1x512x128xi32>
    %roll3A_819 = arith.constant 511 : i32
    %roll3A_820 = tpu.dynamic_rotate %select_n3A_799 by %roll3A_819 dim 1 : vector<1x512x128xi32>, i32 -> vector<1x512x128xi32>
    %select_n3A_821 = arith.select %ne3A_811, %roll3A_818, %roll3A_820 : vector<1x512x128xi1>, vector<1x512x128xi32>
    %xor3A_822 = arith.xori %ne3A_811, %ne3A_805 : vector<1x512x128xi1>
    %gt3A_823 = arith.cmpi sgt, %select_n3A_798, %select_n3A_816 : vector<1x512x128xi32>
    %eq3A_824 = arith.cmpi eq, %select_n3A_798, %select_n3A_816 : vector<1x512x128xi32>
    %lt3A_825 = arith.cmpi slt, %select_n3A_799, %select_n3A_821 : vector<1x512x128xi32>
    %and3A_826 = arith.andi %eq3A_824, %lt3A_825 : vector<1x512x128xi1>
    %or3A_827 = arith.ori %gt3A_823, %and3A_826 : vector<1x512x128xi1>
    %xor3A_828 = arith.xori %or3A_827, %xor3A_822 : vector<1x512x128xi1>
    %select_n3A_829 = arith.select %xor3A_828, %select_n3A_798, %select_n3A_816 : vector<1x512x128xi1>, vector<1x512x128xi32>
    %select_n3A_830 = arith.select %xor3A_828, %select_n3A_799, %select_n3A_821 : vector<1x512x128xi1>, vector<1x512x128xi32>
    %and3A_831 = arith.constant 64 : i32
    %and3A_832 = vector.broadcast %and3A_831 : i32 to vector<1x512x128xi32>
    %and3A_833 = arith.andi %iota3A_0, %and3A_832 : vector<1x512x128xi32>
    %ne3A_834 = arith.constant 0 : i32
    %ne3A_835 = vector.broadcast %ne3A_834 : i32 to vector<1x512x128xi32>
    %ne3A_836 = arith.cmpi ne, %and3A_833, %ne3A_835 : vector<1x512x128xi32>
    %roll3A_837 = arith.constant 64 : i32
    %roll3A_838 = tpu.dynamic_rotate %select_n3A_829 by %roll3A_837 dim 2 : vector<1x512x128xi32>, i32 -> vector<1x512x128xi32>
    %roll3A_839 = arith.constant 64 : i32
    %roll3A_840 = tpu.dynamic_rotate %select_n3A_829 by %roll3A_839 dim 2 : vector<1x512x128xi32>, i32 -> vector<1x512x128xi32>
    %select_n3A_841 = arith.select %ne3A_836, %roll3A_838, %roll3A_840 : vector<1x512x128xi1>, vector<1x512x128xi32>
    %roll3A_842 = arith.constant 64 : i32
    %roll3A_843 = tpu.dynamic_rotate %select_n3A_830 by %roll3A_842 dim 2 : vector<1x512x128xi32>, i32 -> vector<1x512x128xi32>
    %roll3A_844 = arith.constant 64 : i32
    %roll3A_845 = tpu.dynamic_rotate %select_n3A_830 by %roll3A_844 dim 2 : vector<1x512x128xi32>, i32 -> vector<1x512x128xi32>
    %select_n3A_846 = arith.select %ne3A_836, %roll3A_843, %roll3A_845 : vector<1x512x128xi1>, vector<1x512x128xi32>
    %xor3A_847 = arith.xori %ne3A_836, %ne3A_805 : vector<1x512x128xi1>
    %gt3A_848 = arith.cmpi sgt, %select_n3A_829, %select_n3A_841 : vector<1x512x128xi32>
    %eq3A_849 = arith.cmpi eq, %select_n3A_829, %select_n3A_841 : vector<1x512x128xi32>
    %lt3A_850 = arith.cmpi slt, %select_n3A_830, %select_n3A_846 : vector<1x512x128xi32>
    %and3A_851 = arith.andi %eq3A_849, %lt3A_850 : vector<1x512x128xi1>
    %or3A_852 = arith.ori %gt3A_848, %and3A_851 : vector<1x512x128xi1>
    %xor3A_853 = arith.xori %or3A_852, %xor3A_847 : vector<1x512x128xi1>
    %select_n3A_854 = arith.select %xor3A_853, %select_n3A_829, %select_n3A_841 : vector<1x512x128xi1>, vector<1x512x128xi32>
    %select_n3A_855 = arith.select %xor3A_853, %select_n3A_830, %select_n3A_846 : vector<1x512x128xi1>, vector<1x512x128xi32>
    %and3A_856 = arith.constant 32 : i32
    %and3A_857 = vector.broadcast %and3A_856 : i32 to vector<1x512x128xi32>
    %and3A_858 = arith.andi %iota3A_0, %and3A_857 : vector<1x512x128xi32>
    %ne3A_859 = arith.constant 0 : i32
    %ne3A_860 = vector.broadcast %ne3A_859 : i32 to vector<1x512x128xi32>
    %ne3A_861 = arith.cmpi ne, %and3A_858, %ne3A_860 : vector<1x512x128xi32>
    %roll3A_862 = arith.constant 32 : i32
    %roll3A_863 = tpu.dynamic_rotate %select_n3A_854 by %roll3A_862 dim 2 : vector<1x512x128xi32>, i32 -> vector<1x512x128xi32>
    %roll3A_864 = arith.constant 96 : i32
    %roll3A_865 = tpu.dynamic_rotate %select_n3A_854 by %roll3A_864 dim 2 : vector<1x512x128xi32>, i32 -> vector<1x512x128xi32>
    %select_n3A_866 = arith.select %ne3A_861, %roll3A_863, %roll3A_865 : vector<1x512x128xi1>, vector<1x512x128xi32>
    %roll3A_867 = arith.constant 32 : i32
    %roll3A_868 = tpu.dynamic_rotate %select_n3A_855 by %roll3A_867 dim 2 : vector<1x512x128xi32>, i32 -> vector<1x512x128xi32>
    %roll3A_869 = arith.constant 96 : i32
    %roll3A_870 = tpu.dynamic_rotate %select_n3A_855 by %roll3A_869 dim 2 : vector<1x512x128xi32>, i32 -> vector<1x512x128xi32>
    %select_n3A_871 = arith.select %ne3A_861, %roll3A_868, %roll3A_870 : vector<1x512x128xi1>, vector<1x512x128xi32>
    %xor3A_872 = arith.xori %ne3A_861, %ne3A_805 : vector<1x512x128xi1>
    %gt3A_873 = arith.cmpi sgt, %select_n3A_854, %select_n3A_866 : vector<1x512x128xi32>
    %eq3A_874 = arith.cmpi eq, %select_n3A_854, %select_n3A_866 : vector<1x512x128xi32>
    %lt3A_875 = arith.cmpi slt, %select_n3A_855, %select_n3A_871 : vector<1x512x128xi32>
    %and3A_876 = arith.andi %eq3A_874, %lt3A_875 : vector<1x512x128xi1>
    %or3A_877 = arith.ori %gt3A_873, %and3A_876 : vector<1x512x128xi1>
    %xor3A_878 = arith.xori %or3A_877, %xor3A_872 : vector<1x512x128xi1>
    %select_n3A_879 = arith.select %xor3A_878, %select_n3A_854, %select_n3A_866 : vector<1x512x128xi1>, vector<1x512x128xi32>
    %select_n3A_880 = arith.select %xor3A_878, %select_n3A_855, %select_n3A_871 : vector<1x512x128xi1>, vector<1x512x128xi32>
    %and3A_881 = arith.constant 16 : i32
    %and3A_882 = vector.broadcast %and3A_881 : i32 to vector<1x512x128xi32>
    %and3A_883 = arith.andi %iota3A_0, %and3A_882 : vector<1x512x128xi32>
    %ne3A_884 = arith.constant 0 : i32
    %ne3A_885 = vector.broadcast %ne3A_884 : i32 to vector<1x512x128xi32>
    %ne3A_886 = arith.cmpi ne, %and3A_883, %ne3A_885 : vector<1x512x128xi32>
    %roll3A_887 = arith.constant 16 : i32
    %roll3A_888 = tpu.dynamic_rotate %select_n3A_879 by %roll3A_887 dim 2 : vector<1x512x128xi32>, i32 -> vector<1x512x128xi32>
    %roll3A_889 = arith.constant 112 : i32
    %roll3A_890 = tpu.dynamic_rotate %select_n3A_879 by %roll3A_889 dim 2 : vector<1x512x128xi32>, i32 -> vector<1x512x128xi32>
    %select_n3A_891 = arith.select %ne3A_886, %roll3A_888, %roll3A_890 : vector<1x512x128xi1>, vector<1x512x128xi32>
    %roll3A_892 = arith.constant 16 : i32
    %roll3A_893 = tpu.dynamic_rotate %select_n3A_880 by %roll3A_892 dim 2 : vector<1x512x128xi32>, i32 -> vector<1x512x128xi32>
    %roll3A_894 = arith.constant 112 : i32
    %roll3A_895 = tpu.dynamic_rotate %select_n3A_880 by %roll3A_894 dim 2 : vector<1x512x128xi32>, i32 -> vector<1x512x128xi32>
    %select_n3A_896 = arith.select %ne3A_886, %roll3A_893, %roll3A_895 : vector<1x512x128xi1>, vector<1x512x128xi32>
    %xor3A_897 = arith.xori %ne3A_886, %ne3A_805 : vector<1x512x128xi1>
    %gt3A_898 = arith.cmpi sgt, %select_n3A_879, %select_n3A_891 : vector<1x512x128xi32>
    %eq3A_899 = arith.cmpi eq, %select_n3A_879, %select_n3A_891 : vector<1x512x128xi32>
    %lt3A_900 = arith.cmpi slt, %select_n3A_880, %select_n3A_896 : vector<1x512x128xi32>
    %and3A_901 = arith.andi %eq3A_899, %lt3A_900 : vector<1x512x128xi1>
    %or3A_902 = arith.ori %gt3A_898, %and3A_901 : vector<1x512x128xi1>
    %xor3A_903 = arith.xori %or3A_902, %xor3A_897 : vector<1x512x128xi1>
    %select_n3A_904 = arith.select %xor3A_903, %select_n3A_879, %select_n3A_891 : vector<1x512x128xi1>, vector<1x512x128xi32>
    %select_n3A_905 = arith.select %xor3A_903, %select_n3A_880, %select_n3A_896 : vector<1x512x128xi1>, vector<1x512x128xi32>
    %and3A_906 = arith.constant 8 : i32
    %and3A_907 = vector.broadcast %and3A_906 : i32 to vector<1x512x128xi32>
    %and3A_908 = arith.andi %iota3A_0, %and3A_907 : vector<1x512x128xi32>
    %ne3A_909 = arith.constant 0 : i32
    %ne3A_910 = vector.broadcast %ne3A_909 : i32 to vector<1x512x128xi32>
    %ne3A_911 = arith.cmpi ne, %and3A_908, %ne3A_910 : vector<1x512x128xi32>
    %roll3A_912 = arith.constant 8 : i32
    %roll3A_913 = tpu.dynamic_rotate %select_n3A_904 by %roll3A_912 dim 2 : vector<1x512x128xi32>, i32 -> vector<1x512x128xi32>
    %roll3A_914 = arith.constant 120 : i32
    %roll3A_915 = tpu.dynamic_rotate %select_n3A_904 by %roll3A_914 dim 2 : vector<1x512x128xi32>, i32 -> vector<1x512x128xi32>
    %select_n3A_916 = arith.select %ne3A_911, %roll3A_913, %roll3A_915 : vector<1x512x128xi1>, vector<1x512x128xi32>
    %roll3A_917 = arith.constant 8 : i32
    %roll3A_918 = tpu.dynamic_rotate %select_n3A_905 by %roll3A_917 dim 2 : vector<1x512x128xi32>, i32 -> vector<1x512x128xi32>
    %roll3A_919 = arith.constant 120 : i32
    %roll3A_920 = tpu.dynamic_rotate %select_n3A_905 by %roll3A_919 dim 2 : vector<1x512x128xi32>, i32 -> vector<1x512x128xi32>
    %select_n3A_921 = arith.select %ne3A_911, %roll3A_918, %roll3A_920 : vector<1x512x128xi1>, vector<1x512x128xi32>
    %xor3A_922 = arith.xori %ne3A_911, %ne3A_805 : vector<1x512x128xi1>
    %gt3A_923 = arith.cmpi sgt, %select_n3A_904, %select_n3A_916 : vector<1x512x128xi32>
    %eq3A_924 = arith.cmpi eq, %select_n3A_904, %select_n3A_916 : vector<1x512x128xi32>
    %lt3A_925 = arith.cmpi slt, %select_n3A_905, %select_n3A_921 : vector<1x512x128xi32>
    %and3A_926 = arith.andi %eq3A_924, %lt3A_925 : vector<1x512x128xi1>
    %or3A_927 = arith.ori %gt3A_923, %and3A_926 : vector<1x512x128xi1>
    %xor3A_928 = arith.xori %or3A_927, %xor3A_922 : vector<1x512x128xi1>
    %select_n3A_929 = arith.select %xor3A_928, %select_n3A_904, %select_n3A_916 : vector<1x512x128xi1>, vector<1x512x128xi32>
    %select_n3A_930 = arith.select %xor3A_928, %select_n3A_905, %select_n3A_921 : vector<1x512x128xi1>, vector<1x512x128xi32>
    %and3A_931 = arith.constant 4 : i32
    %and3A_932 = vector.broadcast %and3A_931 : i32 to vector<1x512x128xi32>
    %and3A_933 = arith.andi %iota3A_0, %and3A_932 : vector<1x512x128xi32>
    %ne3A_934 = arith.constant 0 : i32
    %ne3A_935 = vector.broadcast %ne3A_934 : i32 to vector<1x512x128xi32>
    %ne3A_936 = arith.cmpi ne, %and3A_933, %ne3A_935 : vector<1x512x128xi32>
    %roll3A_937 = arith.constant 4 : i32
    %roll3A_938 = tpu.dynamic_rotate %select_n3A_929 by %roll3A_937 dim 2 : vector<1x512x128xi32>, i32 -> vector<1x512x128xi32>
    %roll3A_939 = arith.constant 124 : i32
    %roll3A_940 = tpu.dynamic_rotate %select_n3A_929 by %roll3A_939 dim 2 : vector<1x512x128xi32>, i32 -> vector<1x512x128xi32>
    %select_n3A_941 = arith.select %ne3A_936, %roll3A_938, %roll3A_940 : vector<1x512x128xi1>, vector<1x512x128xi32>
    %roll3A_942 = arith.constant 4 : i32
    %roll3A_943 = tpu.dynamic_rotate %select_n3A_930 by %roll3A_942 dim 2 : vector<1x512x128xi32>, i32 -> vector<1x512x128xi32>
    %roll3A_944 = arith.constant 124 : i32
    %roll3A_945 = tpu.dynamic_rotate %select_n3A_930 by %roll3A_944 dim 2 : vector<1x512x128xi32>, i32 -> vector<1x512x128xi32>
    %select_n3A_946 = arith.select %ne3A_936, %roll3A_943, %roll3A_945 : vector<1x512x128xi1>, vector<1x512x128xi32>
    %xor3A_947 = arith.xori %ne3A_936, %ne3A_805 : vector<1x512x128xi1>
    %gt3A_948 = arith.cmpi sgt, %select_n3A_929, %select_n3A_941 : vector<1x512x128xi32>
    %eq3A_949 = arith.cmpi eq, %select_n3A_929, %select_n3A_941 : vector<1x512x128xi32>
    %lt3A_950 = arith.cmpi slt, %select_n3A_930, %select_n3A_946 : vector<1x512x128xi32>
    %and3A_951 = arith.andi %eq3A_949, %lt3A_950 : vector<1x512x128xi1>
    %or3A_952 = arith.ori %gt3A_948, %and3A_951 : vector<1x512x128xi1>
    %xor3A_953 = arith.xori %or3A_952, %xor3A_947 : vector<1x512x128xi1>
    %select_n3A_954 = arith.select %xor3A_953, %select_n3A_929, %select_n3A_941 : vector<1x512x128xi1>, vector<1x512x128xi32>
    %select_n3A_955 = arith.select %xor3A_953, %select_n3A_930, %select_n3A_946 : vector<1x512x128xi1>, vector<1x512x128xi32>
    %and3A_956 = arith.constant 2 : i32
    %and3A_957 = vector.broadcast %and3A_956 : i32 to vector<1x512x128xi32>
    %and3A_958 = arith.andi %iota3A_0, %and3A_957 : vector<1x512x128xi32>
    %ne3A_959 = arith.constant 0 : i32
    %ne3A_960 = vector.broadcast %ne3A_959 : i32 to vector<1x512x128xi32>
    %ne3A_961 = arith.cmpi ne, %and3A_958, %ne3A_960 : vector<1x512x128xi32>
    %roll3A_962 = arith.constant 2 : i32
    %roll3A_963 = tpu.dynamic_rotate %select_n3A_954 by %roll3A_962 dim 2 : vector<1x512x128xi32>, i32 -> vector<1x512x128xi32>
    %roll3A_964 = arith.constant 126 : i32
    %roll3A_965 = tpu.dynamic_rotate %select_n3A_954 by %roll3A_964 dim 2 : vector<1x512x128xi32>, i32 -> vector<1x512x128xi32>
    %select_n3A_966 = arith.select %ne3A_961, %roll3A_963, %roll3A_965 : vector<1x512x128xi1>, vector<1x512x128xi32>
    %roll3A_967 = arith.constant 2 : i32
    %roll3A_968 = tpu.dynamic_rotate %select_n3A_955 by %roll3A_967 dim 2 : vector<1x512x128xi32>, i32 -> vector<1x512x128xi32>
    %roll3A_969 = arith.constant 126 : i32
    %roll3A_970 = tpu.dynamic_rotate %select_n3A_955 by %roll3A_969 dim 2 : vector<1x512x128xi32>, i32 -> vector<1x512x128xi32>
    %select_n3A_971 = arith.select %ne3A_961, %roll3A_968, %roll3A_970 : vector<1x512x128xi1>, vector<1x512x128xi32>
    %xor3A_972 = arith.xori %ne3A_961, %ne3A_805 : vector<1x512x128xi1>
    %gt3A_973 = arith.cmpi sgt, %select_n3A_954, %select_n3A_966 : vector<1x512x128xi32>
    %eq3A_974 = arith.cmpi eq, %select_n3A_954, %select_n3A_966 : vector<1x512x128xi32>
    %lt3A_975 = arith.cmpi slt, %select_n3A_955, %select_n3A_971 : vector<1x512x128xi32>
    %and3A_976 = arith.andi %eq3A_974, %lt3A_975 : vector<1x512x128xi1>
    %or3A_977 = arith.ori %gt3A_973, %and3A_976 : vector<1x512x128xi1>
    %xor3A_978 = arith.xori %or3A_977, %xor3A_972 : vector<1x512x128xi1>
    %select_n3A_979 = arith.select %xor3A_978, %select_n3A_954, %select_n3A_966 : vector<1x512x128xi1>, vector<1x512x128xi32>
    %select_n3A_980 = arith.select %xor3A_978, %select_n3A_955, %select_n3A_971 : vector<1x512x128xi1>, vector<1x512x128xi32>
    %and3A_981 = arith.constant 1 : i32
    %and3A_982 = vector.broadcast %and3A_981 : i32 to vector<1x512x128xi32>
    %and3A_983 = arith.andi %iota3A_0, %and3A_982 : vector<1x512x128xi32>
    %ne3A_984 = arith.constant 0 : i32
    %ne3A_985 = vector.broadcast %ne3A_984 : i32 to vector<1x512x128xi32>
    %ne3A_986 = arith.cmpi ne, %and3A_983, %ne3A_985 : vector<1x512x128xi32>
    %roll3A_987 = arith.constant 1 : i32
    %roll3A_988 = tpu.dynamic_rotate %select_n3A_979 by %roll3A_987 dim 2 : vector<1x512x128xi32>, i32 -> vector<1x512x128xi32>
    %roll3A_989 = arith.constant 127 : i32
    %roll3A_990 = tpu.dynamic_rotate %select_n3A_979 by %roll3A_989 dim 2 : vector<1x512x128xi32>, i32 -> vector<1x512x128xi32>
    %select_n3A_991 = arith.select %ne3A_986, %roll3A_988, %roll3A_990 : vector<1x512x128xi1>, vector<1x512x128xi32>
    %roll3A_992 = arith.constant 1 : i32
    %roll3A_993 = tpu.dynamic_rotate %select_n3A_980 by %roll3A_992 dim 2 : vector<1x512x128xi32>, i32 -> vector<1x512x128xi32>
    %roll3A_994 = arith.constant 127 : i32
    %roll3A_995 = tpu.dynamic_rotate %select_n3A_980 by %roll3A_994 dim 2 : vector<1x512x128xi32>, i32 -> vector<1x512x128xi32>
    %select_n3A_996 = arith.select %ne3A_986, %roll3A_993, %roll3A_995 : vector<1x512x128xi1>, vector<1x512x128xi32>
    %xor3A_997 = arith.xori %ne3A_986, %ne3A_805 : vector<1x512x128xi1>
    %gt3A_998 = arith.cmpi sgt, %select_n3A_979, %select_n3A_991 : vector<1x512x128xi32>
    %eq3A_999 = arith.cmpi eq, %select_n3A_979, %select_n3A_991 : vector<1x512x128xi32>
    %lt3A_1000 = arith.cmpi slt, %select_n3A_980, %select_n3A_996 : vector<1x512x128xi32>
    %and3A_1001 = arith.andi %eq3A_999, %lt3A_1000 : vector<1x512x128xi1>
    %or3A_1002 = arith.ori %gt3A_998, %and3A_1001 : vector<1x512x128xi1>
    %xor3A_1003 = arith.xori %or3A_1002, %xor3A_997 : vector<1x512x128xi1>
    %select_n3A_1004 = arith.select %xor3A_1003, %select_n3A_979, %select_n3A_991 : vector<1x512x128xi1>, vector<1x512x128xi32>
    %select_n3A_1005 = arith.select %xor3A_1003, %select_n3A_980, %select_n3A_996 : vector<1x512x128xi1>, vector<1x512x128xi32>
    %and3A_1006 = arith.constant 512 : i32
    %and3A_1007 = vector.broadcast %and3A_1006 : i32 to vector<1x512x128xi32>
    %and3A_1008 = arith.andi %add3A, %and3A_1007 : vector<1x512x128xi32>
    %ne3A_1009 = arith.constant 0 : i32
    %ne3A_1010 = vector.broadcast %ne3A_1009 : i32 to vector<1x512x128xi32>
    %ne3A_1011 = arith.cmpi ne, %and3A_1008, %ne3A_1010 : vector<1x512x128xi32>
    %and3A_1012 = arith.constant 2 : i32
    %and3A_1013 = vector.broadcast %and3A_1012 : i32 to vector<1x512x128xi32>
    %and3A_1014 = arith.andi %iota3A, %and3A_1013 : vector<1x512x128xi32>
    %ne3A_1015 = arith.constant 0 : i32
    %ne3A_1016 = vector.broadcast %ne3A_1015 : i32 to vector<1x512x128xi32>
    %ne3A_1017 = arith.cmpi ne, %and3A_1014, %ne3A_1016 : vector<1x512x128xi32>
    %roll3A_1018 = arith.constant 2 : i32
    %roll3A_1019 = tpu.dynamic_rotate %select_n3A_1004 by %roll3A_1018 dim 1 : vector<1x512x128xi32>, i32 -> vector<1x512x128xi32>
    %roll3A_1020 = arith.constant 510 : i32
    %roll3A_1021 = tpu.dynamic_rotate %select_n3A_1004 by %roll3A_1020 dim 1 : vector<1x512x128xi32>, i32 -> vector<1x512x128xi32>
    %select_n3A_1022 = arith.select %ne3A_1017, %roll3A_1019, %roll3A_1021 : vector<1x512x128xi1>, vector<1x512x128xi32>
    %roll3A_1023 = arith.constant 2 : i32
    %roll3A_1024 = tpu.dynamic_rotate %select_n3A_1005 by %roll3A_1023 dim 1 : vector<1x512x128xi32>, i32 -> vector<1x512x128xi32>
    %roll3A_1025 = arith.constant 510 : i32
    %roll3A_1026 = tpu.dynamic_rotate %select_n3A_1005 by %roll3A_1025 dim 1 : vector<1x512x128xi32>, i32 -> vector<1x512x128xi32>
    %select_n3A_1027 = arith.select %ne3A_1017, %roll3A_1024, %roll3A_1026 : vector<1x512x128xi1>, vector<1x512x128xi32>
    %xor3A_1028 = arith.xori %ne3A_1017, %ne3A_1011 : vector<1x512x128xi1>
    %gt3A_1029 = arith.cmpi sgt, %select_n3A_1004, %select_n3A_1022 : vector<1x512x128xi32>
    %eq3A_1030 = arith.cmpi eq, %select_n3A_1004, %select_n3A_1022 : vector<1x512x128xi32>
    %lt3A_1031 = arith.cmpi slt, %select_n3A_1005, %select_n3A_1027 : vector<1x512x128xi32>
    %and3A_1032 = arith.andi %eq3A_1030, %lt3A_1031 : vector<1x512x128xi1>
    %or3A_1033 = arith.ori %gt3A_1029, %and3A_1032 : vector<1x512x128xi1>
    %xor3A_1034 = arith.xori %or3A_1033, %xor3A_1028 : vector<1x512x128xi1>
    %select_n3A_1035 = arith.select %xor3A_1034, %select_n3A_1004, %select_n3A_1022 : vector<1x512x128xi1>, vector<1x512x128xi32>
    %select_n3A_1036 = arith.select %xor3A_1034, %select_n3A_1005, %select_n3A_1027 : vector<1x512x128xi1>, vector<1x512x128xi32>
    %and3A_1037 = arith.constant 1 : i32
    %and3A_1038 = vector.broadcast %and3A_1037 : i32 to vector<1x512x128xi32>
    %and3A_1039 = arith.andi %iota3A, %and3A_1038 : vector<1x512x128xi32>
    %ne3A_1040 = arith.constant 0 : i32
    %ne3A_1041 = vector.broadcast %ne3A_1040 : i32 to vector<1x512x128xi32>
    %ne3A_1042 = arith.cmpi ne, %and3A_1039, %ne3A_1041 : vector<1x512x128xi32>
    %roll3A_1043 = arith.constant 1 : i32
    %roll3A_1044 = tpu.dynamic_rotate %select_n3A_1035 by %roll3A_1043 dim 1 : vector<1x512x128xi32>, i32 -> vector<1x512x128xi32>
    %roll3A_1045 = arith.constant 511 : i32
    %roll3A_1046 = tpu.dynamic_rotate %select_n3A_1035 by %roll3A_1045 dim 1 : vector<1x512x128xi32>, i32 -> vector<1x512x128xi32>
    %select_n3A_1047 = arith.select %ne3A_1042, %roll3A_1044, %roll3A_1046 : vector<1x512x128xi1>, vector<1x512x128xi32>
    %roll3A_1048 = arith.constant 1 : i32
    %roll3A_1049 = tpu.dynamic_rotate %select_n3A_1036 by %roll3A_1048 dim 1 : vector<1x512x128xi32>, i32 -> vector<1x512x128xi32>
    %roll3A_1050 = arith.constant 511 : i32
    %roll3A_1051 = tpu.dynamic_rotate %select_n3A_1036 by %roll3A_1050 dim 1 : vector<1x512x128xi32>, i32 -> vector<1x512x128xi32>
    %select_n3A_1052 = arith.select %ne3A_1042, %roll3A_1049, %roll3A_1051 : vector<1x512x128xi1>, vector<1x512x128xi32>
    %xor3A_1053 = arith.xori %ne3A_1042, %ne3A_1011 : vector<1x512x128xi1>
    %gt3A_1054 = arith.cmpi sgt, %select_n3A_1035, %select_n3A_1047 : vector<1x512x128xi32>
    %eq3A_1055 = arith.cmpi eq, %select_n3A_1035, %select_n3A_1047 : vector<1x512x128xi32>
    %lt3A_1056 = arith.cmpi slt, %select_n3A_1036, %select_n3A_1052 : vector<1x512x128xi32>
    %and3A_1057 = arith.andi %eq3A_1055, %lt3A_1056 : vector<1x512x128xi1>
    %or3A_1058 = arith.ori %gt3A_1054, %and3A_1057 : vector<1x512x128xi1>
    %xor3A_1059 = arith.xori %or3A_1058, %xor3A_1053 : vector<1x512x128xi1>
    %select_n3A_1060 = arith.select %xor3A_1059, %select_n3A_1035, %select_n3A_1047 : vector<1x512x128xi1>, vector<1x512x128xi32>
    %select_n3A_1061 = arith.select %xor3A_1059, %select_n3A_1036, %select_n3A_1052 : vector<1x512x128xi1>, vector<1x512x128xi32>
    %and3A_1062 = arith.constant 64 : i32
    %and3A_1063 = vector.broadcast %and3A_1062 : i32 to vector<1x512x128xi32>
    %and3A_1064 = arith.andi %iota3A_0, %and3A_1063 : vector<1x512x128xi32>
    %ne3A_1065 = arith.constant 0 : i32
    %ne3A_1066 = vector.broadcast %ne3A_1065 : i32 to vector<1x512x128xi32>
    %ne3A_1067 = arith.cmpi ne, %and3A_1064, %ne3A_1066 : vector<1x512x128xi32>
    %roll3A_1068 = arith.constant 64 : i32
    %roll3A_1069 = tpu.dynamic_rotate %select_n3A_1060 by %roll3A_1068 dim 2 : vector<1x512x128xi32>, i32 -> vector<1x512x128xi32>
    %roll3A_1070 = arith.constant 64 : i32
    %roll3A_1071 = tpu.dynamic_rotate %select_n3A_1060 by %roll3A_1070 dim 2 : vector<1x512x128xi32>, i32 -> vector<1x512x128xi32>
    %select_n3A_1072 = arith.select %ne3A_1067, %roll3A_1069, %roll3A_1071 : vector<1x512x128xi1>, vector<1x512x128xi32>
    %roll3A_1073 = arith.constant 64 : i32
    %roll3A_1074 = tpu.dynamic_rotate %select_n3A_1061 by %roll3A_1073 dim 2 : vector<1x512x128xi32>, i32 -> vector<1x512x128xi32>
    %roll3A_1075 = arith.constant 64 : i32
    %roll3A_1076 = tpu.dynamic_rotate %select_n3A_1061 by %roll3A_1075 dim 2 : vector<1x512x128xi32>, i32 -> vector<1x512x128xi32>
    %select_n3A_1077 = arith.select %ne3A_1067, %roll3A_1074, %roll3A_1076 : vector<1x512x128xi1>, vector<1x512x128xi32>
    %xor3A_1078 = arith.xori %ne3A_1067, %ne3A_1011 : vector<1x512x128xi1>
    %gt3A_1079 = arith.cmpi sgt, %select_n3A_1060, %select_n3A_1072 : vector<1x512x128xi32>
    %eq3A_1080 = arith.cmpi eq, %select_n3A_1060, %select_n3A_1072 : vector<1x512x128xi32>
    %lt3A_1081 = arith.cmpi slt, %select_n3A_1061, %select_n3A_1077 : vector<1x512x128xi32>
    %and3A_1082 = arith.andi %eq3A_1080, %lt3A_1081 : vector<1x512x128xi1>
    %or3A_1083 = arith.ori %gt3A_1079, %and3A_1082 : vector<1x512x128xi1>
    %xor3A_1084 = arith.xori %or3A_1083, %xor3A_1078 : vector<1x512x128xi1>
    %select_n3A_1085 = arith.select %xor3A_1084, %select_n3A_1060, %select_n3A_1072 : vector<1x512x128xi1>, vector<1x512x128xi32>
    %select_n3A_1086 = arith.select %xor3A_1084, %select_n3A_1061, %select_n3A_1077 : vector<1x512x128xi1>, vector<1x512x128xi32>
    %and3A_1087 = arith.constant 32 : i32
    %and3A_1088 = vector.broadcast %and3A_1087 : i32 to vector<1x512x128xi32>
    %and3A_1089 = arith.andi %iota3A_0, %and3A_1088 : vector<1x512x128xi32>
    %ne3A_1090 = arith.constant 0 : i32
    %ne3A_1091 = vector.broadcast %ne3A_1090 : i32 to vector<1x512x128xi32>
    %ne3A_1092 = arith.cmpi ne, %and3A_1089, %ne3A_1091 : vector<1x512x128xi32>
    %roll3A_1093 = arith.constant 32 : i32
    %roll3A_1094 = tpu.dynamic_rotate %select_n3A_1085 by %roll3A_1093 dim 2 : vector<1x512x128xi32>, i32 -> vector<1x512x128xi32>
    %roll3A_1095 = arith.constant 96 : i32
    %roll3A_1096 = tpu.dynamic_rotate %select_n3A_1085 by %roll3A_1095 dim 2 : vector<1x512x128xi32>, i32 -> vector<1x512x128xi32>
    %select_n3A_1097 = arith.select %ne3A_1092, %roll3A_1094, %roll3A_1096 : vector<1x512x128xi1>, vector<1x512x128xi32>
    %roll3A_1098 = arith.constant 32 : i32
    %roll3A_1099 = tpu.dynamic_rotate %select_n3A_1086 by %roll3A_1098 dim 2 : vector<1x512x128xi32>, i32 -> vector<1x512x128xi32>
    %roll3A_1100 = arith.constant 96 : i32
    %roll3A_1101 = tpu.dynamic_rotate %select_n3A_1086 by %roll3A_1100 dim 2 : vector<1x512x128xi32>, i32 -> vector<1x512x128xi32>
    %select_n3A_1102 = arith.select %ne3A_1092, %roll3A_1099, %roll3A_1101 : vector<1x512x128xi1>, vector<1x512x128xi32>
    %xor3A_1103 = arith.xori %ne3A_1092, %ne3A_1011 : vector<1x512x128xi1>
    %gt3A_1104 = arith.cmpi sgt, %select_n3A_1085, %select_n3A_1097 : vector<1x512x128xi32>
    %eq3A_1105 = arith.cmpi eq, %select_n3A_1085, %select_n3A_1097 : vector<1x512x128xi32>
    %lt3A_1106 = arith.cmpi slt, %select_n3A_1086, %select_n3A_1102 : vector<1x512x128xi32>
    %and3A_1107 = arith.andi %eq3A_1105, %lt3A_1106 : vector<1x512x128xi1>
    %or3A_1108 = arith.ori %gt3A_1104, %and3A_1107 : vector<1x512x128xi1>
    %xor3A_1109 = arith.xori %or3A_1108, %xor3A_1103 : vector<1x512x128xi1>
    %select_n3A_1110 = arith.select %xor3A_1109, %select_n3A_1085, %select_n3A_1097 : vector<1x512x128xi1>, vector<1x512x128xi32>
    %select_n3A_1111 = arith.select %xor3A_1109, %select_n3A_1086, %select_n3A_1102 : vector<1x512x128xi1>, vector<1x512x128xi32>
    %and3A_1112 = arith.constant 16 : i32
    %and3A_1113 = vector.broadcast %and3A_1112 : i32 to vector<1x512x128xi32>
    %and3A_1114 = arith.andi %iota3A_0, %and3A_1113 : vector<1x512x128xi32>
    %ne3A_1115 = arith.constant 0 : i32
    %ne3A_1116 = vector.broadcast %ne3A_1115 : i32 to vector<1x512x128xi32>
    %ne3A_1117 = arith.cmpi ne, %and3A_1114, %ne3A_1116 : vector<1x512x128xi32>
    %roll3A_1118 = arith.constant 16 : i32
    %roll3A_1119 = tpu.dynamic_rotate %select_n3A_1110 by %roll3A_1118 dim 2 : vector<1x512x128xi32>, i32 -> vector<1x512x128xi32>
    %roll3A_1120 = arith.constant 112 : i32
    %roll3A_1121 = tpu.dynamic_rotate %select_n3A_1110 by %roll3A_1120 dim 2 : vector<1x512x128xi32>, i32 -> vector<1x512x128xi32>
    %select_n3A_1122 = arith.select %ne3A_1117, %roll3A_1119, %roll3A_1121 : vector<1x512x128xi1>, vector<1x512x128xi32>
    %roll3A_1123 = arith.constant 16 : i32
    %roll3A_1124 = tpu.dynamic_rotate %select_n3A_1111 by %roll3A_1123 dim 2 : vector<1x512x128xi32>, i32 -> vector<1x512x128xi32>
    %roll3A_1125 = arith.constant 112 : i32
    %roll3A_1126 = tpu.dynamic_rotate %select_n3A_1111 by %roll3A_1125 dim 2 : vector<1x512x128xi32>, i32 -> vector<1x512x128xi32>
    %select_n3A_1127 = arith.select %ne3A_1117, %roll3A_1124, %roll3A_1126 : vector<1x512x128xi1>, vector<1x512x128xi32>
    %xor3A_1128 = arith.xori %ne3A_1117, %ne3A_1011 : vector<1x512x128xi1>
    %gt3A_1129 = arith.cmpi sgt, %select_n3A_1110, %select_n3A_1122 : vector<1x512x128xi32>
    %eq3A_1130 = arith.cmpi eq, %select_n3A_1110, %select_n3A_1122 : vector<1x512x128xi32>
    %lt3A_1131 = arith.cmpi slt, %select_n3A_1111, %select_n3A_1127 : vector<1x512x128xi32>
    %and3A_1132 = arith.andi %eq3A_1130, %lt3A_1131 : vector<1x512x128xi1>
    %or3A_1133 = arith.ori %gt3A_1129, %and3A_1132 : vector<1x512x128xi1>
    %xor3A_1134 = arith.xori %or3A_1133, %xor3A_1128 : vector<1x512x128xi1>
    %select_n3A_1135 = arith.select %xor3A_1134, %select_n3A_1110, %select_n3A_1122 : vector<1x512x128xi1>, vector<1x512x128xi32>
    %select_n3A_1136 = arith.select %xor3A_1134, %select_n3A_1111, %select_n3A_1127 : vector<1x512x128xi1>, vector<1x512x128xi32>
    %and3A_1137 = arith.constant 8 : i32
    %and3A_1138 = vector.broadcast %and3A_1137 : i32 to vector<1x512x128xi32>
    %and3A_1139 = arith.andi %iota3A_0, %and3A_1138 : vector<1x512x128xi32>
    %ne3A_1140 = arith.constant 0 : i32
    %ne3A_1141 = vector.broadcast %ne3A_1140 : i32 to vector<1x512x128xi32>
    %ne3A_1142 = arith.cmpi ne, %and3A_1139, %ne3A_1141 : vector<1x512x128xi32>
    %roll3A_1143 = arith.constant 8 : i32
    %roll3A_1144 = tpu.dynamic_rotate %select_n3A_1135 by %roll3A_1143 dim 2 : vector<1x512x128xi32>, i32 -> vector<1x512x128xi32>
    %roll3A_1145 = arith.constant 120 : i32
    %roll3A_1146 = tpu.dynamic_rotate %select_n3A_1135 by %roll3A_1145 dim 2 : vector<1x512x128xi32>, i32 -> vector<1x512x128xi32>
    %select_n3A_1147 = arith.select %ne3A_1142, %roll3A_1144, %roll3A_1146 : vector<1x512x128xi1>, vector<1x512x128xi32>
    %roll3A_1148 = arith.constant 8 : i32
    %roll3A_1149 = tpu.dynamic_rotate %select_n3A_1136 by %roll3A_1148 dim 2 : vector<1x512x128xi32>, i32 -> vector<1x512x128xi32>
    %roll3A_1150 = arith.constant 120 : i32
    %roll3A_1151 = tpu.dynamic_rotate %select_n3A_1136 by %roll3A_1150 dim 2 : vector<1x512x128xi32>, i32 -> vector<1x512x128xi32>
    %select_n3A_1152 = arith.select %ne3A_1142, %roll3A_1149, %roll3A_1151 : vector<1x512x128xi1>, vector<1x512x128xi32>
    %xor3A_1153 = arith.xori %ne3A_1142, %ne3A_1011 : vector<1x512x128xi1>
    %gt3A_1154 = arith.cmpi sgt, %select_n3A_1135, %select_n3A_1147 : vector<1x512x128xi32>
    %eq3A_1155 = arith.cmpi eq, %select_n3A_1135, %select_n3A_1147 : vector<1x512x128xi32>
    %lt3A_1156 = arith.cmpi slt, %select_n3A_1136, %select_n3A_1152 : vector<1x512x128xi32>
    %and3A_1157 = arith.andi %eq3A_1155, %lt3A_1156 : vector<1x512x128xi1>
    %or3A_1158 = arith.ori %gt3A_1154, %and3A_1157 : vector<1x512x128xi1>
    %xor3A_1159 = arith.xori %or3A_1158, %xor3A_1153 : vector<1x512x128xi1>
    %select_n3A_1160 = arith.select %xor3A_1159, %select_n3A_1135, %select_n3A_1147 : vector<1x512x128xi1>, vector<1x512x128xi32>
    %select_n3A_1161 = arith.select %xor3A_1159, %select_n3A_1136, %select_n3A_1152 : vector<1x512x128xi1>, vector<1x512x128xi32>
    %and3A_1162 = arith.constant 4 : i32
    %and3A_1163 = vector.broadcast %and3A_1162 : i32 to vector<1x512x128xi32>
    %and3A_1164 = arith.andi %iota3A_0, %and3A_1163 : vector<1x512x128xi32>
    %ne3A_1165 = arith.constant 0 : i32
    %ne3A_1166 = vector.broadcast %ne3A_1165 : i32 to vector<1x512x128xi32>
    %ne3A_1167 = arith.cmpi ne, %and3A_1164, %ne3A_1166 : vector<1x512x128xi32>
    %roll3A_1168 = arith.constant 4 : i32
    %roll3A_1169 = tpu.dynamic_rotate %select_n3A_1160 by %roll3A_1168 dim 2 : vector<1x512x128xi32>, i32 -> vector<1x512x128xi32>
    %roll3A_1170 = arith.constant 124 : i32
    %roll3A_1171 = tpu.dynamic_rotate %select_n3A_1160 by %roll3A_1170 dim 2 : vector<1x512x128xi32>, i32 -> vector<1x512x128xi32>
    %select_n3A_1172 = arith.select %ne3A_1167, %roll3A_1169, %roll3A_1171 : vector<1x512x128xi1>, vector<1x512x128xi32>
    %roll3A_1173 = arith.constant 4 : i32
    %roll3A_1174 = tpu.dynamic_rotate %select_n3A_1161 by %roll3A_1173 dim 2 : vector<1x512x128xi32>, i32 -> vector<1x512x128xi32>
    %roll3A_1175 = arith.constant 124 : i32
    %roll3A_1176 = tpu.dynamic_rotate %select_n3A_1161 by %roll3A_1175 dim 2 : vector<1x512x128xi32>, i32 -> vector<1x512x128xi32>
    %select_n3A_1177 = arith.select %ne3A_1167, %roll3A_1174, %roll3A_1176 : vector<1x512x128xi1>, vector<1x512x128xi32>
    %xor3A_1178 = arith.xori %ne3A_1167, %ne3A_1011 : vector<1x512x128xi1>
    %gt3A_1179 = arith.cmpi sgt, %select_n3A_1160, %select_n3A_1172 : vector<1x512x128xi32>
    %eq3A_1180 = arith.cmpi eq, %select_n3A_1160, %select_n3A_1172 : vector<1x512x128xi32>
    %lt3A_1181 = arith.cmpi slt, %select_n3A_1161, %select_n3A_1177 : vector<1x512x128xi32>
    %and3A_1182 = arith.andi %eq3A_1180, %lt3A_1181 : vector<1x512x128xi1>
    %or3A_1183 = arith.ori %gt3A_1179, %and3A_1182 : vector<1x512x128xi1>
    %xor3A_1184 = arith.xori %or3A_1183, %xor3A_1178 : vector<1x512x128xi1>
    %select_n3A_1185 = arith.select %xor3A_1184, %select_n3A_1160, %select_n3A_1172 : vector<1x512x128xi1>, vector<1x512x128xi32>
    %select_n3A_1186 = arith.select %xor3A_1184, %select_n3A_1161, %select_n3A_1177 : vector<1x512x128xi1>, vector<1x512x128xi32>
    %and3A_1187 = arith.constant 2 : i32
    %and3A_1188 = vector.broadcast %and3A_1187 : i32 to vector<1x512x128xi32>
    %and3A_1189 = arith.andi %iota3A_0, %and3A_1188 : vector<1x512x128xi32>
    %ne3A_1190 = arith.constant 0 : i32
    %ne3A_1191 = vector.broadcast %ne3A_1190 : i32 to vector<1x512x128xi32>
    %ne3A_1192 = arith.cmpi ne, %and3A_1189, %ne3A_1191 : vector<1x512x128xi32>
    %roll3A_1193 = arith.constant 2 : i32
    %roll3A_1194 = tpu.dynamic_rotate %select_n3A_1185 by %roll3A_1193 dim 2 : vector<1x512x128xi32>, i32 -> vector<1x512x128xi32>
    %roll3A_1195 = arith.constant 126 : i32
    %roll3A_1196 = tpu.dynamic_rotate %select_n3A_1185 by %roll3A_1195 dim 2 : vector<1x512x128xi32>, i32 -> vector<1x512x128xi32>
    %select_n3A_1197 = arith.select %ne3A_1192, %roll3A_1194, %roll3A_1196 : vector<1x512x128xi1>, vector<1x512x128xi32>
    %roll3A_1198 = arith.constant 2 : i32
    %roll3A_1199 = tpu.dynamic_rotate %select_n3A_1186 by %roll3A_1198 dim 2 : vector<1x512x128xi32>, i32 -> vector<1x512x128xi32>
    %roll3A_1200 = arith.constant 126 : i32
    %roll3A_1201 = tpu.dynamic_rotate %select_n3A_1186 by %roll3A_1200 dim 2 : vector<1x512x128xi32>, i32 -> vector<1x512x128xi32>
    %select_n3A_1202 = arith.select %ne3A_1192, %roll3A_1199, %roll3A_1201 : vector<1x512x128xi1>, vector<1x512x128xi32>
    %xor3A_1203 = arith.xori %ne3A_1192, %ne3A_1011 : vector<1x512x128xi1>
    %gt3A_1204 = arith.cmpi sgt, %select_n3A_1185, %select_n3A_1197 : vector<1x512x128xi32>
    %eq3A_1205 = arith.cmpi eq, %select_n3A_1185, %select_n3A_1197 : vector<1x512x128xi32>
    %lt3A_1206 = arith.cmpi slt, %select_n3A_1186, %select_n3A_1202 : vector<1x512x128xi32>
    %and3A_1207 = arith.andi %eq3A_1205, %lt3A_1206 : vector<1x512x128xi1>
    %or3A_1208 = arith.ori %gt3A_1204, %and3A_1207 : vector<1x512x128xi1>
    %xor3A_1209 = arith.xori %or3A_1208, %xor3A_1203 : vector<1x512x128xi1>
    %select_n3A_1210 = arith.select %xor3A_1209, %select_n3A_1185, %select_n3A_1197 : vector<1x512x128xi1>, vector<1x512x128xi32>
    %select_n3A_1211 = arith.select %xor3A_1209, %select_n3A_1186, %select_n3A_1202 : vector<1x512x128xi1>, vector<1x512x128xi32>
    %and3A_1212 = arith.constant 1 : i32
    %and3A_1213 = vector.broadcast %and3A_1212 : i32 to vector<1x512x128xi32>
    %and3A_1214 = arith.andi %iota3A_0, %and3A_1213 : vector<1x512x128xi32>
    %ne3A_1215 = arith.constant 0 : i32
    %ne3A_1216 = vector.broadcast %ne3A_1215 : i32 to vector<1x512x128xi32>
    %ne3A_1217 = arith.cmpi ne, %and3A_1214, %ne3A_1216 : vector<1x512x128xi32>
    %roll3A_1218 = arith.constant 1 : i32
    %roll3A_1219 = tpu.dynamic_rotate %select_n3A_1210 by %roll3A_1218 dim 2 : vector<1x512x128xi32>, i32 -> vector<1x512x128xi32>
    %roll3A_1220 = arith.constant 127 : i32
    %roll3A_1221 = tpu.dynamic_rotate %select_n3A_1210 by %roll3A_1220 dim 2 : vector<1x512x128xi32>, i32 -> vector<1x512x128xi32>
    %select_n3A_1222 = arith.select %ne3A_1217, %roll3A_1219, %roll3A_1221 : vector<1x512x128xi1>, vector<1x512x128xi32>
    %roll3A_1223 = arith.constant 1 : i32
    %roll3A_1224 = tpu.dynamic_rotate %select_n3A_1211 by %roll3A_1223 dim 2 : vector<1x512x128xi32>, i32 -> vector<1x512x128xi32>
    %roll3A_1225 = arith.constant 127 : i32
    %roll3A_1226 = tpu.dynamic_rotate %select_n3A_1211 by %roll3A_1225 dim 2 : vector<1x512x128xi32>, i32 -> vector<1x512x128xi32>
    %select_n3A_1227 = arith.select %ne3A_1217, %roll3A_1224, %roll3A_1226 : vector<1x512x128xi1>, vector<1x512x128xi32>
    %xor3A_1228 = arith.xori %ne3A_1217, %ne3A_1011 : vector<1x512x128xi1>
    %gt3A_1229 = arith.cmpi sgt, %select_n3A_1210, %select_n3A_1222 : vector<1x512x128xi32>
    %eq3A_1230 = arith.cmpi eq, %select_n3A_1210, %select_n3A_1222 : vector<1x512x128xi32>
    %lt3A_1231 = arith.cmpi slt, %select_n3A_1211, %select_n3A_1227 : vector<1x512x128xi32>
    %and3A_1232 = arith.andi %eq3A_1230, %lt3A_1231 : vector<1x512x128xi1>
    %or3A_1233 = arith.ori %gt3A_1229, %and3A_1232 : vector<1x512x128xi1>
    %xor3A_1234 = arith.xori %or3A_1233, %xor3A_1228 : vector<1x512x128xi1>
    %select_n3A_1235 = arith.select %xor3A_1234, %select_n3A_1210, %select_n3A_1222 : vector<1x512x128xi1>, vector<1x512x128xi32>
    %select_n3A_1236 = arith.select %xor3A_1234, %select_n3A_1211, %select_n3A_1227 : vector<1x512x128xi1>, vector<1x512x128xi32>
    %and3A_1237 = arith.constant 1024 : i32
    %and3A_1238 = vector.broadcast %and3A_1237 : i32 to vector<1x512x128xi32>
    %and3A_1239 = arith.andi %add3A, %and3A_1238 : vector<1x512x128xi32>
    %ne3A_1240 = arith.constant 0 : i32
    %ne3A_1241 = vector.broadcast %ne3A_1240 : i32 to vector<1x512x128xi32>
    %ne3A_1242 = arith.cmpi ne, %and3A_1239, %ne3A_1241 : vector<1x512x128xi32>
    %and3A_1243 = arith.constant 4 : i32
    %and3A_1244 = vector.broadcast %and3A_1243 : i32 to vector<1x512x128xi32>
    %and3A_1245 = arith.andi %iota3A, %and3A_1244 : vector<1x512x128xi32>
    %ne3A_1246 = arith.constant 0 : i32
    %ne3A_1247 = vector.broadcast %ne3A_1246 : i32 to vector<1x512x128xi32>
    %ne3A_1248 = arith.cmpi ne, %and3A_1245, %ne3A_1247 : vector<1x512x128xi32>
    %roll3A_1249 = arith.constant 4 : i32
    %roll3A_1250 = tpu.dynamic_rotate %select_n3A_1235 by %roll3A_1249 dim 1 : vector<1x512x128xi32>, i32 -> vector<1x512x128xi32>
    %roll3A_1251 = arith.constant 508 : i32
    %roll3A_1252 = tpu.dynamic_rotate %select_n3A_1235 by %roll3A_1251 dim 1 : vector<1x512x128xi32>, i32 -> vector<1x512x128xi32>
    %select_n3A_1253 = arith.select %ne3A_1248, %roll3A_1250, %roll3A_1252 : vector<1x512x128xi1>, vector<1x512x128xi32>
    %roll3A_1254 = arith.constant 4 : i32
    %roll3A_1255 = tpu.dynamic_rotate %select_n3A_1236 by %roll3A_1254 dim 1 : vector<1x512x128xi32>, i32 -> vector<1x512x128xi32>
    %roll3A_1256 = arith.constant 508 : i32
    %roll3A_1257 = tpu.dynamic_rotate %select_n3A_1236 by %roll3A_1256 dim 1 : vector<1x512x128xi32>, i32 -> vector<1x512x128xi32>
    %select_n3A_1258 = arith.select %ne3A_1248, %roll3A_1255, %roll3A_1257 : vector<1x512x128xi1>, vector<1x512x128xi32>
    %xor3A_1259 = arith.xori %ne3A_1248, %ne3A_1242 : vector<1x512x128xi1>
    %gt3A_1260 = arith.cmpi sgt, %select_n3A_1235, %select_n3A_1253 : vector<1x512x128xi32>
    %eq3A_1261 = arith.cmpi eq, %select_n3A_1235, %select_n3A_1253 : vector<1x512x128xi32>
    %lt3A_1262 = arith.cmpi slt, %select_n3A_1236, %select_n3A_1258 : vector<1x512x128xi32>
    %and3A_1263 = arith.andi %eq3A_1261, %lt3A_1262 : vector<1x512x128xi1>
    %or3A_1264 = arith.ori %gt3A_1260, %and3A_1263 : vector<1x512x128xi1>
    %xor3A_1265 = arith.xori %or3A_1264, %xor3A_1259 : vector<1x512x128xi1>
    %select_n3A_1266 = arith.select %xor3A_1265, %select_n3A_1235, %select_n3A_1253 : vector<1x512x128xi1>, vector<1x512x128xi32>
    %select_n3A_1267 = arith.select %xor3A_1265, %select_n3A_1236, %select_n3A_1258 : vector<1x512x128xi1>, vector<1x512x128xi32>
    %and3A_1268 = arith.constant 2 : i32
    %and3A_1269 = vector.broadcast %and3A_1268 : i32 to vector<1x512x128xi32>
    %and3A_1270 = arith.andi %iota3A, %and3A_1269 : vector<1x512x128xi32>
    %ne3A_1271 = arith.constant 0 : i32
    %ne3A_1272 = vector.broadcast %ne3A_1271 : i32 to vector<1x512x128xi32>
    %ne3A_1273 = arith.cmpi ne, %and3A_1270, %ne3A_1272 : vector<1x512x128xi32>
    %roll3A_1274 = arith.constant 2 : i32
    %roll3A_1275 = tpu.dynamic_rotate %select_n3A_1266 by %roll3A_1274 dim 1 : vector<1x512x128xi32>, i32 -> vector<1x512x128xi32>
    %roll3A_1276 = arith.constant 510 : i32
    %roll3A_1277 = tpu.dynamic_rotate %select_n3A_1266 by %roll3A_1276 dim 1 : vector<1x512x128xi32>, i32 -> vector<1x512x128xi32>
    %select_n3A_1278 = arith.select %ne3A_1273, %roll3A_1275, %roll3A_1277 : vector<1x512x128xi1>, vector<1x512x128xi32>
    %roll3A_1279 = arith.constant 2 : i32
    %roll3A_1280 = tpu.dynamic_rotate %select_n3A_1267 by %roll3A_1279 dim 1 : vector<1x512x128xi32>, i32 -> vector<1x512x128xi32>
    %roll3A_1281 = arith.constant 510 : i32
    %roll3A_1282 = tpu.dynamic_rotate %select_n3A_1267 by %roll3A_1281 dim 1 : vector<1x512x128xi32>, i32 -> vector<1x512x128xi32>
    %select_n3A_1283 = arith.select %ne3A_1273, %roll3A_1280, %roll3A_1282 : vector<1x512x128xi1>, vector<1x512x128xi32>
    %xor3A_1284 = arith.xori %ne3A_1273, %ne3A_1242 : vector<1x512x128xi1>
    %gt3A_1285 = arith.cmpi sgt, %select_n3A_1266, %select_n3A_1278 : vector<1x512x128xi32>
    %eq3A_1286 = arith.cmpi eq, %select_n3A_1266, %select_n3A_1278 : vector<1x512x128xi32>
    %lt3A_1287 = arith.cmpi slt, %select_n3A_1267, %select_n3A_1283 : vector<1x512x128xi32>
    %and3A_1288 = arith.andi %eq3A_1286, %lt3A_1287 : vector<1x512x128xi1>
    %or3A_1289 = arith.ori %gt3A_1285, %and3A_1288 : vector<1x512x128xi1>
    %xor3A_1290 = arith.xori %or3A_1289, %xor3A_1284 : vector<1x512x128xi1>
    %select_n3A_1291 = arith.select %xor3A_1290, %select_n3A_1266, %select_n3A_1278 : vector<1x512x128xi1>, vector<1x512x128xi32>
    %select_n3A_1292 = arith.select %xor3A_1290, %select_n3A_1267, %select_n3A_1283 : vector<1x512x128xi1>, vector<1x512x128xi32>
    %and3A_1293 = arith.constant 1 : i32
    %and3A_1294 = vector.broadcast %and3A_1293 : i32 to vector<1x512x128xi32>
    %and3A_1295 = arith.andi %iota3A, %and3A_1294 : vector<1x512x128xi32>
    %ne3A_1296 = arith.constant 0 : i32
    %ne3A_1297 = vector.broadcast %ne3A_1296 : i32 to vector<1x512x128xi32>
    %ne3A_1298 = arith.cmpi ne, %and3A_1295, %ne3A_1297 : vector<1x512x128xi32>
    %roll3A_1299 = arith.constant 1 : i32
    %roll3A_1300 = tpu.dynamic_rotate %select_n3A_1291 by %roll3A_1299 dim 1 : vector<1x512x128xi32>, i32 -> vector<1x512x128xi32>
    %roll3A_1301 = arith.constant 511 : i32
    %roll3A_1302 = tpu.dynamic_rotate %select_n3A_1291 by %roll3A_1301 dim 1 : vector<1x512x128xi32>, i32 -> vector<1x512x128xi32>
    %select_n3A_1303 = arith.select %ne3A_1298, %roll3A_1300, %roll3A_1302 : vector<1x512x128xi1>, vector<1x512x128xi32>
    %roll3A_1304 = arith.constant 1 : i32
    %roll3A_1305 = tpu.dynamic_rotate %select_n3A_1292 by %roll3A_1304 dim 1 : vector<1x512x128xi32>, i32 -> vector<1x512x128xi32>
    %roll3A_1306 = arith.constant 511 : i32
    %roll3A_1307 = tpu.dynamic_rotate %select_n3A_1292 by %roll3A_1306 dim 1 : vector<1x512x128xi32>, i32 -> vector<1x512x128xi32>
    %select_n3A_1308 = arith.select %ne3A_1298, %roll3A_1305, %roll3A_1307 : vector<1x512x128xi1>, vector<1x512x128xi32>
    %xor3A_1309 = arith.xori %ne3A_1298, %ne3A_1242 : vector<1x512x128xi1>
    %gt3A_1310 = arith.cmpi sgt, %select_n3A_1291, %select_n3A_1303 : vector<1x512x128xi32>
    %eq3A_1311 = arith.cmpi eq, %select_n3A_1291, %select_n3A_1303 : vector<1x512x128xi32>
    %lt3A_1312 = arith.cmpi slt, %select_n3A_1292, %select_n3A_1308 : vector<1x512x128xi32>
    %and3A_1313 = arith.andi %eq3A_1311, %lt3A_1312 : vector<1x512x128xi1>
    %or3A_1314 = arith.ori %gt3A_1310, %and3A_1313 : vector<1x512x128xi1>
    %xor3A_1315 = arith.xori %or3A_1314, %xor3A_1309 : vector<1x512x128xi1>
    %select_n3A_1316 = arith.select %xor3A_1315, %select_n3A_1291, %select_n3A_1303 : vector<1x512x128xi1>, vector<1x512x128xi32>
    %select_n3A_1317 = arith.select %xor3A_1315, %select_n3A_1292, %select_n3A_1308 : vector<1x512x128xi1>, vector<1x512x128xi32>
    %and3A_1318 = arith.constant 64 : i32
    %and3A_1319 = vector.broadcast %and3A_1318 : i32 to vector<1x512x128xi32>
    %and3A_1320 = arith.andi %iota3A_0, %and3A_1319 : vector<1x512x128xi32>
    %ne3A_1321 = arith.constant 0 : i32
    %ne3A_1322 = vector.broadcast %ne3A_1321 : i32 to vector<1x512x128xi32>
    %ne3A_1323 = arith.cmpi ne, %and3A_1320, %ne3A_1322 : vector<1x512x128xi32>
    %roll3A_1324 = arith.constant 64 : i32
    %roll3A_1325 = tpu.dynamic_rotate %select_n3A_1316 by %roll3A_1324 dim 2 : vector<1x512x128xi32>, i32 -> vector<1x512x128xi32>
    %roll3A_1326 = arith.constant 64 : i32
    %roll3A_1327 = tpu.dynamic_rotate %select_n3A_1316 by %roll3A_1326 dim 2 : vector<1x512x128xi32>, i32 -> vector<1x512x128xi32>
    %select_n3A_1328 = arith.select %ne3A_1323, %roll3A_1325, %roll3A_1327 : vector<1x512x128xi1>, vector<1x512x128xi32>
    %roll3A_1329 = arith.constant 64 : i32
    %roll3A_1330 = tpu.dynamic_rotate %select_n3A_1317 by %roll3A_1329 dim 2 : vector<1x512x128xi32>, i32 -> vector<1x512x128xi32>
    %roll3A_1331 = arith.constant 64 : i32
    %roll3A_1332 = tpu.dynamic_rotate %select_n3A_1317 by %roll3A_1331 dim 2 : vector<1x512x128xi32>, i32 -> vector<1x512x128xi32>
    %select_n3A_1333 = arith.select %ne3A_1323, %roll3A_1330, %roll3A_1332 : vector<1x512x128xi1>, vector<1x512x128xi32>
    %xor3A_1334 = arith.xori %ne3A_1323, %ne3A_1242 : vector<1x512x128xi1>
    %gt3A_1335 = arith.cmpi sgt, %select_n3A_1316, %select_n3A_1328 : vector<1x512x128xi32>
    %eq3A_1336 = arith.cmpi eq, %select_n3A_1316, %select_n3A_1328 : vector<1x512x128xi32>
    %lt3A_1337 = arith.cmpi slt, %select_n3A_1317, %select_n3A_1333 : vector<1x512x128xi32>
    %and3A_1338 = arith.andi %eq3A_1336, %lt3A_1337 : vector<1x512x128xi1>
    %or3A_1339 = arith.ori %gt3A_1335, %and3A_1338 : vector<1x512x128xi1>
    %xor3A_1340 = arith.xori %or3A_1339, %xor3A_1334 : vector<1x512x128xi1>
    %select_n3A_1341 = arith.select %xor3A_1340, %select_n3A_1316, %select_n3A_1328 : vector<1x512x128xi1>, vector<1x512x128xi32>
    %select_n3A_1342 = arith.select %xor3A_1340, %select_n3A_1317, %select_n3A_1333 : vector<1x512x128xi1>, vector<1x512x128xi32>
    %and3A_1343 = arith.constant 32 : i32
    %and3A_1344 = vector.broadcast %and3A_1343 : i32 to vector<1x512x128xi32>
    %and3A_1345 = arith.andi %iota3A_0, %and3A_1344 : vector<1x512x128xi32>
    %ne3A_1346 = arith.constant 0 : i32
    %ne3A_1347 = vector.broadcast %ne3A_1346 : i32 to vector<1x512x128xi32>
    %ne3A_1348 = arith.cmpi ne, %and3A_1345, %ne3A_1347 : vector<1x512x128xi32>
    %roll3A_1349 = arith.constant 32 : i32
    %roll3A_1350 = tpu.dynamic_rotate %select_n3A_1341 by %roll3A_1349 dim 2 : vector<1x512x128xi32>, i32 -> vector<1x512x128xi32>
    %roll3A_1351 = arith.constant 96 : i32
    %roll3A_1352 = tpu.dynamic_rotate %select_n3A_1341 by %roll3A_1351 dim 2 : vector<1x512x128xi32>, i32 -> vector<1x512x128xi32>
    %select_n3A_1353 = arith.select %ne3A_1348, %roll3A_1350, %roll3A_1352 : vector<1x512x128xi1>, vector<1x512x128xi32>
    %roll3A_1354 = arith.constant 32 : i32
    %roll3A_1355 = tpu.dynamic_rotate %select_n3A_1342 by %roll3A_1354 dim 2 : vector<1x512x128xi32>, i32 -> vector<1x512x128xi32>
    %roll3A_1356 = arith.constant 96 : i32
    %roll3A_1357 = tpu.dynamic_rotate %select_n3A_1342 by %roll3A_1356 dim 2 : vector<1x512x128xi32>, i32 -> vector<1x512x128xi32>
    %select_n3A_1358 = arith.select %ne3A_1348, %roll3A_1355, %roll3A_1357 : vector<1x512x128xi1>, vector<1x512x128xi32>
    %xor3A_1359 = arith.xori %ne3A_1348, %ne3A_1242 : vector<1x512x128xi1>
    %gt3A_1360 = arith.cmpi sgt, %select_n3A_1341, %select_n3A_1353 : vector<1x512x128xi32>
    %eq3A_1361 = arith.cmpi eq, %select_n3A_1341, %select_n3A_1353 : vector<1x512x128xi32>
    %lt3A_1362 = arith.cmpi slt, %select_n3A_1342, %select_n3A_1358 : vector<1x512x128xi32>
    %and3A_1363 = arith.andi %eq3A_1361, %lt3A_1362 : vector<1x512x128xi1>
    %or3A_1364 = arith.ori %gt3A_1360, %and3A_1363 : vector<1x512x128xi1>
    %xor3A_1365 = arith.xori %or3A_1364, %xor3A_1359 : vector<1x512x128xi1>
    %select_n3A_1366 = arith.select %xor3A_1365, %select_n3A_1341, %select_n3A_1353 : vector<1x512x128xi1>, vector<1x512x128xi32>
    %select_n3A_1367 = arith.select %xor3A_1365, %select_n3A_1342, %select_n3A_1358 : vector<1x512x128xi1>, vector<1x512x128xi32>
    %and3A_1368 = arith.constant 16 : i32
    %and3A_1369 = vector.broadcast %and3A_1368 : i32 to vector<1x512x128xi32>
    %and3A_1370 = arith.andi %iota3A_0, %and3A_1369 : vector<1x512x128xi32>
    %ne3A_1371 = arith.constant 0 : i32
    %ne3A_1372 = vector.broadcast %ne3A_1371 : i32 to vector<1x512x128xi32>
    %ne3A_1373 = arith.cmpi ne, %and3A_1370, %ne3A_1372 : vector<1x512x128xi32>
    %roll3A_1374 = arith.constant 16 : i32
    %roll3A_1375 = tpu.dynamic_rotate %select_n3A_1366 by %roll3A_1374 dim 2 : vector<1x512x128xi32>, i32 -> vector<1x512x128xi32>
    %roll3A_1376 = arith.constant 112 : i32
    %roll3A_1377 = tpu.dynamic_rotate %select_n3A_1366 by %roll3A_1376 dim 2 : vector<1x512x128xi32>, i32 -> vector<1x512x128xi32>
    %select_n3A_1378 = arith.select %ne3A_1373, %roll3A_1375, %roll3A_1377 : vector<1x512x128xi1>, vector<1x512x128xi32>
    %roll3A_1379 = arith.constant 16 : i32
    %roll3A_1380 = tpu.dynamic_rotate %select_n3A_1367 by %roll3A_1379 dim 2 : vector<1x512x128xi32>, i32 -> vector<1x512x128xi32>
    %roll3A_1381 = arith.constant 112 : i32
    %roll3A_1382 = tpu.dynamic_rotate %select_n3A_1367 by %roll3A_1381 dim 2 : vector<1x512x128xi32>, i32 -> vector<1x512x128xi32>
    %select_n3A_1383 = arith.select %ne3A_1373, %roll3A_1380, %roll3A_1382 : vector<1x512x128xi1>, vector<1x512x128xi32>
    %xor3A_1384 = arith.xori %ne3A_1373, %ne3A_1242 : vector<1x512x128xi1>
    %gt3A_1385 = arith.cmpi sgt, %select_n3A_1366, %select_n3A_1378 : vector<1x512x128xi32>
    %eq3A_1386 = arith.cmpi eq, %select_n3A_1366, %select_n3A_1378 : vector<1x512x128xi32>
    %lt3A_1387 = arith.cmpi slt, %select_n3A_1367, %select_n3A_1383 : vector<1x512x128xi32>
    %and3A_1388 = arith.andi %eq3A_1386, %lt3A_1387 : vector<1x512x128xi1>
    %or3A_1389 = arith.ori %gt3A_1385, %and3A_1388 : vector<1x512x128xi1>
    %xor3A_1390 = arith.xori %or3A_1389, %xor3A_1384 : vector<1x512x128xi1>
    %select_n3A_1391 = arith.select %xor3A_1390, %select_n3A_1366, %select_n3A_1378 : vector<1x512x128xi1>, vector<1x512x128xi32>
    %select_n3A_1392 = arith.select %xor3A_1390, %select_n3A_1367, %select_n3A_1383 : vector<1x512x128xi1>, vector<1x512x128xi32>
    %and3A_1393 = arith.constant 8 : i32
    %and3A_1394 = vector.broadcast %and3A_1393 : i32 to vector<1x512x128xi32>
    %and3A_1395 = arith.andi %iota3A_0, %and3A_1394 : vector<1x512x128xi32>
    %ne3A_1396 = arith.constant 0 : i32
    %ne3A_1397 = vector.broadcast %ne3A_1396 : i32 to vector<1x512x128xi32>
    %ne3A_1398 = arith.cmpi ne, %and3A_1395, %ne3A_1397 : vector<1x512x128xi32>
    %roll3A_1399 = arith.constant 8 : i32
    %roll3A_1400 = tpu.dynamic_rotate %select_n3A_1391 by %roll3A_1399 dim 2 : vector<1x512x128xi32>, i32 -> vector<1x512x128xi32>
    %roll3A_1401 = arith.constant 120 : i32
    %roll3A_1402 = tpu.dynamic_rotate %select_n3A_1391 by %roll3A_1401 dim 2 : vector<1x512x128xi32>, i32 -> vector<1x512x128xi32>
    %select_n3A_1403 = arith.select %ne3A_1398, %roll3A_1400, %roll3A_1402 : vector<1x512x128xi1>, vector<1x512x128xi32>
    %roll3A_1404 = arith.constant 8 : i32
    %roll3A_1405 = tpu.dynamic_rotate %select_n3A_1392 by %roll3A_1404 dim 2 : vector<1x512x128xi32>, i32 -> vector<1x512x128xi32>
    %roll3A_1406 = arith.constant 120 : i32
    %roll3A_1407 = tpu.dynamic_rotate %select_n3A_1392 by %roll3A_1406 dim 2 : vector<1x512x128xi32>, i32 -> vector<1x512x128xi32>
    %select_n3A_1408 = arith.select %ne3A_1398, %roll3A_1405, %roll3A_1407 : vector<1x512x128xi1>, vector<1x512x128xi32>
    %xor3A_1409 = arith.xori %ne3A_1398, %ne3A_1242 : vector<1x512x128xi1>
    %gt3A_1410 = arith.cmpi sgt, %select_n3A_1391, %select_n3A_1403 : vector<1x512x128xi32>
    %eq3A_1411 = arith.cmpi eq, %select_n3A_1391, %select_n3A_1403 : vector<1x512x128xi32>
    %lt3A_1412 = arith.cmpi slt, %select_n3A_1392, %select_n3A_1408 : vector<1x512x128xi32>
    %and3A_1413 = arith.andi %eq3A_1411, %lt3A_1412 : vector<1x512x128xi1>
    %or3A_1414 = arith.ori %gt3A_1410, %and3A_1413 : vector<1x512x128xi1>
    %xor3A_1415 = arith.xori %or3A_1414, %xor3A_1409 : vector<1x512x128xi1>
    %select_n3A_1416 = arith.select %xor3A_1415, %select_n3A_1391, %select_n3A_1403 : vector<1x512x128xi1>, vector<1x512x128xi32>
    %select_n3A_1417 = arith.select %xor3A_1415, %select_n3A_1392, %select_n3A_1408 : vector<1x512x128xi1>, vector<1x512x128xi32>
    %and3A_1418 = arith.constant 4 : i32
    %and3A_1419 = vector.broadcast %and3A_1418 : i32 to vector<1x512x128xi32>
    %and3A_1420 = arith.andi %iota3A_0, %and3A_1419 : vector<1x512x128xi32>
    %ne3A_1421 = arith.constant 0 : i32
    %ne3A_1422 = vector.broadcast %ne3A_1421 : i32 to vector<1x512x128xi32>
    %ne3A_1423 = arith.cmpi ne, %and3A_1420, %ne3A_1422 : vector<1x512x128xi32>
    %roll3A_1424 = arith.constant 4 : i32
    %roll3A_1425 = tpu.dynamic_rotate %select_n3A_1416 by %roll3A_1424 dim 2 : vector<1x512x128xi32>, i32 -> vector<1x512x128xi32>
    %roll3A_1426 = arith.constant 124 : i32
    %roll3A_1427 = tpu.dynamic_rotate %select_n3A_1416 by %roll3A_1426 dim 2 : vector<1x512x128xi32>, i32 -> vector<1x512x128xi32>
    %select_n3A_1428 = arith.select %ne3A_1423, %roll3A_1425, %roll3A_1427 : vector<1x512x128xi1>, vector<1x512x128xi32>
    %roll3A_1429 = arith.constant 4 : i32
    %roll3A_1430 = tpu.dynamic_rotate %select_n3A_1417 by %roll3A_1429 dim 2 : vector<1x512x128xi32>, i32 -> vector<1x512x128xi32>
    %roll3A_1431 = arith.constant 124 : i32
    %roll3A_1432 = tpu.dynamic_rotate %select_n3A_1417 by %roll3A_1431 dim 2 : vector<1x512x128xi32>, i32 -> vector<1x512x128xi32>
    %select_n3A_1433 = arith.select %ne3A_1423, %roll3A_1430, %roll3A_1432 : vector<1x512x128xi1>, vector<1x512x128xi32>
    %xor3A_1434 = arith.xori %ne3A_1423, %ne3A_1242 : vector<1x512x128xi1>
    %gt3A_1435 = arith.cmpi sgt, %select_n3A_1416, %select_n3A_1428 : vector<1x512x128xi32>
    %eq3A_1436 = arith.cmpi eq, %select_n3A_1416, %select_n3A_1428 : vector<1x512x128xi32>
    %lt3A_1437 = arith.cmpi slt, %select_n3A_1417, %select_n3A_1433 : vector<1x512x128xi32>
    %and3A_1438 = arith.andi %eq3A_1436, %lt3A_1437 : vector<1x512x128xi1>
    %or3A_1439 = arith.ori %gt3A_1435, %and3A_1438 : vector<1x512x128xi1>
    %xor3A_1440 = arith.xori %or3A_1439, %xor3A_1434 : vector<1x512x128xi1>
    %select_n3A_1441 = arith.select %xor3A_1440, %select_n3A_1416, %select_n3A_1428 : vector<1x512x128xi1>, vector<1x512x128xi32>
    %select_n3A_1442 = arith.select %xor3A_1440, %select_n3A_1417, %select_n3A_1433 : vector<1x512x128xi1>, vector<1x512x128xi32>
    %and3A_1443 = arith.constant 2 : i32
    %and3A_1444 = vector.broadcast %and3A_1443 : i32 to vector<1x512x128xi32>
    %and3A_1445 = arith.andi %iota3A_0, %and3A_1444 : vector<1x512x128xi32>
    %ne3A_1446 = arith.constant 0 : i32
    %ne3A_1447 = vector.broadcast %ne3A_1446 : i32 to vector<1x512x128xi32>
    %ne3A_1448 = arith.cmpi ne, %and3A_1445, %ne3A_1447 : vector<1x512x128xi32>
    %roll3A_1449 = arith.constant 2 : i32
    %roll3A_1450 = tpu.dynamic_rotate %select_n3A_1441 by %roll3A_1449 dim 2 : vector<1x512x128xi32>, i32 -> vector<1x512x128xi32>
    %roll3A_1451 = arith.constant 126 : i32
    %roll3A_1452 = tpu.dynamic_rotate %select_n3A_1441 by %roll3A_1451 dim 2 : vector<1x512x128xi32>, i32 -> vector<1x512x128xi32>
    %select_n3A_1453 = arith.select %ne3A_1448, %roll3A_1450, %roll3A_1452 : vector<1x512x128xi1>, vector<1x512x128xi32>
    %roll3A_1454 = arith.constant 2 : i32
    %roll3A_1455 = tpu.dynamic_rotate %select_n3A_1442 by %roll3A_1454 dim 2 : vector<1x512x128xi32>, i32 -> vector<1x512x128xi32>
    %roll3A_1456 = arith.constant 126 : i32
    %roll3A_1457 = tpu.dynamic_rotate %select_n3A_1442 by %roll3A_1456 dim 2 : vector<1x512x128xi32>, i32 -> vector<1x512x128xi32>
    %select_n3A_1458 = arith.select %ne3A_1448, %roll3A_1455, %roll3A_1457 : vector<1x512x128xi1>, vector<1x512x128xi32>
    %xor3A_1459 = arith.xori %ne3A_1448, %ne3A_1242 : vector<1x512x128xi1>
    %gt3A_1460 = arith.cmpi sgt, %select_n3A_1441, %select_n3A_1453 : vector<1x512x128xi32>
    %eq3A_1461 = arith.cmpi eq, %select_n3A_1441, %select_n3A_1453 : vector<1x512x128xi32>
    %lt3A_1462 = arith.cmpi slt, %select_n3A_1442, %select_n3A_1458 : vector<1x512x128xi32>
    %and3A_1463 = arith.andi %eq3A_1461, %lt3A_1462 : vector<1x512x128xi1>
    %or3A_1464 = arith.ori %gt3A_1460, %and3A_1463 : vector<1x512x128xi1>
    %xor3A_1465 = arith.xori %or3A_1464, %xor3A_1459 : vector<1x512x128xi1>
    %select_n3A_1466 = arith.select %xor3A_1465, %select_n3A_1441, %select_n3A_1453 : vector<1x512x128xi1>, vector<1x512x128xi32>
    %select_n3A_1467 = arith.select %xor3A_1465, %select_n3A_1442, %select_n3A_1458 : vector<1x512x128xi1>, vector<1x512x128xi32>
    %and3A_1468 = arith.constant 1 : i32
    %and3A_1469 = vector.broadcast %and3A_1468 : i32 to vector<1x512x128xi32>
    %and3A_1470 = arith.andi %iota3A_0, %and3A_1469 : vector<1x512x128xi32>
    %ne3A_1471 = arith.constant 0 : i32
    %ne3A_1472 = vector.broadcast %ne3A_1471 : i32 to vector<1x512x128xi32>
    %ne3A_1473 = arith.cmpi ne, %and3A_1470, %ne3A_1472 : vector<1x512x128xi32>
    %roll3A_1474 = arith.constant 1 : i32
    %roll3A_1475 = tpu.dynamic_rotate %select_n3A_1466 by %roll3A_1474 dim 2 : vector<1x512x128xi32>, i32 -> vector<1x512x128xi32>
    %roll3A_1476 = arith.constant 127 : i32
    %roll3A_1477 = tpu.dynamic_rotate %select_n3A_1466 by %roll3A_1476 dim 2 : vector<1x512x128xi32>, i32 -> vector<1x512x128xi32>
    %select_n3A_1478 = arith.select %ne3A_1473, %roll3A_1475, %roll3A_1477 : vector<1x512x128xi1>, vector<1x512x128xi32>
    %roll3A_1479 = arith.constant 1 : i32
    %roll3A_1480 = tpu.dynamic_rotate %select_n3A_1467 by %roll3A_1479 dim 2 : vector<1x512x128xi32>, i32 -> vector<1x512x128xi32>
    %roll3A_1481 = arith.constant 127 : i32
    %roll3A_1482 = tpu.dynamic_rotate %select_n3A_1467 by %roll3A_1481 dim 2 : vector<1x512x128xi32>, i32 -> vector<1x512x128xi32>
    %select_n3A_1483 = arith.select %ne3A_1473, %roll3A_1480, %roll3A_1482 : vector<1x512x128xi1>, vector<1x512x128xi32>
    %xor3A_1484 = arith.xori %ne3A_1473, %ne3A_1242 : vector<1x512x128xi1>
    %gt3A_1485 = arith.cmpi sgt, %select_n3A_1466, %select_n3A_1478 : vector<1x512x128xi32>
    %eq3A_1486 = arith.cmpi eq, %select_n3A_1466, %select_n3A_1478 : vector<1x512x128xi32>
    %lt3A_1487 = arith.cmpi slt, %select_n3A_1467, %select_n3A_1483 : vector<1x512x128xi32>
    %and3A_1488 = arith.andi %eq3A_1486, %lt3A_1487 : vector<1x512x128xi1>
    %or3A_1489 = arith.ori %gt3A_1485, %and3A_1488 : vector<1x512x128xi1>
    %xor3A_1490 = arith.xori %or3A_1489, %xor3A_1484 : vector<1x512x128xi1>
    %select_n3A_1491 = arith.select %xor3A_1490, %select_n3A_1466, %select_n3A_1478 : vector<1x512x128xi1>, vector<1x512x128xi32>
    %select_n3A_1492 = arith.select %xor3A_1490, %select_n3A_1467, %select_n3A_1483 : vector<1x512x128xi1>, vector<1x512x128xi32>
    %and3A_1493 = arith.constant 2048 : i32
    %and3A_1494 = vector.broadcast %and3A_1493 : i32 to vector<1x512x128xi32>
    %and3A_1495 = arith.andi %add3A, %and3A_1494 : vector<1x512x128xi32>
    %ne3A_1496 = arith.constant 0 : i32
    %ne3A_1497 = vector.broadcast %ne3A_1496 : i32 to vector<1x512x128xi32>
    %ne3A_1498 = arith.cmpi ne, %and3A_1495, %ne3A_1497 : vector<1x512x128xi32>
    %and3A_1499 = arith.constant 8 : i32
    %and3A_1500 = vector.broadcast %and3A_1499 : i32 to vector<1x512x128xi32>
    %and3A_1501 = arith.andi %iota3A, %and3A_1500 : vector<1x512x128xi32>
    %ne3A_1502 = arith.constant 0 : i32
    %ne3A_1503 = vector.broadcast %ne3A_1502 : i32 to vector<1x512x128xi32>
    %ne3A_1504 = arith.cmpi ne, %and3A_1501, %ne3A_1503 : vector<1x512x128xi32>
    %roll3A_1505 = arith.constant 8 : i32
    %roll3A_1506 = tpu.dynamic_rotate %select_n3A_1491 by %roll3A_1505 dim 1 : vector<1x512x128xi32>, i32 -> vector<1x512x128xi32>
    %roll3A_1507 = arith.constant 504 : i32
    %roll3A_1508 = tpu.dynamic_rotate %select_n3A_1491 by %roll3A_1507 dim 1 : vector<1x512x128xi32>, i32 -> vector<1x512x128xi32>
    %select_n3A_1509 = arith.select %ne3A_1504, %roll3A_1506, %roll3A_1508 : vector<1x512x128xi1>, vector<1x512x128xi32>
    %roll3A_1510 = arith.constant 8 : i32
    %roll3A_1511 = tpu.dynamic_rotate %select_n3A_1492 by %roll3A_1510 dim 1 : vector<1x512x128xi32>, i32 -> vector<1x512x128xi32>
    %roll3A_1512 = arith.constant 504 : i32
    %roll3A_1513 = tpu.dynamic_rotate %select_n3A_1492 by %roll3A_1512 dim 1 : vector<1x512x128xi32>, i32 -> vector<1x512x128xi32>
    %select_n3A_1514 = arith.select %ne3A_1504, %roll3A_1511, %roll3A_1513 : vector<1x512x128xi1>, vector<1x512x128xi32>
    %xor3A_1515 = arith.xori %ne3A_1504, %ne3A_1498 : vector<1x512x128xi1>
    %gt3A_1516 = arith.cmpi sgt, %select_n3A_1491, %select_n3A_1509 : vector<1x512x128xi32>
    %eq3A_1517 = arith.cmpi eq, %select_n3A_1491, %select_n3A_1509 : vector<1x512x128xi32>
    %lt3A_1518 = arith.cmpi slt, %select_n3A_1492, %select_n3A_1514 : vector<1x512x128xi32>
    %and3A_1519 = arith.andi %eq3A_1517, %lt3A_1518 : vector<1x512x128xi1>
    %or3A_1520 = arith.ori %gt3A_1516, %and3A_1519 : vector<1x512x128xi1>
    %xor3A_1521 = arith.xori %or3A_1520, %xor3A_1515 : vector<1x512x128xi1>
    %select_n3A_1522 = arith.select %xor3A_1521, %select_n3A_1491, %select_n3A_1509 : vector<1x512x128xi1>, vector<1x512x128xi32>
    %select_n3A_1523 = arith.select %xor3A_1521, %select_n3A_1492, %select_n3A_1514 : vector<1x512x128xi1>, vector<1x512x128xi32>
    %and3A_1524 = arith.constant 4 : i32
    %and3A_1525 = vector.broadcast %and3A_1524 : i32 to vector<1x512x128xi32>
    %and3A_1526 = arith.andi %iota3A, %and3A_1525 : vector<1x512x128xi32>
    %ne3A_1527 = arith.constant 0 : i32
    %ne3A_1528 = vector.broadcast %ne3A_1527 : i32 to vector<1x512x128xi32>
    %ne3A_1529 = arith.cmpi ne, %and3A_1526, %ne3A_1528 : vector<1x512x128xi32>
    %roll3A_1530 = arith.constant 4 : i32
    %roll3A_1531 = tpu.dynamic_rotate %select_n3A_1522 by %roll3A_1530 dim 1 : vector<1x512x128xi32>, i32 -> vector<1x512x128xi32>
    %roll3A_1532 = arith.constant 508 : i32
    %roll3A_1533 = tpu.dynamic_rotate %select_n3A_1522 by %roll3A_1532 dim 1 : vector<1x512x128xi32>, i32 -> vector<1x512x128xi32>
    %select_n3A_1534 = arith.select %ne3A_1529, %roll3A_1531, %roll3A_1533 : vector<1x512x128xi1>, vector<1x512x128xi32>
    %roll3A_1535 = arith.constant 4 : i32
    %roll3A_1536 = tpu.dynamic_rotate %select_n3A_1523 by %roll3A_1535 dim 1 : vector<1x512x128xi32>, i32 -> vector<1x512x128xi32>
    %roll3A_1537 = arith.constant 508 : i32
    %roll3A_1538 = tpu.dynamic_rotate %select_n3A_1523 by %roll3A_1537 dim 1 : vector<1x512x128xi32>, i32 -> vector<1x512x128xi32>
    %select_n3A_1539 = arith.select %ne3A_1529, %roll3A_1536, %roll3A_1538 : vector<1x512x128xi1>, vector<1x512x128xi32>
    %xor3A_1540 = arith.xori %ne3A_1529, %ne3A_1498 : vector<1x512x128xi1>
    %gt3A_1541 = arith.cmpi sgt, %select_n3A_1522, %select_n3A_1534 : vector<1x512x128xi32>
    %eq3A_1542 = arith.cmpi eq, %select_n3A_1522, %select_n3A_1534 : vector<1x512x128xi32>
    %lt3A_1543 = arith.cmpi slt, %select_n3A_1523, %select_n3A_1539 : vector<1x512x128xi32>
    %and3A_1544 = arith.andi %eq3A_1542, %lt3A_1543 : vector<1x512x128xi1>
    %or3A_1545 = arith.ori %gt3A_1541, %and3A_1544 : vector<1x512x128xi1>
    %xor3A_1546 = arith.xori %or3A_1545, %xor3A_1540 : vector<1x512x128xi1>
    %select_n3A_1547 = arith.select %xor3A_1546, %select_n3A_1522, %select_n3A_1534 : vector<1x512x128xi1>, vector<1x512x128xi32>
    %select_n3A_1548 = arith.select %xor3A_1546, %select_n3A_1523, %select_n3A_1539 : vector<1x512x128xi1>, vector<1x512x128xi32>
    %and3A_1549 = arith.constant 2 : i32
    %and3A_1550 = vector.broadcast %and3A_1549 : i32 to vector<1x512x128xi32>
    %and3A_1551 = arith.andi %iota3A, %and3A_1550 : vector<1x512x128xi32>
    %ne3A_1552 = arith.constant 0 : i32
    %ne3A_1553 = vector.broadcast %ne3A_1552 : i32 to vector<1x512x128xi32>
    %ne3A_1554 = arith.cmpi ne, %and3A_1551, %ne3A_1553 : vector<1x512x128xi32>
    %roll3A_1555 = arith.constant 2 : i32
    %roll3A_1556 = tpu.dynamic_rotate %select_n3A_1547 by %roll3A_1555 dim 1 : vector<1x512x128xi32>, i32 -> vector<1x512x128xi32>
    %roll3A_1557 = arith.constant 510 : i32
    %roll3A_1558 = tpu.dynamic_rotate %select_n3A_1547 by %roll3A_1557 dim 1 : vector<1x512x128xi32>, i32 -> vector<1x512x128xi32>
    %select_n3A_1559 = arith.select %ne3A_1554, %roll3A_1556, %roll3A_1558 : vector<1x512x128xi1>, vector<1x512x128xi32>
    %roll3A_1560 = arith.constant 2 : i32
    %roll3A_1561 = tpu.dynamic_rotate %select_n3A_1548 by %roll3A_1560 dim 1 : vector<1x512x128xi32>, i32 -> vector<1x512x128xi32>
    %roll3A_1562 = arith.constant 510 : i32
    %roll3A_1563 = tpu.dynamic_rotate %select_n3A_1548 by %roll3A_1562 dim 1 : vector<1x512x128xi32>, i32 -> vector<1x512x128xi32>
    %select_n3A_1564 = arith.select %ne3A_1554, %roll3A_1561, %roll3A_1563 : vector<1x512x128xi1>, vector<1x512x128xi32>
    %xor3A_1565 = arith.xori %ne3A_1554, %ne3A_1498 : vector<1x512x128xi1>
    %gt3A_1566 = arith.cmpi sgt, %select_n3A_1547, %select_n3A_1559 : vector<1x512x128xi32>
    %eq3A_1567 = arith.cmpi eq, %select_n3A_1547, %select_n3A_1559 : vector<1x512x128xi32>
    %lt3A_1568 = arith.cmpi slt, %select_n3A_1548, %select_n3A_1564 : vector<1x512x128xi32>
    %and3A_1569 = arith.andi %eq3A_1567, %lt3A_1568 : vector<1x512x128xi1>
    %or3A_1570 = arith.ori %gt3A_1566, %and3A_1569 : vector<1x512x128xi1>
    %xor3A_1571 = arith.xori %or3A_1570, %xor3A_1565 : vector<1x512x128xi1>
    %select_n3A_1572 = arith.select %xor3A_1571, %select_n3A_1547, %select_n3A_1559 : vector<1x512x128xi1>, vector<1x512x128xi32>
    %select_n3A_1573 = arith.select %xor3A_1571, %select_n3A_1548, %select_n3A_1564 : vector<1x512x128xi1>, vector<1x512x128xi32>
    %and3A_1574 = arith.constant 1 : i32
    %and3A_1575 = vector.broadcast %and3A_1574 : i32 to vector<1x512x128xi32>
    %and3A_1576 = arith.andi %iota3A, %and3A_1575 : vector<1x512x128xi32>
    %ne3A_1577 = arith.constant 0 : i32
    %ne3A_1578 = vector.broadcast %ne3A_1577 : i32 to vector<1x512x128xi32>
    %ne3A_1579 = arith.cmpi ne, %and3A_1576, %ne3A_1578 : vector<1x512x128xi32>
    %roll3A_1580 = arith.constant 1 : i32
    %roll3A_1581 = tpu.dynamic_rotate %select_n3A_1572 by %roll3A_1580 dim 1 : vector<1x512x128xi32>, i32 -> vector<1x512x128xi32>
    %roll3A_1582 = arith.constant 511 : i32
    %roll3A_1583 = tpu.dynamic_rotate %select_n3A_1572 by %roll3A_1582 dim 1 : vector<1x512x128xi32>, i32 -> vector<1x512x128xi32>
    %select_n3A_1584 = arith.select %ne3A_1579, %roll3A_1581, %roll3A_1583 : vector<1x512x128xi1>, vector<1x512x128xi32>
    %roll3A_1585 = arith.constant 1 : i32
    %roll3A_1586 = tpu.dynamic_rotate %select_n3A_1573 by %roll3A_1585 dim 1 : vector<1x512x128xi32>, i32 -> vector<1x512x128xi32>
    %roll3A_1587 = arith.constant 511 : i32
    %roll3A_1588 = tpu.dynamic_rotate %select_n3A_1573 by %roll3A_1587 dim 1 : vector<1x512x128xi32>, i32 -> vector<1x512x128xi32>
    %select_n3A_1589 = arith.select %ne3A_1579, %roll3A_1586, %roll3A_1588 : vector<1x512x128xi1>, vector<1x512x128xi32>
    %xor3A_1590 = arith.xori %ne3A_1579, %ne3A_1498 : vector<1x512x128xi1>
    %gt3A_1591 = arith.cmpi sgt, %select_n3A_1572, %select_n3A_1584 : vector<1x512x128xi32>
    %eq3A_1592 = arith.cmpi eq, %select_n3A_1572, %select_n3A_1584 : vector<1x512x128xi32>
    %lt3A_1593 = arith.cmpi slt, %select_n3A_1573, %select_n3A_1589 : vector<1x512x128xi32>
    %and3A_1594 = arith.andi %eq3A_1592, %lt3A_1593 : vector<1x512x128xi1>
    %or3A_1595 = arith.ori %gt3A_1591, %and3A_1594 : vector<1x512x128xi1>
    %xor3A_1596 = arith.xori %or3A_1595, %xor3A_1590 : vector<1x512x128xi1>
    %select_n3A_1597 = arith.select %xor3A_1596, %select_n3A_1572, %select_n3A_1584 : vector<1x512x128xi1>, vector<1x512x128xi32>
    %select_n3A_1598 = arith.select %xor3A_1596, %select_n3A_1573, %select_n3A_1589 : vector<1x512x128xi1>, vector<1x512x128xi32>
    %and3A_1599 = arith.constant 64 : i32
    %and3A_1600 = vector.broadcast %and3A_1599 : i32 to vector<1x512x128xi32>
    %and3A_1601 = arith.andi %iota3A_0, %and3A_1600 : vector<1x512x128xi32>
    %ne3A_1602 = arith.constant 0 : i32
    %ne3A_1603 = vector.broadcast %ne3A_1602 : i32 to vector<1x512x128xi32>
    %ne3A_1604 = arith.cmpi ne, %and3A_1601, %ne3A_1603 : vector<1x512x128xi32>
    %roll3A_1605 = arith.constant 64 : i32
    %roll3A_1606 = tpu.dynamic_rotate %select_n3A_1597 by %roll3A_1605 dim 2 : vector<1x512x128xi32>, i32 -> vector<1x512x128xi32>
    %roll3A_1607 = arith.constant 64 : i32
    %roll3A_1608 = tpu.dynamic_rotate %select_n3A_1597 by %roll3A_1607 dim 2 : vector<1x512x128xi32>, i32 -> vector<1x512x128xi32>
    %select_n3A_1609 = arith.select %ne3A_1604, %roll3A_1606, %roll3A_1608 : vector<1x512x128xi1>, vector<1x512x128xi32>
    %roll3A_1610 = arith.constant 64 : i32
    %roll3A_1611 = tpu.dynamic_rotate %select_n3A_1598 by %roll3A_1610 dim 2 : vector<1x512x128xi32>, i32 -> vector<1x512x128xi32>
    %roll3A_1612 = arith.constant 64 : i32
    %roll3A_1613 = tpu.dynamic_rotate %select_n3A_1598 by %roll3A_1612 dim 2 : vector<1x512x128xi32>, i32 -> vector<1x512x128xi32>
    %select_n3A_1614 = arith.select %ne3A_1604, %roll3A_1611, %roll3A_1613 : vector<1x512x128xi1>, vector<1x512x128xi32>
    %xor3A_1615 = arith.xori %ne3A_1604, %ne3A_1498 : vector<1x512x128xi1>
    %gt3A_1616 = arith.cmpi sgt, %select_n3A_1597, %select_n3A_1609 : vector<1x512x128xi32>
    %eq3A_1617 = arith.cmpi eq, %select_n3A_1597, %select_n3A_1609 : vector<1x512x128xi32>
    %lt3A_1618 = arith.cmpi slt, %select_n3A_1598, %select_n3A_1614 : vector<1x512x128xi32>
    %and3A_1619 = arith.andi %eq3A_1617, %lt3A_1618 : vector<1x512x128xi1>
    %or3A_1620 = arith.ori %gt3A_1616, %and3A_1619 : vector<1x512x128xi1>
    %xor3A_1621 = arith.xori %or3A_1620, %xor3A_1615 : vector<1x512x128xi1>
    %select_n3A_1622 = arith.select %xor3A_1621, %select_n3A_1597, %select_n3A_1609 : vector<1x512x128xi1>, vector<1x512x128xi32>
    %select_n3A_1623 = arith.select %xor3A_1621, %select_n3A_1598, %select_n3A_1614 : vector<1x512x128xi1>, vector<1x512x128xi32>
    %and3A_1624 = arith.constant 32 : i32
    %and3A_1625 = vector.broadcast %and3A_1624 : i32 to vector<1x512x128xi32>
    %and3A_1626 = arith.andi %iota3A_0, %and3A_1625 : vector<1x512x128xi32>
    %ne3A_1627 = arith.constant 0 : i32
    %ne3A_1628 = vector.broadcast %ne3A_1627 : i32 to vector<1x512x128xi32>
    %ne3A_1629 = arith.cmpi ne, %and3A_1626, %ne3A_1628 : vector<1x512x128xi32>
    %roll3A_1630 = arith.constant 32 : i32
    %roll3A_1631 = tpu.dynamic_rotate %select_n3A_1622 by %roll3A_1630 dim 2 : vector<1x512x128xi32>, i32 -> vector<1x512x128xi32>
    %roll3A_1632 = arith.constant 96 : i32
    %roll3A_1633 = tpu.dynamic_rotate %select_n3A_1622 by %roll3A_1632 dim 2 : vector<1x512x128xi32>, i32 -> vector<1x512x128xi32>
    %select_n3A_1634 = arith.select %ne3A_1629, %roll3A_1631, %roll3A_1633 : vector<1x512x128xi1>, vector<1x512x128xi32>
    %roll3A_1635 = arith.constant 32 : i32
    %roll3A_1636 = tpu.dynamic_rotate %select_n3A_1623 by %roll3A_1635 dim 2 : vector<1x512x128xi32>, i32 -> vector<1x512x128xi32>
    %roll3A_1637 = arith.constant 96 : i32
    %roll3A_1638 = tpu.dynamic_rotate %select_n3A_1623 by %roll3A_1637 dim 2 : vector<1x512x128xi32>, i32 -> vector<1x512x128xi32>
    %select_n3A_1639 = arith.select %ne3A_1629, %roll3A_1636, %roll3A_1638 : vector<1x512x128xi1>, vector<1x512x128xi32>
    %xor3A_1640 = arith.xori %ne3A_1629, %ne3A_1498 : vector<1x512x128xi1>
    %gt3A_1641 = arith.cmpi sgt, %select_n3A_1622, %select_n3A_1634 : vector<1x512x128xi32>
    %eq3A_1642 = arith.cmpi eq, %select_n3A_1622, %select_n3A_1634 : vector<1x512x128xi32>
    %lt3A_1643 = arith.cmpi slt, %select_n3A_1623, %select_n3A_1639 : vector<1x512x128xi32>
    %and3A_1644 = arith.andi %eq3A_1642, %lt3A_1643 : vector<1x512x128xi1>
    %or3A_1645 = arith.ori %gt3A_1641, %and3A_1644 : vector<1x512x128xi1>
    %xor3A_1646 = arith.xori %or3A_1645, %xor3A_1640 : vector<1x512x128xi1>
    %select_n3A_1647 = arith.select %xor3A_1646, %select_n3A_1622, %select_n3A_1634 : vector<1x512x128xi1>, vector<1x512x128xi32>
    %select_n3A_1648 = arith.select %xor3A_1646, %select_n3A_1623, %select_n3A_1639 : vector<1x512x128xi1>, vector<1x512x128xi32>
    %and3A_1649 = arith.constant 16 : i32
    %and3A_1650 = vector.broadcast %and3A_1649 : i32 to vector<1x512x128xi32>
    %and3A_1651 = arith.andi %iota3A_0, %and3A_1650 : vector<1x512x128xi32>
    %ne3A_1652 = arith.constant 0 : i32
    %ne3A_1653 = vector.broadcast %ne3A_1652 : i32 to vector<1x512x128xi32>
    %ne3A_1654 = arith.cmpi ne, %and3A_1651, %ne3A_1653 : vector<1x512x128xi32>
    %roll3A_1655 = arith.constant 16 : i32
    %roll3A_1656 = tpu.dynamic_rotate %select_n3A_1647 by %roll3A_1655 dim 2 : vector<1x512x128xi32>, i32 -> vector<1x512x128xi32>
    %roll3A_1657 = arith.constant 112 : i32
    %roll3A_1658 = tpu.dynamic_rotate %select_n3A_1647 by %roll3A_1657 dim 2 : vector<1x512x128xi32>, i32 -> vector<1x512x128xi32>
    %select_n3A_1659 = arith.select %ne3A_1654, %roll3A_1656, %roll3A_1658 : vector<1x512x128xi1>, vector<1x512x128xi32>
    %roll3A_1660 = arith.constant 16 : i32
    %roll3A_1661 = tpu.dynamic_rotate %select_n3A_1648 by %roll3A_1660 dim 2 : vector<1x512x128xi32>, i32 -> vector<1x512x128xi32>
    %roll3A_1662 = arith.constant 112 : i32
    %roll3A_1663 = tpu.dynamic_rotate %select_n3A_1648 by %roll3A_1662 dim 2 : vector<1x512x128xi32>, i32 -> vector<1x512x128xi32>
    %select_n3A_1664 = arith.select %ne3A_1654, %roll3A_1661, %roll3A_1663 : vector<1x512x128xi1>, vector<1x512x128xi32>
    %xor3A_1665 = arith.xori %ne3A_1654, %ne3A_1498 : vector<1x512x128xi1>
    %gt3A_1666 = arith.cmpi sgt, %select_n3A_1647, %select_n3A_1659 : vector<1x512x128xi32>
    %eq3A_1667 = arith.cmpi eq, %select_n3A_1647, %select_n3A_1659 : vector<1x512x128xi32>
    %lt3A_1668 = arith.cmpi slt, %select_n3A_1648, %select_n3A_1664 : vector<1x512x128xi32>
    %and3A_1669 = arith.andi %eq3A_1667, %lt3A_1668 : vector<1x512x128xi1>
    %or3A_1670 = arith.ori %gt3A_1666, %and3A_1669 : vector<1x512x128xi1>
    %xor3A_1671 = arith.xori %or3A_1670, %xor3A_1665 : vector<1x512x128xi1>
    %select_n3A_1672 = arith.select %xor3A_1671, %select_n3A_1647, %select_n3A_1659 : vector<1x512x128xi1>, vector<1x512x128xi32>
    %select_n3A_1673 = arith.select %xor3A_1671, %select_n3A_1648, %select_n3A_1664 : vector<1x512x128xi1>, vector<1x512x128xi32>
    %and3A_1674 = arith.constant 8 : i32
    %and3A_1675 = vector.broadcast %and3A_1674 : i32 to vector<1x512x128xi32>
    %and3A_1676 = arith.andi %iota3A_0, %and3A_1675 : vector<1x512x128xi32>
    %ne3A_1677 = arith.constant 0 : i32
    %ne3A_1678 = vector.broadcast %ne3A_1677 : i32 to vector<1x512x128xi32>
    %ne3A_1679 = arith.cmpi ne, %and3A_1676, %ne3A_1678 : vector<1x512x128xi32>
    %roll3A_1680 = arith.constant 8 : i32
    %roll3A_1681 = tpu.dynamic_rotate %select_n3A_1672 by %roll3A_1680 dim 2 : vector<1x512x128xi32>, i32 -> vector<1x512x128xi32>
    %roll3A_1682 = arith.constant 120 : i32
    %roll3A_1683 = tpu.dynamic_rotate %select_n3A_1672 by %roll3A_1682 dim 2 : vector<1x512x128xi32>, i32 -> vector<1x512x128xi32>
    %select_n3A_1684 = arith.select %ne3A_1679, %roll3A_1681, %roll3A_1683 : vector<1x512x128xi1>, vector<1x512x128xi32>
    %roll3A_1685 = arith.constant 8 : i32
    %roll3A_1686 = tpu.dynamic_rotate %select_n3A_1673 by %roll3A_1685 dim 2 : vector<1x512x128xi32>, i32 -> vector<1x512x128xi32>
    %roll3A_1687 = arith.constant 120 : i32
    %roll3A_1688 = tpu.dynamic_rotate %select_n3A_1673 by %roll3A_1687 dim 2 : vector<1x512x128xi32>, i32 -> vector<1x512x128xi32>
    %select_n3A_1689 = arith.select %ne3A_1679, %roll3A_1686, %roll3A_1688 : vector<1x512x128xi1>, vector<1x512x128xi32>
    %xor3A_1690 = arith.xori %ne3A_1679, %ne3A_1498 : vector<1x512x128xi1>
    %gt3A_1691 = arith.cmpi sgt, %select_n3A_1672, %select_n3A_1684 : vector<1x512x128xi32>
    %eq3A_1692 = arith.cmpi eq, %select_n3A_1672, %select_n3A_1684 : vector<1x512x128xi32>
    %lt3A_1693 = arith.cmpi slt, %select_n3A_1673, %select_n3A_1689 : vector<1x512x128xi32>
    %and3A_1694 = arith.andi %eq3A_1692, %lt3A_1693 : vector<1x512x128xi1>
    %or3A_1695 = arith.ori %gt3A_1691, %and3A_1694 : vector<1x512x128xi1>
    %xor3A_1696 = arith.xori %or3A_1695, %xor3A_1690 : vector<1x512x128xi1>
    %select_n3A_1697 = arith.select %xor3A_1696, %select_n3A_1672, %select_n3A_1684 : vector<1x512x128xi1>, vector<1x512x128xi32>
    %select_n3A_1698 = arith.select %xor3A_1696, %select_n3A_1673, %select_n3A_1689 : vector<1x512x128xi1>, vector<1x512x128xi32>
    %and3A_1699 = arith.constant 4 : i32
    %and3A_1700 = vector.broadcast %and3A_1699 : i32 to vector<1x512x128xi32>
    %and3A_1701 = arith.andi %iota3A_0, %and3A_1700 : vector<1x512x128xi32>
    %ne3A_1702 = arith.constant 0 : i32
    %ne3A_1703 = vector.broadcast %ne3A_1702 : i32 to vector<1x512x128xi32>
    %ne3A_1704 = arith.cmpi ne, %and3A_1701, %ne3A_1703 : vector<1x512x128xi32>
    %roll3A_1705 = arith.constant 4 : i32
    %roll3A_1706 = tpu.dynamic_rotate %select_n3A_1697 by %roll3A_1705 dim 2 : vector<1x512x128xi32>, i32 -> vector<1x512x128xi32>
    %roll3A_1707 = arith.constant 124 : i32
    %roll3A_1708 = tpu.dynamic_rotate %select_n3A_1697 by %roll3A_1707 dim 2 : vector<1x512x128xi32>, i32 -> vector<1x512x128xi32>
    %select_n3A_1709 = arith.select %ne3A_1704, %roll3A_1706, %roll3A_1708 : vector<1x512x128xi1>, vector<1x512x128xi32>
    %roll3A_1710 = arith.constant 4 : i32
    %roll3A_1711 = tpu.dynamic_rotate %select_n3A_1698 by %roll3A_1710 dim 2 : vector<1x512x128xi32>, i32 -> vector<1x512x128xi32>
    %roll3A_1712 = arith.constant 124 : i32
    %roll3A_1713 = tpu.dynamic_rotate %select_n3A_1698 by %roll3A_1712 dim 2 : vector<1x512x128xi32>, i32 -> vector<1x512x128xi32>
    %select_n3A_1714 = arith.select %ne3A_1704, %roll3A_1711, %roll3A_1713 : vector<1x512x128xi1>, vector<1x512x128xi32>
    %xor3A_1715 = arith.xori %ne3A_1704, %ne3A_1498 : vector<1x512x128xi1>
    %gt3A_1716 = arith.cmpi sgt, %select_n3A_1697, %select_n3A_1709 : vector<1x512x128xi32>
    %eq3A_1717 = arith.cmpi eq, %select_n3A_1697, %select_n3A_1709 : vector<1x512x128xi32>
    %lt3A_1718 = arith.cmpi slt, %select_n3A_1698, %select_n3A_1714 : vector<1x512x128xi32>
    %and3A_1719 = arith.andi %eq3A_1717, %lt3A_1718 : vector<1x512x128xi1>
    %or3A_1720 = arith.ori %gt3A_1716, %and3A_1719 : vector<1x512x128xi1>
    %xor3A_1721 = arith.xori %or3A_1720, %xor3A_1715 : vector<1x512x128xi1>
    %select_n3A_1722 = arith.select %xor3A_1721, %select_n3A_1697, %select_n3A_1709 : vector<1x512x128xi1>, vector<1x512x128xi32>
    %select_n3A_1723 = arith.select %xor3A_1721, %select_n3A_1698, %select_n3A_1714 : vector<1x512x128xi1>, vector<1x512x128xi32>
    %and3A_1724 = arith.constant 2 : i32
    %and3A_1725 = vector.broadcast %and3A_1724 : i32 to vector<1x512x128xi32>
    %and3A_1726 = arith.andi %iota3A_0, %and3A_1725 : vector<1x512x128xi32>
    %ne3A_1727 = arith.constant 0 : i32
    %ne3A_1728 = vector.broadcast %ne3A_1727 : i32 to vector<1x512x128xi32>
    %ne3A_1729 = arith.cmpi ne, %and3A_1726, %ne3A_1728 : vector<1x512x128xi32>
    %roll3A_1730 = arith.constant 2 : i32
    %roll3A_1731 = tpu.dynamic_rotate %select_n3A_1722 by %roll3A_1730 dim 2 : vector<1x512x128xi32>, i32 -> vector<1x512x128xi32>
    %roll3A_1732 = arith.constant 126 : i32
    %roll3A_1733 = tpu.dynamic_rotate %select_n3A_1722 by %roll3A_1732 dim 2 : vector<1x512x128xi32>, i32 -> vector<1x512x128xi32>
    %select_n3A_1734 = arith.select %ne3A_1729, %roll3A_1731, %roll3A_1733 : vector<1x512x128xi1>, vector<1x512x128xi32>
    %roll3A_1735 = arith.constant 2 : i32
    %roll3A_1736 = tpu.dynamic_rotate %select_n3A_1723 by %roll3A_1735 dim 2 : vector<1x512x128xi32>, i32 -> vector<1x512x128xi32>
    %roll3A_1737 = arith.constant 126 : i32
    %roll3A_1738 = tpu.dynamic_rotate %select_n3A_1723 by %roll3A_1737 dim 2 : vector<1x512x128xi32>, i32 -> vector<1x512x128xi32>
    %select_n3A_1739 = arith.select %ne3A_1729, %roll3A_1736, %roll3A_1738 : vector<1x512x128xi1>, vector<1x512x128xi32>
    %xor3A_1740 = arith.xori %ne3A_1729, %ne3A_1498 : vector<1x512x128xi1>
    %gt3A_1741 = arith.cmpi sgt, %select_n3A_1722, %select_n3A_1734 : vector<1x512x128xi32>
    %eq3A_1742 = arith.cmpi eq, %select_n3A_1722, %select_n3A_1734 : vector<1x512x128xi32>
    %lt3A_1743 = arith.cmpi slt, %select_n3A_1723, %select_n3A_1739 : vector<1x512x128xi32>
    %and3A_1744 = arith.andi %eq3A_1742, %lt3A_1743 : vector<1x512x128xi1>
    %or3A_1745 = arith.ori %gt3A_1741, %and3A_1744 : vector<1x512x128xi1>
    %xor3A_1746 = arith.xori %or3A_1745, %xor3A_1740 : vector<1x512x128xi1>
    %select_n3A_1747 = arith.select %xor3A_1746, %select_n3A_1722, %select_n3A_1734 : vector<1x512x128xi1>, vector<1x512x128xi32>
    %select_n3A_1748 = arith.select %xor3A_1746, %select_n3A_1723, %select_n3A_1739 : vector<1x512x128xi1>, vector<1x512x128xi32>
    %and3A_1749 = arith.constant 1 : i32
    %and3A_1750 = vector.broadcast %and3A_1749 : i32 to vector<1x512x128xi32>
    %and3A_1751 = arith.andi %iota3A_0, %and3A_1750 : vector<1x512x128xi32>
    %ne3A_1752 = arith.constant 0 : i32
    %ne3A_1753 = vector.broadcast %ne3A_1752 : i32 to vector<1x512x128xi32>
    %ne3A_1754 = arith.cmpi ne, %and3A_1751, %ne3A_1753 : vector<1x512x128xi32>
    %roll3A_1755 = arith.constant 1 : i32
    %roll3A_1756 = tpu.dynamic_rotate %select_n3A_1747 by %roll3A_1755 dim 2 : vector<1x512x128xi32>, i32 -> vector<1x512x128xi32>
    %roll3A_1757 = arith.constant 127 : i32
    %roll3A_1758 = tpu.dynamic_rotate %select_n3A_1747 by %roll3A_1757 dim 2 : vector<1x512x128xi32>, i32 -> vector<1x512x128xi32>
    %select_n3A_1759 = arith.select %ne3A_1754, %roll3A_1756, %roll3A_1758 : vector<1x512x128xi1>, vector<1x512x128xi32>
    %roll3A_1760 = arith.constant 1 : i32
    %roll3A_1761 = tpu.dynamic_rotate %select_n3A_1748 by %roll3A_1760 dim 2 : vector<1x512x128xi32>, i32 -> vector<1x512x128xi32>
    %roll3A_1762 = arith.constant 127 : i32
    %roll3A_1763 = tpu.dynamic_rotate %select_n3A_1748 by %roll3A_1762 dim 2 : vector<1x512x128xi32>, i32 -> vector<1x512x128xi32>
    %select_n3A_1764 = arith.select %ne3A_1754, %roll3A_1761, %roll3A_1763 : vector<1x512x128xi1>, vector<1x512x128xi32>
    %xor3A_1765 = arith.xori %ne3A_1754, %ne3A_1498 : vector<1x512x128xi1>
    %gt3A_1766 = arith.cmpi sgt, %select_n3A_1747, %select_n3A_1759 : vector<1x512x128xi32>
    %eq3A_1767 = arith.cmpi eq, %select_n3A_1747, %select_n3A_1759 : vector<1x512x128xi32>
    %lt3A_1768 = arith.cmpi slt, %select_n3A_1748, %select_n3A_1764 : vector<1x512x128xi32>
    %and3A_1769 = arith.andi %eq3A_1767, %lt3A_1768 : vector<1x512x128xi1>
    %or3A_1770 = arith.ori %gt3A_1766, %and3A_1769 : vector<1x512x128xi1>
    %xor3A_1771 = arith.xori %or3A_1770, %xor3A_1765 : vector<1x512x128xi1>
    %select_n3A_1772 = arith.select %xor3A_1771, %select_n3A_1747, %select_n3A_1759 : vector<1x512x128xi1>, vector<1x512x128xi32>
    %select_n3A_1773 = arith.select %xor3A_1771, %select_n3A_1748, %select_n3A_1764 : vector<1x512x128xi1>, vector<1x512x128xi32>
    %and3A_1774 = arith.constant 4096 : i32
    %and3A_1775 = vector.broadcast %and3A_1774 : i32 to vector<1x512x128xi32>
    %and3A_1776 = arith.andi %add3A, %and3A_1775 : vector<1x512x128xi32>
    %ne3A_1777 = arith.constant 0 : i32
    %ne3A_1778 = vector.broadcast %ne3A_1777 : i32 to vector<1x512x128xi32>
    %ne3A_1779 = arith.cmpi ne, %and3A_1776, %ne3A_1778 : vector<1x512x128xi32>
    %and3A_1780 = arith.constant 16 : i32
    %and3A_1781 = vector.broadcast %and3A_1780 : i32 to vector<1x512x128xi32>
    %and3A_1782 = arith.andi %iota3A, %and3A_1781 : vector<1x512x128xi32>
    %ne3A_1783 = arith.constant 0 : i32
    %ne3A_1784 = vector.broadcast %ne3A_1783 : i32 to vector<1x512x128xi32>
    %ne3A_1785 = arith.cmpi ne, %and3A_1782, %ne3A_1784 : vector<1x512x128xi32>
    %roll3A_1786 = arith.constant 16 : i32
    %roll3A_1787 = tpu.dynamic_rotate %select_n3A_1772 by %roll3A_1786 dim 1 : vector<1x512x128xi32>, i32 -> vector<1x512x128xi32>
    %roll3A_1788 = arith.constant 496 : i32
    %roll3A_1789 = tpu.dynamic_rotate %select_n3A_1772 by %roll3A_1788 dim 1 : vector<1x512x128xi32>, i32 -> vector<1x512x128xi32>
    %select_n3A_1790 = arith.select %ne3A_1785, %roll3A_1787, %roll3A_1789 : vector<1x512x128xi1>, vector<1x512x128xi32>
    %roll3A_1791 = arith.constant 16 : i32
    %roll3A_1792 = tpu.dynamic_rotate %select_n3A_1773 by %roll3A_1791 dim 1 : vector<1x512x128xi32>, i32 -> vector<1x512x128xi32>
    %roll3A_1793 = arith.constant 496 : i32
    %roll3A_1794 = tpu.dynamic_rotate %select_n3A_1773 by %roll3A_1793 dim 1 : vector<1x512x128xi32>, i32 -> vector<1x512x128xi32>
    %select_n3A_1795 = arith.select %ne3A_1785, %roll3A_1792, %roll3A_1794 : vector<1x512x128xi1>, vector<1x512x128xi32>
    %xor3A_1796 = arith.xori %ne3A_1785, %ne3A_1779 : vector<1x512x128xi1>
    %gt3A_1797 = arith.cmpi sgt, %select_n3A_1772, %select_n3A_1790 : vector<1x512x128xi32>
    %eq3A_1798 = arith.cmpi eq, %select_n3A_1772, %select_n3A_1790 : vector<1x512x128xi32>
    %lt3A_1799 = arith.cmpi slt, %select_n3A_1773, %select_n3A_1795 : vector<1x512x128xi32>
    %and3A_1800 = arith.andi %eq3A_1798, %lt3A_1799 : vector<1x512x128xi1>
    %or3A_1801 = arith.ori %gt3A_1797, %and3A_1800 : vector<1x512x128xi1>
    %xor3A_1802 = arith.xori %or3A_1801, %xor3A_1796 : vector<1x512x128xi1>
    %select_n3A_1803 = arith.select %xor3A_1802, %select_n3A_1772, %select_n3A_1790 : vector<1x512x128xi1>, vector<1x512x128xi32>
    %select_n3A_1804 = arith.select %xor3A_1802, %select_n3A_1773, %select_n3A_1795 : vector<1x512x128xi1>, vector<1x512x128xi32>
    %and3A_1805 = arith.constant 8 : i32
    %and3A_1806 = vector.broadcast %and3A_1805 : i32 to vector<1x512x128xi32>
    %and3A_1807 = arith.andi %iota3A, %and3A_1806 : vector<1x512x128xi32>
    %ne3A_1808 = arith.constant 0 : i32
    %ne3A_1809 = vector.broadcast %ne3A_1808 : i32 to vector<1x512x128xi32>
    %ne3A_1810 = arith.cmpi ne, %and3A_1807, %ne3A_1809 : vector<1x512x128xi32>
    %roll3A_1811 = arith.constant 8 : i32
    %roll3A_1812 = tpu.dynamic_rotate %select_n3A_1803 by %roll3A_1811 dim 1 : vector<1x512x128xi32>, i32 -> vector<1x512x128xi32>
    %roll3A_1813 = arith.constant 504 : i32
    %roll3A_1814 = tpu.dynamic_rotate %select_n3A_1803 by %roll3A_1813 dim 1 : vector<1x512x128xi32>, i32 -> vector<1x512x128xi32>
    %select_n3A_1815 = arith.select %ne3A_1810, %roll3A_1812, %roll3A_1814 : vector<1x512x128xi1>, vector<1x512x128xi32>
    %roll3A_1816 = arith.constant 8 : i32
    %roll3A_1817 = tpu.dynamic_rotate %select_n3A_1804 by %roll3A_1816 dim 1 : vector<1x512x128xi32>, i32 -> vector<1x512x128xi32>
    %roll3A_1818 = arith.constant 504 : i32
    %roll3A_1819 = tpu.dynamic_rotate %select_n3A_1804 by %roll3A_1818 dim 1 : vector<1x512x128xi32>, i32 -> vector<1x512x128xi32>
    %select_n3A_1820 = arith.select %ne3A_1810, %roll3A_1817, %roll3A_1819 : vector<1x512x128xi1>, vector<1x512x128xi32>
    %xor3A_1821 = arith.xori %ne3A_1810, %ne3A_1779 : vector<1x512x128xi1>
    %gt3A_1822 = arith.cmpi sgt, %select_n3A_1803, %select_n3A_1815 : vector<1x512x128xi32>
    %eq3A_1823 = arith.cmpi eq, %select_n3A_1803, %select_n3A_1815 : vector<1x512x128xi32>
    %lt3A_1824 = arith.cmpi slt, %select_n3A_1804, %select_n3A_1820 : vector<1x512x128xi32>
    %and3A_1825 = arith.andi %eq3A_1823, %lt3A_1824 : vector<1x512x128xi1>
    %or3A_1826 = arith.ori %gt3A_1822, %and3A_1825 : vector<1x512x128xi1>
    %xor3A_1827 = arith.xori %or3A_1826, %xor3A_1821 : vector<1x512x128xi1>
    %select_n3A_1828 = arith.select %xor3A_1827, %select_n3A_1803, %select_n3A_1815 : vector<1x512x128xi1>, vector<1x512x128xi32>
    %select_n3A_1829 = arith.select %xor3A_1827, %select_n3A_1804, %select_n3A_1820 : vector<1x512x128xi1>, vector<1x512x128xi32>
    %and3A_1830 = arith.constant 4 : i32
    %and3A_1831 = vector.broadcast %and3A_1830 : i32 to vector<1x512x128xi32>
    %and3A_1832 = arith.andi %iota3A, %and3A_1831 : vector<1x512x128xi32>
    %ne3A_1833 = arith.constant 0 : i32
    %ne3A_1834 = vector.broadcast %ne3A_1833 : i32 to vector<1x512x128xi32>
    %ne3A_1835 = arith.cmpi ne, %and3A_1832, %ne3A_1834 : vector<1x512x128xi32>
    %roll3A_1836 = arith.constant 4 : i32
    %roll3A_1837 = tpu.dynamic_rotate %select_n3A_1828 by %roll3A_1836 dim 1 : vector<1x512x128xi32>, i32 -> vector<1x512x128xi32>
    %roll3A_1838 = arith.constant 508 : i32
    %roll3A_1839 = tpu.dynamic_rotate %select_n3A_1828 by %roll3A_1838 dim 1 : vector<1x512x128xi32>, i32 -> vector<1x512x128xi32>
    %select_n3A_1840 = arith.select %ne3A_1835, %roll3A_1837, %roll3A_1839 : vector<1x512x128xi1>, vector<1x512x128xi32>
    %roll3A_1841 = arith.constant 4 : i32
    %roll3A_1842 = tpu.dynamic_rotate %select_n3A_1829 by %roll3A_1841 dim 1 : vector<1x512x128xi32>, i32 -> vector<1x512x128xi32>
    %roll3A_1843 = arith.constant 508 : i32
    %roll3A_1844 = tpu.dynamic_rotate %select_n3A_1829 by %roll3A_1843 dim 1 : vector<1x512x128xi32>, i32 -> vector<1x512x128xi32>
    %select_n3A_1845 = arith.select %ne3A_1835, %roll3A_1842, %roll3A_1844 : vector<1x512x128xi1>, vector<1x512x128xi32>
    %xor3A_1846 = arith.xori %ne3A_1835, %ne3A_1779 : vector<1x512x128xi1>
    %gt3A_1847 = arith.cmpi sgt, %select_n3A_1828, %select_n3A_1840 : vector<1x512x128xi32>
    %eq3A_1848 = arith.cmpi eq, %select_n3A_1828, %select_n3A_1840 : vector<1x512x128xi32>
    %lt3A_1849 = arith.cmpi slt, %select_n3A_1829, %select_n3A_1845 : vector<1x512x128xi32>
    %and3A_1850 = arith.andi %eq3A_1848, %lt3A_1849 : vector<1x512x128xi1>
    %or3A_1851 = arith.ori %gt3A_1847, %and3A_1850 : vector<1x512x128xi1>
    %xor3A_1852 = arith.xori %or3A_1851, %xor3A_1846 : vector<1x512x128xi1>
    %select_n3A_1853 = arith.select %xor3A_1852, %select_n3A_1828, %select_n3A_1840 : vector<1x512x128xi1>, vector<1x512x128xi32>
    %select_n3A_1854 = arith.select %xor3A_1852, %select_n3A_1829, %select_n3A_1845 : vector<1x512x128xi1>, vector<1x512x128xi32>
    %and3A_1855 = arith.constant 2 : i32
    %and3A_1856 = vector.broadcast %and3A_1855 : i32 to vector<1x512x128xi32>
    %and3A_1857 = arith.andi %iota3A, %and3A_1856 : vector<1x512x128xi32>
    %ne3A_1858 = arith.constant 0 : i32
    %ne3A_1859 = vector.broadcast %ne3A_1858 : i32 to vector<1x512x128xi32>
    %ne3A_1860 = arith.cmpi ne, %and3A_1857, %ne3A_1859 : vector<1x512x128xi32>
    %roll3A_1861 = arith.constant 2 : i32
    %roll3A_1862 = tpu.dynamic_rotate %select_n3A_1853 by %roll3A_1861 dim 1 : vector<1x512x128xi32>, i32 -> vector<1x512x128xi32>
    %roll3A_1863 = arith.constant 510 : i32
    %roll3A_1864 = tpu.dynamic_rotate %select_n3A_1853 by %roll3A_1863 dim 1 : vector<1x512x128xi32>, i32 -> vector<1x512x128xi32>
    %select_n3A_1865 = arith.select %ne3A_1860, %roll3A_1862, %roll3A_1864 : vector<1x512x128xi1>, vector<1x512x128xi32>
    %roll3A_1866 = arith.constant 2 : i32
    %roll3A_1867 = tpu.dynamic_rotate %select_n3A_1854 by %roll3A_1866 dim 1 : vector<1x512x128xi32>, i32 -> vector<1x512x128xi32>
    %roll3A_1868 = arith.constant 510 : i32
    %roll3A_1869 = tpu.dynamic_rotate %select_n3A_1854 by %roll3A_1868 dim 1 : vector<1x512x128xi32>, i32 -> vector<1x512x128xi32>
    %select_n3A_1870 = arith.select %ne3A_1860, %roll3A_1867, %roll3A_1869 : vector<1x512x128xi1>, vector<1x512x128xi32>
    %xor3A_1871 = arith.xori %ne3A_1860, %ne3A_1779 : vector<1x512x128xi1>
    %gt3A_1872 = arith.cmpi sgt, %select_n3A_1853, %select_n3A_1865 : vector<1x512x128xi32>
    %eq3A_1873 = arith.cmpi eq, %select_n3A_1853, %select_n3A_1865 : vector<1x512x128xi32>
    %lt3A_1874 = arith.cmpi slt, %select_n3A_1854, %select_n3A_1870 : vector<1x512x128xi32>
    %and3A_1875 = arith.andi %eq3A_1873, %lt3A_1874 : vector<1x512x128xi1>
    %or3A_1876 = arith.ori %gt3A_1872, %and3A_1875 : vector<1x512x128xi1>
    %xor3A_1877 = arith.xori %or3A_1876, %xor3A_1871 : vector<1x512x128xi1>
    %select_n3A_1878 = arith.select %xor3A_1877, %select_n3A_1853, %select_n3A_1865 : vector<1x512x128xi1>, vector<1x512x128xi32>
    %select_n3A_1879 = arith.select %xor3A_1877, %select_n3A_1854, %select_n3A_1870 : vector<1x512x128xi1>, vector<1x512x128xi32>
    %and3A_1880 = arith.constant 1 : i32
    %and3A_1881 = vector.broadcast %and3A_1880 : i32 to vector<1x512x128xi32>
    %and3A_1882 = arith.andi %iota3A, %and3A_1881 : vector<1x512x128xi32>
    %ne3A_1883 = arith.constant 0 : i32
    %ne3A_1884 = vector.broadcast %ne3A_1883 : i32 to vector<1x512x128xi32>
    %ne3A_1885 = arith.cmpi ne, %and3A_1882, %ne3A_1884 : vector<1x512x128xi32>
    %roll3A_1886 = arith.constant 1 : i32
    %roll3A_1887 = tpu.dynamic_rotate %select_n3A_1878 by %roll3A_1886 dim 1 : vector<1x512x128xi32>, i32 -> vector<1x512x128xi32>
    %roll3A_1888 = arith.constant 511 : i32
    %roll3A_1889 = tpu.dynamic_rotate %select_n3A_1878 by %roll3A_1888 dim 1 : vector<1x512x128xi32>, i32 -> vector<1x512x128xi32>
    %select_n3A_1890 = arith.select %ne3A_1885, %roll3A_1887, %roll3A_1889 : vector<1x512x128xi1>, vector<1x512x128xi32>
    %roll3A_1891 = arith.constant 1 : i32
    %roll3A_1892 = tpu.dynamic_rotate %select_n3A_1879 by %roll3A_1891 dim 1 : vector<1x512x128xi32>, i32 -> vector<1x512x128xi32>
    %roll3A_1893 = arith.constant 511 : i32
    %roll3A_1894 = tpu.dynamic_rotate %select_n3A_1879 by %roll3A_1893 dim 1 : vector<1x512x128xi32>, i32 -> vector<1x512x128xi32>
    %select_n3A_1895 = arith.select %ne3A_1885, %roll3A_1892, %roll3A_1894 : vector<1x512x128xi1>, vector<1x512x128xi32>
    %xor3A_1896 = arith.xori %ne3A_1885, %ne3A_1779 : vector<1x512x128xi1>
    %gt3A_1897 = arith.cmpi sgt, %select_n3A_1878, %select_n3A_1890 : vector<1x512x128xi32>
    %eq3A_1898 = arith.cmpi eq, %select_n3A_1878, %select_n3A_1890 : vector<1x512x128xi32>
    %lt3A_1899 = arith.cmpi slt, %select_n3A_1879, %select_n3A_1895 : vector<1x512x128xi32>
    %and3A_1900 = arith.andi %eq3A_1898, %lt3A_1899 : vector<1x512x128xi1>
    %or3A_1901 = arith.ori %gt3A_1897, %and3A_1900 : vector<1x512x128xi1>
    %xor3A_1902 = arith.xori %or3A_1901, %xor3A_1896 : vector<1x512x128xi1>
    %select_n3A_1903 = arith.select %xor3A_1902, %select_n3A_1878, %select_n3A_1890 : vector<1x512x128xi1>, vector<1x512x128xi32>
    %select_n3A_1904 = arith.select %xor3A_1902, %select_n3A_1879, %select_n3A_1895 : vector<1x512x128xi1>, vector<1x512x128xi32>
    %and3A_1905 = arith.constant 64 : i32
    %and3A_1906 = vector.broadcast %and3A_1905 : i32 to vector<1x512x128xi32>
    %and3A_1907 = arith.andi %iota3A_0, %and3A_1906 : vector<1x512x128xi32>
    %ne3A_1908 = arith.constant 0 : i32
    %ne3A_1909 = vector.broadcast %ne3A_1908 : i32 to vector<1x512x128xi32>
    %ne3A_1910 = arith.cmpi ne, %and3A_1907, %ne3A_1909 : vector<1x512x128xi32>
    %roll3A_1911 = arith.constant 64 : i32
    %roll3A_1912 = tpu.dynamic_rotate %select_n3A_1903 by %roll3A_1911 dim 2 : vector<1x512x128xi32>, i32 -> vector<1x512x128xi32>
    %roll3A_1913 = arith.constant 64 : i32
    %roll3A_1914 = tpu.dynamic_rotate %select_n3A_1903 by %roll3A_1913 dim 2 : vector<1x512x128xi32>, i32 -> vector<1x512x128xi32>
    %select_n3A_1915 = arith.select %ne3A_1910, %roll3A_1912, %roll3A_1914 : vector<1x512x128xi1>, vector<1x512x128xi32>
    %roll3A_1916 = arith.constant 64 : i32
    %roll3A_1917 = tpu.dynamic_rotate %select_n3A_1904 by %roll3A_1916 dim 2 : vector<1x512x128xi32>, i32 -> vector<1x512x128xi32>
    %roll3A_1918 = arith.constant 64 : i32
    %roll3A_1919 = tpu.dynamic_rotate %select_n3A_1904 by %roll3A_1918 dim 2 : vector<1x512x128xi32>, i32 -> vector<1x512x128xi32>
    %select_n3A_1920 = arith.select %ne3A_1910, %roll3A_1917, %roll3A_1919 : vector<1x512x128xi1>, vector<1x512x128xi32>
    %xor3A_1921 = arith.xori %ne3A_1910, %ne3A_1779 : vector<1x512x128xi1>
    %gt3A_1922 = arith.cmpi sgt, %select_n3A_1903, %select_n3A_1915 : vector<1x512x128xi32>
    %eq3A_1923 = arith.cmpi eq, %select_n3A_1903, %select_n3A_1915 : vector<1x512x128xi32>
    %lt3A_1924 = arith.cmpi slt, %select_n3A_1904, %select_n3A_1920 : vector<1x512x128xi32>
    %and3A_1925 = arith.andi %eq3A_1923, %lt3A_1924 : vector<1x512x128xi1>
    %or3A_1926 = arith.ori %gt3A_1922, %and3A_1925 : vector<1x512x128xi1>
    %xor3A_1927 = arith.xori %or3A_1926, %xor3A_1921 : vector<1x512x128xi1>
    %select_n3A_1928 = arith.select %xor3A_1927, %select_n3A_1903, %select_n3A_1915 : vector<1x512x128xi1>, vector<1x512x128xi32>
    %select_n3A_1929 = arith.select %xor3A_1927, %select_n3A_1904, %select_n3A_1920 : vector<1x512x128xi1>, vector<1x512x128xi32>
    %and3A_1930 = arith.constant 32 : i32
    %and3A_1931 = vector.broadcast %and3A_1930 : i32 to vector<1x512x128xi32>
    %and3A_1932 = arith.andi %iota3A_0, %and3A_1931 : vector<1x512x128xi32>
    %ne3A_1933 = arith.constant 0 : i32
    %ne3A_1934 = vector.broadcast %ne3A_1933 : i32 to vector<1x512x128xi32>
    %ne3A_1935 = arith.cmpi ne, %and3A_1932, %ne3A_1934 : vector<1x512x128xi32>
    %roll3A_1936 = arith.constant 32 : i32
    %roll3A_1937 = tpu.dynamic_rotate %select_n3A_1928 by %roll3A_1936 dim 2 : vector<1x512x128xi32>, i32 -> vector<1x512x128xi32>
    %roll3A_1938 = arith.constant 96 : i32
    %roll3A_1939 = tpu.dynamic_rotate %select_n3A_1928 by %roll3A_1938 dim 2 : vector<1x512x128xi32>, i32 -> vector<1x512x128xi32>
    %select_n3A_1940 = arith.select %ne3A_1935, %roll3A_1937, %roll3A_1939 : vector<1x512x128xi1>, vector<1x512x128xi32>
    %roll3A_1941 = arith.constant 32 : i32
    %roll3A_1942 = tpu.dynamic_rotate %select_n3A_1929 by %roll3A_1941 dim 2 : vector<1x512x128xi32>, i32 -> vector<1x512x128xi32>
    %roll3A_1943 = arith.constant 96 : i32
    %roll3A_1944 = tpu.dynamic_rotate %select_n3A_1929 by %roll3A_1943 dim 2 : vector<1x512x128xi32>, i32 -> vector<1x512x128xi32>
    %select_n3A_1945 = arith.select %ne3A_1935, %roll3A_1942, %roll3A_1944 : vector<1x512x128xi1>, vector<1x512x128xi32>
    %xor3A_1946 = arith.xori %ne3A_1935, %ne3A_1779 : vector<1x512x128xi1>
    %gt3A_1947 = arith.cmpi sgt, %select_n3A_1928, %select_n3A_1940 : vector<1x512x128xi32>
    %eq3A_1948 = arith.cmpi eq, %select_n3A_1928, %select_n3A_1940 : vector<1x512x128xi32>
    %lt3A_1949 = arith.cmpi slt, %select_n3A_1929, %select_n3A_1945 : vector<1x512x128xi32>
    %and3A_1950 = arith.andi %eq3A_1948, %lt3A_1949 : vector<1x512x128xi1>
    %or3A_1951 = arith.ori %gt3A_1947, %and3A_1950 : vector<1x512x128xi1>
    %xor3A_1952 = arith.xori %or3A_1951, %xor3A_1946 : vector<1x512x128xi1>
    %select_n3A_1953 = arith.select %xor3A_1952, %select_n3A_1928, %select_n3A_1940 : vector<1x512x128xi1>, vector<1x512x128xi32>
    %select_n3A_1954 = arith.select %xor3A_1952, %select_n3A_1929, %select_n3A_1945 : vector<1x512x128xi1>, vector<1x512x128xi32>
    %and3A_1955 = arith.constant 16 : i32
    %and3A_1956 = vector.broadcast %and3A_1955 : i32 to vector<1x512x128xi32>
    %and3A_1957 = arith.andi %iota3A_0, %and3A_1956 : vector<1x512x128xi32>
    %ne3A_1958 = arith.constant 0 : i32
    %ne3A_1959 = vector.broadcast %ne3A_1958 : i32 to vector<1x512x128xi32>
    %ne3A_1960 = arith.cmpi ne, %and3A_1957, %ne3A_1959 : vector<1x512x128xi32>
    %roll3A_1961 = arith.constant 16 : i32
    %roll3A_1962 = tpu.dynamic_rotate %select_n3A_1953 by %roll3A_1961 dim 2 : vector<1x512x128xi32>, i32 -> vector<1x512x128xi32>
    %roll3A_1963 = arith.constant 112 : i32
    %roll3A_1964 = tpu.dynamic_rotate %select_n3A_1953 by %roll3A_1963 dim 2 : vector<1x512x128xi32>, i32 -> vector<1x512x128xi32>
    %select_n3A_1965 = arith.select %ne3A_1960, %roll3A_1962, %roll3A_1964 : vector<1x512x128xi1>, vector<1x512x128xi32>
    %roll3A_1966 = arith.constant 16 : i32
    %roll3A_1967 = tpu.dynamic_rotate %select_n3A_1954 by %roll3A_1966 dim 2 : vector<1x512x128xi32>, i32 -> vector<1x512x128xi32>
    %roll3A_1968 = arith.constant 112 : i32
    %roll3A_1969 = tpu.dynamic_rotate %select_n3A_1954 by %roll3A_1968 dim 2 : vector<1x512x128xi32>, i32 -> vector<1x512x128xi32>
    %select_n3A_1970 = arith.select %ne3A_1960, %roll3A_1967, %roll3A_1969 : vector<1x512x128xi1>, vector<1x512x128xi32>
    %xor3A_1971 = arith.xori %ne3A_1960, %ne3A_1779 : vector<1x512x128xi1>
    %gt3A_1972 = arith.cmpi sgt, %select_n3A_1953, %select_n3A_1965 : vector<1x512x128xi32>
    %eq3A_1973 = arith.cmpi eq, %select_n3A_1953, %select_n3A_1965 : vector<1x512x128xi32>
    %lt3A_1974 = arith.cmpi slt, %select_n3A_1954, %select_n3A_1970 : vector<1x512x128xi32>
    %and3A_1975 = arith.andi %eq3A_1973, %lt3A_1974 : vector<1x512x128xi1>
    %or3A_1976 = arith.ori %gt3A_1972, %and3A_1975 : vector<1x512x128xi1>
    %xor3A_1977 = arith.xori %or3A_1976, %xor3A_1971 : vector<1x512x128xi1>
    %select_n3A_1978 = arith.select %xor3A_1977, %select_n3A_1953, %select_n3A_1965 : vector<1x512x128xi1>, vector<1x512x128xi32>
    %select_n3A_1979 = arith.select %xor3A_1977, %select_n3A_1954, %select_n3A_1970 : vector<1x512x128xi1>, vector<1x512x128xi32>
    %and3A_1980 = arith.constant 8 : i32
    %and3A_1981 = vector.broadcast %and3A_1980 : i32 to vector<1x512x128xi32>
    %and3A_1982 = arith.andi %iota3A_0, %and3A_1981 : vector<1x512x128xi32>
    %ne3A_1983 = arith.constant 0 : i32
    %ne3A_1984 = vector.broadcast %ne3A_1983 : i32 to vector<1x512x128xi32>
    %ne3A_1985 = arith.cmpi ne, %and3A_1982, %ne3A_1984 : vector<1x512x128xi32>
    %roll3A_1986 = arith.constant 8 : i32
    %roll3A_1987 = tpu.dynamic_rotate %select_n3A_1978 by %roll3A_1986 dim 2 : vector<1x512x128xi32>, i32 -> vector<1x512x128xi32>
    %roll3A_1988 = arith.constant 120 : i32
    %roll3A_1989 = tpu.dynamic_rotate %select_n3A_1978 by %roll3A_1988 dim 2 : vector<1x512x128xi32>, i32 -> vector<1x512x128xi32>
    %select_n3A_1990 = arith.select %ne3A_1985, %roll3A_1987, %roll3A_1989 : vector<1x512x128xi1>, vector<1x512x128xi32>
    %roll3A_1991 = arith.constant 8 : i32
    %roll3A_1992 = tpu.dynamic_rotate %select_n3A_1979 by %roll3A_1991 dim 2 : vector<1x512x128xi32>, i32 -> vector<1x512x128xi32>
    %roll3A_1993 = arith.constant 120 : i32
    %roll3A_1994 = tpu.dynamic_rotate %select_n3A_1979 by %roll3A_1993 dim 2 : vector<1x512x128xi32>, i32 -> vector<1x512x128xi32>
    %select_n3A_1995 = arith.select %ne3A_1985, %roll3A_1992, %roll3A_1994 : vector<1x512x128xi1>, vector<1x512x128xi32>
    %xor3A_1996 = arith.xori %ne3A_1985, %ne3A_1779 : vector<1x512x128xi1>
    %gt3A_1997 = arith.cmpi sgt, %select_n3A_1978, %select_n3A_1990 : vector<1x512x128xi32>
    %eq3A_1998 = arith.cmpi eq, %select_n3A_1978, %select_n3A_1990 : vector<1x512x128xi32>
    %lt3A_1999 = arith.cmpi slt, %select_n3A_1979, %select_n3A_1995 : vector<1x512x128xi32>
    %and3A_2000 = arith.andi %eq3A_1998, %lt3A_1999 : vector<1x512x128xi1>
    %or3A_2001 = arith.ori %gt3A_1997, %and3A_2000 : vector<1x512x128xi1>
    %xor3A_2002 = arith.xori %or3A_2001, %xor3A_1996 : vector<1x512x128xi1>
    %select_n3A_2003 = arith.select %xor3A_2002, %select_n3A_1978, %select_n3A_1990 : vector<1x512x128xi1>, vector<1x512x128xi32>
    %select_n3A_2004 = arith.select %xor3A_2002, %select_n3A_1979, %select_n3A_1995 : vector<1x512x128xi1>, vector<1x512x128xi32>
    %and3A_2005 = arith.constant 4 : i32
    %and3A_2006 = vector.broadcast %and3A_2005 : i32 to vector<1x512x128xi32>
    %and3A_2007 = arith.andi %iota3A_0, %and3A_2006 : vector<1x512x128xi32>
    %ne3A_2008 = arith.constant 0 : i32
    %ne3A_2009 = vector.broadcast %ne3A_2008 : i32 to vector<1x512x128xi32>
    %ne3A_2010 = arith.cmpi ne, %and3A_2007, %ne3A_2009 : vector<1x512x128xi32>
    %roll3A_2011 = arith.constant 4 : i32
    %roll3A_2012 = tpu.dynamic_rotate %select_n3A_2003 by %roll3A_2011 dim 2 : vector<1x512x128xi32>, i32 -> vector<1x512x128xi32>
    %roll3A_2013 = arith.constant 124 : i32
    %roll3A_2014 = tpu.dynamic_rotate %select_n3A_2003 by %roll3A_2013 dim 2 : vector<1x512x128xi32>, i32 -> vector<1x512x128xi32>
    %select_n3A_2015 = arith.select %ne3A_2010, %roll3A_2012, %roll3A_2014 : vector<1x512x128xi1>, vector<1x512x128xi32>
    %roll3A_2016 = arith.constant 4 : i32
    %roll3A_2017 = tpu.dynamic_rotate %select_n3A_2004 by %roll3A_2016 dim 2 : vector<1x512x128xi32>, i32 -> vector<1x512x128xi32>
    %roll3A_2018 = arith.constant 124 : i32
    %roll3A_2019 = tpu.dynamic_rotate %select_n3A_2004 by %roll3A_2018 dim 2 : vector<1x512x128xi32>, i32 -> vector<1x512x128xi32>
    %select_n3A_2020 = arith.select %ne3A_2010, %roll3A_2017, %roll3A_2019 : vector<1x512x128xi1>, vector<1x512x128xi32>
    %xor3A_2021 = arith.xori %ne3A_2010, %ne3A_1779 : vector<1x512x128xi1>
    %gt3A_2022 = arith.cmpi sgt, %select_n3A_2003, %select_n3A_2015 : vector<1x512x128xi32>
    %eq3A_2023 = arith.cmpi eq, %select_n3A_2003, %select_n3A_2015 : vector<1x512x128xi32>
    %lt3A_2024 = arith.cmpi slt, %select_n3A_2004, %select_n3A_2020 : vector<1x512x128xi32>
    %and3A_2025 = arith.andi %eq3A_2023, %lt3A_2024 : vector<1x512x128xi1>
    %or3A_2026 = arith.ori %gt3A_2022, %and3A_2025 : vector<1x512x128xi1>
    %xor3A_2027 = arith.xori %or3A_2026, %xor3A_2021 : vector<1x512x128xi1>
    %select_n3A_2028 = arith.select %xor3A_2027, %select_n3A_2003, %select_n3A_2015 : vector<1x512x128xi1>, vector<1x512x128xi32>
    %select_n3A_2029 = arith.select %xor3A_2027, %select_n3A_2004, %select_n3A_2020 : vector<1x512x128xi1>, vector<1x512x128xi32>
    %and3A_2030 = arith.constant 2 : i32
    %and3A_2031 = vector.broadcast %and3A_2030 : i32 to vector<1x512x128xi32>
    %and3A_2032 = arith.andi %iota3A_0, %and3A_2031 : vector<1x512x128xi32>
    %ne3A_2033 = arith.constant 0 : i32
    %ne3A_2034 = vector.broadcast %ne3A_2033 : i32 to vector<1x512x128xi32>
    %ne3A_2035 = arith.cmpi ne, %and3A_2032, %ne3A_2034 : vector<1x512x128xi32>
    %roll3A_2036 = arith.constant 2 : i32
    %roll3A_2037 = tpu.dynamic_rotate %select_n3A_2028 by %roll3A_2036 dim 2 : vector<1x512x128xi32>, i32 -> vector<1x512x128xi32>
    %roll3A_2038 = arith.constant 126 : i32
    %roll3A_2039 = tpu.dynamic_rotate %select_n3A_2028 by %roll3A_2038 dim 2 : vector<1x512x128xi32>, i32 -> vector<1x512x128xi32>
    %select_n3A_2040 = arith.select %ne3A_2035, %roll3A_2037, %roll3A_2039 : vector<1x512x128xi1>, vector<1x512x128xi32>
    %roll3A_2041 = arith.constant 2 : i32
    %roll3A_2042 = tpu.dynamic_rotate %select_n3A_2029 by %roll3A_2041 dim 2 : vector<1x512x128xi32>, i32 -> vector<1x512x128xi32>
    %roll3A_2043 = arith.constant 126 : i32
    %roll3A_2044 = tpu.dynamic_rotate %select_n3A_2029 by %roll3A_2043 dim 2 : vector<1x512x128xi32>, i32 -> vector<1x512x128xi32>
    %select_n3A_2045 = arith.select %ne3A_2035, %roll3A_2042, %roll3A_2044 : vector<1x512x128xi1>, vector<1x512x128xi32>
    %xor3A_2046 = arith.xori %ne3A_2035, %ne3A_1779 : vector<1x512x128xi1>
    %gt3A_2047 = arith.cmpi sgt, %select_n3A_2028, %select_n3A_2040 : vector<1x512x128xi32>
    %eq3A_2048 = arith.cmpi eq, %select_n3A_2028, %select_n3A_2040 : vector<1x512x128xi32>
    %lt3A_2049 = arith.cmpi slt, %select_n3A_2029, %select_n3A_2045 : vector<1x512x128xi32>
    %and3A_2050 = arith.andi %eq3A_2048, %lt3A_2049 : vector<1x512x128xi1>
    %or3A_2051 = arith.ori %gt3A_2047, %and3A_2050 : vector<1x512x128xi1>
    %xor3A_2052 = arith.xori %or3A_2051, %xor3A_2046 : vector<1x512x128xi1>
    %select_n3A_2053 = arith.select %xor3A_2052, %select_n3A_2028, %select_n3A_2040 : vector<1x512x128xi1>, vector<1x512x128xi32>
    %select_n3A_2054 = arith.select %xor3A_2052, %select_n3A_2029, %select_n3A_2045 : vector<1x512x128xi1>, vector<1x512x128xi32>
    %and3A_2055 = arith.constant 1 : i32
    %and3A_2056 = vector.broadcast %and3A_2055 : i32 to vector<1x512x128xi32>
    %and3A_2057 = arith.andi %iota3A_0, %and3A_2056 : vector<1x512x128xi32>
    %ne3A_2058 = arith.constant 0 : i32
    %ne3A_2059 = vector.broadcast %ne3A_2058 : i32 to vector<1x512x128xi32>
    %ne3A_2060 = arith.cmpi ne, %and3A_2057, %ne3A_2059 : vector<1x512x128xi32>
    %roll3A_2061 = arith.constant 1 : i32
    %roll3A_2062 = tpu.dynamic_rotate %select_n3A_2053 by %roll3A_2061 dim 2 : vector<1x512x128xi32>, i32 -> vector<1x512x128xi32>
    %roll3A_2063 = arith.constant 127 : i32
    %roll3A_2064 = tpu.dynamic_rotate %select_n3A_2053 by %roll3A_2063 dim 2 : vector<1x512x128xi32>, i32 -> vector<1x512x128xi32>
    %select_n3A_2065 = arith.select %ne3A_2060, %roll3A_2062, %roll3A_2064 : vector<1x512x128xi1>, vector<1x512x128xi32>
    %roll3A_2066 = arith.constant 1 : i32
    %roll3A_2067 = tpu.dynamic_rotate %select_n3A_2054 by %roll3A_2066 dim 2 : vector<1x512x128xi32>, i32 -> vector<1x512x128xi32>
    %roll3A_2068 = arith.constant 127 : i32
    %roll3A_2069 = tpu.dynamic_rotate %select_n3A_2054 by %roll3A_2068 dim 2 : vector<1x512x128xi32>, i32 -> vector<1x512x128xi32>
    %select_n3A_2070 = arith.select %ne3A_2060, %roll3A_2067, %roll3A_2069 : vector<1x512x128xi1>, vector<1x512x128xi32>
    %xor3A_2071 = arith.xori %ne3A_2060, %ne3A_1779 : vector<1x512x128xi1>
    %gt3A_2072 = arith.cmpi sgt, %select_n3A_2053, %select_n3A_2065 : vector<1x512x128xi32>
    %eq3A_2073 = arith.cmpi eq, %select_n3A_2053, %select_n3A_2065 : vector<1x512x128xi32>
    %lt3A_2074 = arith.cmpi slt, %select_n3A_2054, %select_n3A_2070 : vector<1x512x128xi32>
    %and3A_2075 = arith.andi %eq3A_2073, %lt3A_2074 : vector<1x512x128xi1>
    %or3A_2076 = arith.ori %gt3A_2072, %and3A_2075 : vector<1x512x128xi1>
    %xor3A_2077 = arith.xori %or3A_2076, %xor3A_2071 : vector<1x512x128xi1>
    %select_n3A_2078 = arith.select %xor3A_2077, %select_n3A_2053, %select_n3A_2065 : vector<1x512x128xi1>, vector<1x512x128xi32>
    %select_n3A_2079 = arith.select %xor3A_2077, %select_n3A_2054, %select_n3A_2070 : vector<1x512x128xi1>, vector<1x512x128xi32>
    %and3A_2080 = arith.constant 8192 : i32
    %and3A_2081 = vector.broadcast %and3A_2080 : i32 to vector<1x512x128xi32>
    %and3A_2082 = arith.andi %add3A, %and3A_2081 : vector<1x512x128xi32>
    %ne3A_2083 = arith.constant 0 : i32
    %ne3A_2084 = vector.broadcast %ne3A_2083 : i32 to vector<1x512x128xi32>
    %ne3A_2085 = arith.cmpi ne, %and3A_2082, %ne3A_2084 : vector<1x512x128xi32>
    %and3A_2086 = arith.constant 32 : i32
    %and3A_2087 = vector.broadcast %and3A_2086 : i32 to vector<1x512x128xi32>
    %and3A_2088 = arith.andi %iota3A, %and3A_2087 : vector<1x512x128xi32>
    %ne3A_2089 = arith.constant 0 : i32
    %ne3A_2090 = vector.broadcast %ne3A_2089 : i32 to vector<1x512x128xi32>
    %ne3A_2091 = arith.cmpi ne, %and3A_2088, %ne3A_2090 : vector<1x512x128xi32>
    %roll3A_2092 = arith.constant 32 : i32
    %roll3A_2093 = tpu.dynamic_rotate %select_n3A_2078 by %roll3A_2092 dim 1 : vector<1x512x128xi32>, i32 -> vector<1x512x128xi32>
    %roll3A_2094 = arith.constant 480 : i32
    %roll3A_2095 = tpu.dynamic_rotate %select_n3A_2078 by %roll3A_2094 dim 1 : vector<1x512x128xi32>, i32 -> vector<1x512x128xi32>
    %select_n3A_2096 = arith.select %ne3A_2091, %roll3A_2093, %roll3A_2095 : vector<1x512x128xi1>, vector<1x512x128xi32>
    %roll3A_2097 = arith.constant 32 : i32
    %roll3A_2098 = tpu.dynamic_rotate %select_n3A_2079 by %roll3A_2097 dim 1 : vector<1x512x128xi32>, i32 -> vector<1x512x128xi32>
    %roll3A_2099 = arith.constant 480 : i32
    %roll3A_2100 = tpu.dynamic_rotate %select_n3A_2079 by %roll3A_2099 dim 1 : vector<1x512x128xi32>, i32 -> vector<1x512x128xi32>
    %select_n3A_2101 = arith.select %ne3A_2091, %roll3A_2098, %roll3A_2100 : vector<1x512x128xi1>, vector<1x512x128xi32>
    %xor3A_2102 = arith.xori %ne3A_2091, %ne3A_2085 : vector<1x512x128xi1>
    %gt3A_2103 = arith.cmpi sgt, %select_n3A_2078, %select_n3A_2096 : vector<1x512x128xi32>
    %eq3A_2104 = arith.cmpi eq, %select_n3A_2078, %select_n3A_2096 : vector<1x512x128xi32>
    %lt3A_2105 = arith.cmpi slt, %select_n3A_2079, %select_n3A_2101 : vector<1x512x128xi32>
    %and3A_2106 = arith.andi %eq3A_2104, %lt3A_2105 : vector<1x512x128xi1>
    %or3A_2107 = arith.ori %gt3A_2103, %and3A_2106 : vector<1x512x128xi1>
    %xor3A_2108 = arith.xori %or3A_2107, %xor3A_2102 : vector<1x512x128xi1>
    %select_n3A_2109 = arith.select %xor3A_2108, %select_n3A_2078, %select_n3A_2096 : vector<1x512x128xi1>, vector<1x512x128xi32>
    %select_n3A_2110 = arith.select %xor3A_2108, %select_n3A_2079, %select_n3A_2101 : vector<1x512x128xi1>, vector<1x512x128xi32>
    %and3A_2111 = arith.constant 16 : i32
    %and3A_2112 = vector.broadcast %and3A_2111 : i32 to vector<1x512x128xi32>
    %and3A_2113 = arith.andi %iota3A, %and3A_2112 : vector<1x512x128xi32>
    %ne3A_2114 = arith.constant 0 : i32
    %ne3A_2115 = vector.broadcast %ne3A_2114 : i32 to vector<1x512x128xi32>
    %ne3A_2116 = arith.cmpi ne, %and3A_2113, %ne3A_2115 : vector<1x512x128xi32>
    %roll3A_2117 = arith.constant 16 : i32
    %roll3A_2118 = tpu.dynamic_rotate %select_n3A_2109 by %roll3A_2117 dim 1 : vector<1x512x128xi32>, i32 -> vector<1x512x128xi32>
    %roll3A_2119 = arith.constant 496 : i32
    %roll3A_2120 = tpu.dynamic_rotate %select_n3A_2109 by %roll3A_2119 dim 1 : vector<1x512x128xi32>, i32 -> vector<1x512x128xi32>
    %select_n3A_2121 = arith.select %ne3A_2116, %roll3A_2118, %roll3A_2120 : vector<1x512x128xi1>, vector<1x512x128xi32>
    %roll3A_2122 = arith.constant 16 : i32
    %roll3A_2123 = tpu.dynamic_rotate %select_n3A_2110 by %roll3A_2122 dim 1 : vector<1x512x128xi32>, i32 -> vector<1x512x128xi32>
    %roll3A_2124 = arith.constant 496 : i32
    %roll3A_2125 = tpu.dynamic_rotate %select_n3A_2110 by %roll3A_2124 dim 1 : vector<1x512x128xi32>, i32 -> vector<1x512x128xi32>
    %select_n3A_2126 = arith.select %ne3A_2116, %roll3A_2123, %roll3A_2125 : vector<1x512x128xi1>, vector<1x512x128xi32>
    %xor3A_2127 = arith.xori %ne3A_2116, %ne3A_2085 : vector<1x512x128xi1>
    %gt3A_2128 = arith.cmpi sgt, %select_n3A_2109, %select_n3A_2121 : vector<1x512x128xi32>
    %eq3A_2129 = arith.cmpi eq, %select_n3A_2109, %select_n3A_2121 : vector<1x512x128xi32>
    %lt3A_2130 = arith.cmpi slt, %select_n3A_2110, %select_n3A_2126 : vector<1x512x128xi32>
    %and3A_2131 = arith.andi %eq3A_2129, %lt3A_2130 : vector<1x512x128xi1>
    %or3A_2132 = arith.ori %gt3A_2128, %and3A_2131 : vector<1x512x128xi1>
    %xor3A_2133 = arith.xori %or3A_2132, %xor3A_2127 : vector<1x512x128xi1>
    %select_n3A_2134 = arith.select %xor3A_2133, %select_n3A_2109, %select_n3A_2121 : vector<1x512x128xi1>, vector<1x512x128xi32>
    %select_n3A_2135 = arith.select %xor3A_2133, %select_n3A_2110, %select_n3A_2126 : vector<1x512x128xi1>, vector<1x512x128xi32>
    %and3A_2136 = arith.constant 8 : i32
    %and3A_2137 = vector.broadcast %and3A_2136 : i32 to vector<1x512x128xi32>
    %and3A_2138 = arith.andi %iota3A, %and3A_2137 : vector<1x512x128xi32>
    %ne3A_2139 = arith.constant 0 : i32
    %ne3A_2140 = vector.broadcast %ne3A_2139 : i32 to vector<1x512x128xi32>
    %ne3A_2141 = arith.cmpi ne, %and3A_2138, %ne3A_2140 : vector<1x512x128xi32>
    %roll3A_2142 = arith.constant 8 : i32
    %roll3A_2143 = tpu.dynamic_rotate %select_n3A_2134 by %roll3A_2142 dim 1 : vector<1x512x128xi32>, i32 -> vector<1x512x128xi32>
    %roll3A_2144 = arith.constant 504 : i32
    %roll3A_2145 = tpu.dynamic_rotate %select_n3A_2134 by %roll3A_2144 dim 1 : vector<1x512x128xi32>, i32 -> vector<1x512x128xi32>
    %select_n3A_2146 = arith.select %ne3A_2141, %roll3A_2143, %roll3A_2145 : vector<1x512x128xi1>, vector<1x512x128xi32>
    %roll3A_2147 = arith.constant 8 : i32
    %roll3A_2148 = tpu.dynamic_rotate %select_n3A_2135 by %roll3A_2147 dim 1 : vector<1x512x128xi32>, i32 -> vector<1x512x128xi32>
    %roll3A_2149 = arith.constant 504 : i32
    %roll3A_2150 = tpu.dynamic_rotate %select_n3A_2135 by %roll3A_2149 dim 1 : vector<1x512x128xi32>, i32 -> vector<1x512x128xi32>
    %select_n3A_2151 = arith.select %ne3A_2141, %roll3A_2148, %roll3A_2150 : vector<1x512x128xi1>, vector<1x512x128xi32>
    %xor3A_2152 = arith.xori %ne3A_2141, %ne3A_2085 : vector<1x512x128xi1>
    %gt3A_2153 = arith.cmpi sgt, %select_n3A_2134, %select_n3A_2146 : vector<1x512x128xi32>
    %eq3A_2154 = arith.cmpi eq, %select_n3A_2134, %select_n3A_2146 : vector<1x512x128xi32>
    %lt3A_2155 = arith.cmpi slt, %select_n3A_2135, %select_n3A_2151 : vector<1x512x128xi32>
    %and3A_2156 = arith.andi %eq3A_2154, %lt3A_2155 : vector<1x512x128xi1>
    %or3A_2157 = arith.ori %gt3A_2153, %and3A_2156 : vector<1x512x128xi1>
    %xor3A_2158 = arith.xori %or3A_2157, %xor3A_2152 : vector<1x512x128xi1>
    %select_n3A_2159 = arith.select %xor3A_2158, %select_n3A_2134, %select_n3A_2146 : vector<1x512x128xi1>, vector<1x512x128xi32>
    %select_n3A_2160 = arith.select %xor3A_2158, %select_n3A_2135, %select_n3A_2151 : vector<1x512x128xi1>, vector<1x512x128xi32>
    %and3A_2161 = arith.constant 4 : i32
    %and3A_2162 = vector.broadcast %and3A_2161 : i32 to vector<1x512x128xi32>
    %and3A_2163 = arith.andi %iota3A, %and3A_2162 : vector<1x512x128xi32>
    %ne3A_2164 = arith.constant 0 : i32
    %ne3A_2165 = vector.broadcast %ne3A_2164 : i32 to vector<1x512x128xi32>
    %ne3A_2166 = arith.cmpi ne, %and3A_2163, %ne3A_2165 : vector<1x512x128xi32>
    %roll3A_2167 = arith.constant 4 : i32
    %roll3A_2168 = tpu.dynamic_rotate %select_n3A_2159 by %roll3A_2167 dim 1 : vector<1x512x128xi32>, i32 -> vector<1x512x128xi32>
    %roll3A_2169 = arith.constant 508 : i32
    %roll3A_2170 = tpu.dynamic_rotate %select_n3A_2159 by %roll3A_2169 dim 1 : vector<1x512x128xi32>, i32 -> vector<1x512x128xi32>
    %select_n3A_2171 = arith.select %ne3A_2166, %roll3A_2168, %roll3A_2170 : vector<1x512x128xi1>, vector<1x512x128xi32>
    %roll3A_2172 = arith.constant 4 : i32
    %roll3A_2173 = tpu.dynamic_rotate %select_n3A_2160 by %roll3A_2172 dim 1 : vector<1x512x128xi32>, i32 -> vector<1x512x128xi32>
    %roll3A_2174 = arith.constant 508 : i32
    %roll3A_2175 = tpu.dynamic_rotate %select_n3A_2160 by %roll3A_2174 dim 1 : vector<1x512x128xi32>, i32 -> vector<1x512x128xi32>
    %select_n3A_2176 = arith.select %ne3A_2166, %roll3A_2173, %roll3A_2175 : vector<1x512x128xi1>, vector<1x512x128xi32>
    %xor3A_2177 = arith.xori %ne3A_2166, %ne3A_2085 : vector<1x512x128xi1>
    %gt3A_2178 = arith.cmpi sgt, %select_n3A_2159, %select_n3A_2171 : vector<1x512x128xi32>
    %eq3A_2179 = arith.cmpi eq, %select_n3A_2159, %select_n3A_2171 : vector<1x512x128xi32>
    %lt3A_2180 = arith.cmpi slt, %select_n3A_2160, %select_n3A_2176 : vector<1x512x128xi32>
    %and3A_2181 = arith.andi %eq3A_2179, %lt3A_2180 : vector<1x512x128xi1>
    %or3A_2182 = arith.ori %gt3A_2178, %and3A_2181 : vector<1x512x128xi1>
    %xor3A_2183 = arith.xori %or3A_2182, %xor3A_2177 : vector<1x512x128xi1>
    %select_n3A_2184 = arith.select %xor3A_2183, %select_n3A_2159, %select_n3A_2171 : vector<1x512x128xi1>, vector<1x512x128xi32>
    %select_n3A_2185 = arith.select %xor3A_2183, %select_n3A_2160, %select_n3A_2176 : vector<1x512x128xi1>, vector<1x512x128xi32>
    %and3A_2186 = arith.constant 2 : i32
    %and3A_2187 = vector.broadcast %and3A_2186 : i32 to vector<1x512x128xi32>
    %and3A_2188 = arith.andi %iota3A, %and3A_2187 : vector<1x512x128xi32>
    %ne3A_2189 = arith.constant 0 : i32
    %ne3A_2190 = vector.broadcast %ne3A_2189 : i32 to vector<1x512x128xi32>
    %ne3A_2191 = arith.cmpi ne, %and3A_2188, %ne3A_2190 : vector<1x512x128xi32>
    %roll3A_2192 = arith.constant 2 : i32
    %roll3A_2193 = tpu.dynamic_rotate %select_n3A_2184 by %roll3A_2192 dim 1 : vector<1x512x128xi32>, i32 -> vector<1x512x128xi32>
    %roll3A_2194 = arith.constant 510 : i32
    %roll3A_2195 = tpu.dynamic_rotate %select_n3A_2184 by %roll3A_2194 dim 1 : vector<1x512x128xi32>, i32 -> vector<1x512x128xi32>
    %select_n3A_2196 = arith.select %ne3A_2191, %roll3A_2193, %roll3A_2195 : vector<1x512x128xi1>, vector<1x512x128xi32>
    %roll3A_2197 = arith.constant 2 : i32
    %roll3A_2198 = tpu.dynamic_rotate %select_n3A_2185 by %roll3A_2197 dim 1 : vector<1x512x128xi32>, i32 -> vector<1x512x128xi32>
    %roll3A_2199 = arith.constant 510 : i32
    %roll3A_2200 = tpu.dynamic_rotate %select_n3A_2185 by %roll3A_2199 dim 1 : vector<1x512x128xi32>, i32 -> vector<1x512x128xi32>
    %select_n3A_2201 = arith.select %ne3A_2191, %roll3A_2198, %roll3A_2200 : vector<1x512x128xi1>, vector<1x512x128xi32>
    %xor3A_2202 = arith.xori %ne3A_2191, %ne3A_2085 : vector<1x512x128xi1>
    %gt3A_2203 = arith.cmpi sgt, %select_n3A_2184, %select_n3A_2196 : vector<1x512x128xi32>
    %eq3A_2204 = arith.cmpi eq, %select_n3A_2184, %select_n3A_2196 : vector<1x512x128xi32>
    %lt3A_2205 = arith.cmpi slt, %select_n3A_2185, %select_n3A_2201 : vector<1x512x128xi32>
    %and3A_2206 = arith.andi %eq3A_2204, %lt3A_2205 : vector<1x512x128xi1>
    %or3A_2207 = arith.ori %gt3A_2203, %and3A_2206 : vector<1x512x128xi1>
    %xor3A_2208 = arith.xori %or3A_2207, %xor3A_2202 : vector<1x512x128xi1>
    %select_n3A_2209 = arith.select %xor3A_2208, %select_n3A_2184, %select_n3A_2196 : vector<1x512x128xi1>, vector<1x512x128xi32>
    %select_n3A_2210 = arith.select %xor3A_2208, %select_n3A_2185, %select_n3A_2201 : vector<1x512x128xi1>, vector<1x512x128xi32>
    %and3A_2211 = arith.constant 1 : i32
    %and3A_2212 = vector.broadcast %and3A_2211 : i32 to vector<1x512x128xi32>
    %and3A_2213 = arith.andi %iota3A, %and3A_2212 : vector<1x512x128xi32>
    %ne3A_2214 = arith.constant 0 : i32
    %ne3A_2215 = vector.broadcast %ne3A_2214 : i32 to vector<1x512x128xi32>
    %ne3A_2216 = arith.cmpi ne, %and3A_2213, %ne3A_2215 : vector<1x512x128xi32>
    %roll3A_2217 = arith.constant 1 : i32
    %roll3A_2218 = tpu.dynamic_rotate %select_n3A_2209 by %roll3A_2217 dim 1 : vector<1x512x128xi32>, i32 -> vector<1x512x128xi32>
    %roll3A_2219 = arith.constant 511 : i32
    %roll3A_2220 = tpu.dynamic_rotate %select_n3A_2209 by %roll3A_2219 dim 1 : vector<1x512x128xi32>, i32 -> vector<1x512x128xi32>
    %select_n3A_2221 = arith.select %ne3A_2216, %roll3A_2218, %roll3A_2220 : vector<1x512x128xi1>, vector<1x512x128xi32>
    %roll3A_2222 = arith.constant 1 : i32
    %roll3A_2223 = tpu.dynamic_rotate %select_n3A_2210 by %roll3A_2222 dim 1 : vector<1x512x128xi32>, i32 -> vector<1x512x128xi32>
    %roll3A_2224 = arith.constant 511 : i32
    %roll3A_2225 = tpu.dynamic_rotate %select_n3A_2210 by %roll3A_2224 dim 1 : vector<1x512x128xi32>, i32 -> vector<1x512x128xi32>
    %select_n3A_2226 = arith.select %ne3A_2216, %roll3A_2223, %roll3A_2225 : vector<1x512x128xi1>, vector<1x512x128xi32>
    %xor3A_2227 = arith.xori %ne3A_2216, %ne3A_2085 : vector<1x512x128xi1>
    %gt3A_2228 = arith.cmpi sgt, %select_n3A_2209, %select_n3A_2221 : vector<1x512x128xi32>
    %eq3A_2229 = arith.cmpi eq, %select_n3A_2209, %select_n3A_2221 : vector<1x512x128xi32>
    %lt3A_2230 = arith.cmpi slt, %select_n3A_2210, %select_n3A_2226 : vector<1x512x128xi32>
    %and3A_2231 = arith.andi %eq3A_2229, %lt3A_2230 : vector<1x512x128xi1>
    %or3A_2232 = arith.ori %gt3A_2228, %and3A_2231 : vector<1x512x128xi1>
    %xor3A_2233 = arith.xori %or3A_2232, %xor3A_2227 : vector<1x512x128xi1>
    %select_n3A_2234 = arith.select %xor3A_2233, %select_n3A_2209, %select_n3A_2221 : vector<1x512x128xi1>, vector<1x512x128xi32>
    %select_n3A_2235 = arith.select %xor3A_2233, %select_n3A_2210, %select_n3A_2226 : vector<1x512x128xi1>, vector<1x512x128xi32>
    %and3A_2236 = arith.constant 64 : i32
    %and3A_2237 = vector.broadcast %and3A_2236 : i32 to vector<1x512x128xi32>
    %and3A_2238 = arith.andi %iota3A_0, %and3A_2237 : vector<1x512x128xi32>
    %ne3A_2239 = arith.constant 0 : i32
    %ne3A_2240 = vector.broadcast %ne3A_2239 : i32 to vector<1x512x128xi32>
    %ne3A_2241 = arith.cmpi ne, %and3A_2238, %ne3A_2240 : vector<1x512x128xi32>
    %roll3A_2242 = arith.constant 64 : i32
    %roll3A_2243 = tpu.dynamic_rotate %select_n3A_2234 by %roll3A_2242 dim 2 : vector<1x512x128xi32>, i32 -> vector<1x512x128xi32>
    %roll3A_2244 = arith.constant 64 : i32
    %roll3A_2245 = tpu.dynamic_rotate %select_n3A_2234 by %roll3A_2244 dim 2 : vector<1x512x128xi32>, i32 -> vector<1x512x128xi32>
    %select_n3A_2246 = arith.select %ne3A_2241, %roll3A_2243, %roll3A_2245 : vector<1x512x128xi1>, vector<1x512x128xi32>
    %roll3A_2247 = arith.constant 64 : i32
    %roll3A_2248 = tpu.dynamic_rotate %select_n3A_2235 by %roll3A_2247 dim 2 : vector<1x512x128xi32>, i32 -> vector<1x512x128xi32>
    %roll3A_2249 = arith.constant 64 : i32
    %roll3A_2250 = tpu.dynamic_rotate %select_n3A_2235 by %roll3A_2249 dim 2 : vector<1x512x128xi32>, i32 -> vector<1x512x128xi32>
    %select_n3A_2251 = arith.select %ne3A_2241, %roll3A_2248, %roll3A_2250 : vector<1x512x128xi1>, vector<1x512x128xi32>
    %xor3A_2252 = arith.xori %ne3A_2241, %ne3A_2085 : vector<1x512x128xi1>
    %gt3A_2253 = arith.cmpi sgt, %select_n3A_2234, %select_n3A_2246 : vector<1x512x128xi32>
    %eq3A_2254 = arith.cmpi eq, %select_n3A_2234, %select_n3A_2246 : vector<1x512x128xi32>
    %lt3A_2255 = arith.cmpi slt, %select_n3A_2235, %select_n3A_2251 : vector<1x512x128xi32>
    %and3A_2256 = arith.andi %eq3A_2254, %lt3A_2255 : vector<1x512x128xi1>
    %or3A_2257 = arith.ori %gt3A_2253, %and3A_2256 : vector<1x512x128xi1>
    %xor3A_2258 = arith.xori %or3A_2257, %xor3A_2252 : vector<1x512x128xi1>
    %select_n3A_2259 = arith.select %xor3A_2258, %select_n3A_2234, %select_n3A_2246 : vector<1x512x128xi1>, vector<1x512x128xi32>
    %select_n3A_2260 = arith.select %xor3A_2258, %select_n3A_2235, %select_n3A_2251 : vector<1x512x128xi1>, vector<1x512x128xi32>
    %and3A_2261 = arith.constant 32 : i32
    %and3A_2262 = vector.broadcast %and3A_2261 : i32 to vector<1x512x128xi32>
    %and3A_2263 = arith.andi %iota3A_0, %and3A_2262 : vector<1x512x128xi32>
    %ne3A_2264 = arith.constant 0 : i32
    %ne3A_2265 = vector.broadcast %ne3A_2264 : i32 to vector<1x512x128xi32>
    %ne3A_2266 = arith.cmpi ne, %and3A_2263, %ne3A_2265 : vector<1x512x128xi32>
    %roll3A_2267 = arith.constant 32 : i32
    %roll3A_2268 = tpu.dynamic_rotate %select_n3A_2259 by %roll3A_2267 dim 2 : vector<1x512x128xi32>, i32 -> vector<1x512x128xi32>
    %roll3A_2269 = arith.constant 96 : i32
    %roll3A_2270 = tpu.dynamic_rotate %select_n3A_2259 by %roll3A_2269 dim 2 : vector<1x512x128xi32>, i32 -> vector<1x512x128xi32>
    %select_n3A_2271 = arith.select %ne3A_2266, %roll3A_2268, %roll3A_2270 : vector<1x512x128xi1>, vector<1x512x128xi32>
    %roll3A_2272 = arith.constant 32 : i32
    %roll3A_2273 = tpu.dynamic_rotate %select_n3A_2260 by %roll3A_2272 dim 2 : vector<1x512x128xi32>, i32 -> vector<1x512x128xi32>
    %roll3A_2274 = arith.constant 96 : i32
    %roll3A_2275 = tpu.dynamic_rotate %select_n3A_2260 by %roll3A_2274 dim 2 : vector<1x512x128xi32>, i32 -> vector<1x512x128xi32>
    %select_n3A_2276 = arith.select %ne3A_2266, %roll3A_2273, %roll3A_2275 : vector<1x512x128xi1>, vector<1x512x128xi32>
    %xor3A_2277 = arith.xori %ne3A_2266, %ne3A_2085 : vector<1x512x128xi1>
    %gt3A_2278 = arith.cmpi sgt, %select_n3A_2259, %select_n3A_2271 : vector<1x512x128xi32>
    %eq3A_2279 = arith.cmpi eq, %select_n3A_2259, %select_n3A_2271 : vector<1x512x128xi32>
    %lt3A_2280 = arith.cmpi slt, %select_n3A_2260, %select_n3A_2276 : vector<1x512x128xi32>
    %and3A_2281 = arith.andi %eq3A_2279, %lt3A_2280 : vector<1x512x128xi1>
    %or3A_2282 = arith.ori %gt3A_2278, %and3A_2281 : vector<1x512x128xi1>
    %xor3A_2283 = arith.xori %or3A_2282, %xor3A_2277 : vector<1x512x128xi1>
    %select_n3A_2284 = arith.select %xor3A_2283, %select_n3A_2259, %select_n3A_2271 : vector<1x512x128xi1>, vector<1x512x128xi32>
    %select_n3A_2285 = arith.select %xor3A_2283, %select_n3A_2260, %select_n3A_2276 : vector<1x512x128xi1>, vector<1x512x128xi32>
    %and3A_2286 = arith.constant 16 : i32
    %and3A_2287 = vector.broadcast %and3A_2286 : i32 to vector<1x512x128xi32>
    %and3A_2288 = arith.andi %iota3A_0, %and3A_2287 : vector<1x512x128xi32>
    %ne3A_2289 = arith.constant 0 : i32
    %ne3A_2290 = vector.broadcast %ne3A_2289 : i32 to vector<1x512x128xi32>
    %ne3A_2291 = arith.cmpi ne, %and3A_2288, %ne3A_2290 : vector<1x512x128xi32>
    %roll3A_2292 = arith.constant 16 : i32
    %roll3A_2293 = tpu.dynamic_rotate %select_n3A_2284 by %roll3A_2292 dim 2 : vector<1x512x128xi32>, i32 -> vector<1x512x128xi32>
    %roll3A_2294 = arith.constant 112 : i32
    %roll3A_2295 = tpu.dynamic_rotate %select_n3A_2284 by %roll3A_2294 dim 2 : vector<1x512x128xi32>, i32 -> vector<1x512x128xi32>
    %select_n3A_2296 = arith.select %ne3A_2291, %roll3A_2293, %roll3A_2295 : vector<1x512x128xi1>, vector<1x512x128xi32>
    %roll3A_2297 = arith.constant 16 : i32
    %roll3A_2298 = tpu.dynamic_rotate %select_n3A_2285 by %roll3A_2297 dim 2 : vector<1x512x128xi32>, i32 -> vector<1x512x128xi32>
    %roll3A_2299 = arith.constant 112 : i32
    %roll3A_2300 = tpu.dynamic_rotate %select_n3A_2285 by %roll3A_2299 dim 2 : vector<1x512x128xi32>, i32 -> vector<1x512x128xi32>
    %select_n3A_2301 = arith.select %ne3A_2291, %roll3A_2298, %roll3A_2300 : vector<1x512x128xi1>, vector<1x512x128xi32>
    %xor3A_2302 = arith.xori %ne3A_2291, %ne3A_2085 : vector<1x512x128xi1>
    %gt3A_2303 = arith.cmpi sgt, %select_n3A_2284, %select_n3A_2296 : vector<1x512x128xi32>
    %eq3A_2304 = arith.cmpi eq, %select_n3A_2284, %select_n3A_2296 : vector<1x512x128xi32>
    %lt3A_2305 = arith.cmpi slt, %select_n3A_2285, %select_n3A_2301 : vector<1x512x128xi32>
    %and3A_2306 = arith.andi %eq3A_2304, %lt3A_2305 : vector<1x512x128xi1>
    %or3A_2307 = arith.ori %gt3A_2303, %and3A_2306 : vector<1x512x128xi1>
    %xor3A_2308 = arith.xori %or3A_2307, %xor3A_2302 : vector<1x512x128xi1>
    %select_n3A_2309 = arith.select %xor3A_2308, %select_n3A_2284, %select_n3A_2296 : vector<1x512x128xi1>, vector<1x512x128xi32>
    %select_n3A_2310 = arith.select %xor3A_2308, %select_n3A_2285, %select_n3A_2301 : vector<1x512x128xi1>, vector<1x512x128xi32>
    %and3A_2311 = arith.constant 8 : i32
    %and3A_2312 = vector.broadcast %and3A_2311 : i32 to vector<1x512x128xi32>
    %and3A_2313 = arith.andi %iota3A_0, %and3A_2312 : vector<1x512x128xi32>
    %ne3A_2314 = arith.constant 0 : i32
    %ne3A_2315 = vector.broadcast %ne3A_2314 : i32 to vector<1x512x128xi32>
    %ne3A_2316 = arith.cmpi ne, %and3A_2313, %ne3A_2315 : vector<1x512x128xi32>
    %roll3A_2317 = arith.constant 8 : i32
    %roll3A_2318 = tpu.dynamic_rotate %select_n3A_2309 by %roll3A_2317 dim 2 : vector<1x512x128xi32>, i32 -> vector<1x512x128xi32>
    %roll3A_2319 = arith.constant 120 : i32
    %roll3A_2320 = tpu.dynamic_rotate %select_n3A_2309 by %roll3A_2319 dim 2 : vector<1x512x128xi32>, i32 -> vector<1x512x128xi32>
    %select_n3A_2321 = arith.select %ne3A_2316, %roll3A_2318, %roll3A_2320 : vector<1x512x128xi1>, vector<1x512x128xi32>
    %roll3A_2322 = arith.constant 8 : i32
    %roll3A_2323 = tpu.dynamic_rotate %select_n3A_2310 by %roll3A_2322 dim 2 : vector<1x512x128xi32>, i32 -> vector<1x512x128xi32>
    %roll3A_2324 = arith.constant 120 : i32
    %roll3A_2325 = tpu.dynamic_rotate %select_n3A_2310 by %roll3A_2324 dim 2 : vector<1x512x128xi32>, i32 -> vector<1x512x128xi32>
    %select_n3A_2326 = arith.select %ne3A_2316, %roll3A_2323, %roll3A_2325 : vector<1x512x128xi1>, vector<1x512x128xi32>
    %xor3A_2327 = arith.xori %ne3A_2316, %ne3A_2085 : vector<1x512x128xi1>
    %gt3A_2328 = arith.cmpi sgt, %select_n3A_2309, %select_n3A_2321 : vector<1x512x128xi32>
    %eq3A_2329 = arith.cmpi eq, %select_n3A_2309, %select_n3A_2321 : vector<1x512x128xi32>
    %lt3A_2330 = arith.cmpi slt, %select_n3A_2310, %select_n3A_2326 : vector<1x512x128xi32>
    %and3A_2331 = arith.andi %eq3A_2329, %lt3A_2330 : vector<1x512x128xi1>
    %or3A_2332 = arith.ori %gt3A_2328, %and3A_2331 : vector<1x512x128xi1>
    %xor3A_2333 = arith.xori %or3A_2332, %xor3A_2327 : vector<1x512x128xi1>
    %select_n3A_2334 = arith.select %xor3A_2333, %select_n3A_2309, %select_n3A_2321 : vector<1x512x128xi1>, vector<1x512x128xi32>
    %select_n3A_2335 = arith.select %xor3A_2333, %select_n3A_2310, %select_n3A_2326 : vector<1x512x128xi1>, vector<1x512x128xi32>
    %and3A_2336 = arith.constant 4 : i32
    %and3A_2337 = vector.broadcast %and3A_2336 : i32 to vector<1x512x128xi32>
    %and3A_2338 = arith.andi %iota3A_0, %and3A_2337 : vector<1x512x128xi32>
    %ne3A_2339 = arith.constant 0 : i32
    %ne3A_2340 = vector.broadcast %ne3A_2339 : i32 to vector<1x512x128xi32>
    %ne3A_2341 = arith.cmpi ne, %and3A_2338, %ne3A_2340 : vector<1x512x128xi32>
    %roll3A_2342 = arith.constant 4 : i32
    %roll3A_2343 = tpu.dynamic_rotate %select_n3A_2334 by %roll3A_2342 dim 2 : vector<1x512x128xi32>, i32 -> vector<1x512x128xi32>
    %roll3A_2344 = arith.constant 124 : i32
    %roll3A_2345 = tpu.dynamic_rotate %select_n3A_2334 by %roll3A_2344 dim 2 : vector<1x512x128xi32>, i32 -> vector<1x512x128xi32>
    %select_n3A_2346 = arith.select %ne3A_2341, %roll3A_2343, %roll3A_2345 : vector<1x512x128xi1>, vector<1x512x128xi32>
    %roll3A_2347 = arith.constant 4 : i32
    %roll3A_2348 = tpu.dynamic_rotate %select_n3A_2335 by %roll3A_2347 dim 2 : vector<1x512x128xi32>, i32 -> vector<1x512x128xi32>
    %roll3A_2349 = arith.constant 124 : i32
    %roll3A_2350 = tpu.dynamic_rotate %select_n3A_2335 by %roll3A_2349 dim 2 : vector<1x512x128xi32>, i32 -> vector<1x512x128xi32>
    %select_n3A_2351 = arith.select %ne3A_2341, %roll3A_2348, %roll3A_2350 : vector<1x512x128xi1>, vector<1x512x128xi32>
    %xor3A_2352 = arith.xori %ne3A_2341, %ne3A_2085 : vector<1x512x128xi1>
    %gt3A_2353 = arith.cmpi sgt, %select_n3A_2334, %select_n3A_2346 : vector<1x512x128xi32>
    %eq3A_2354 = arith.cmpi eq, %select_n3A_2334, %select_n3A_2346 : vector<1x512x128xi32>
    %lt3A_2355 = arith.cmpi slt, %select_n3A_2335, %select_n3A_2351 : vector<1x512x128xi32>
    %and3A_2356 = arith.andi %eq3A_2354, %lt3A_2355 : vector<1x512x128xi1>
    %or3A_2357 = arith.ori %gt3A_2353, %and3A_2356 : vector<1x512x128xi1>
    %xor3A_2358 = arith.xori %or3A_2357, %xor3A_2352 : vector<1x512x128xi1>
    %select_n3A_2359 = arith.select %xor3A_2358, %select_n3A_2334, %select_n3A_2346 : vector<1x512x128xi1>, vector<1x512x128xi32>
    %select_n3A_2360 = arith.select %xor3A_2358, %select_n3A_2335, %select_n3A_2351 : vector<1x512x128xi1>, vector<1x512x128xi32>
    %and3A_2361 = arith.constant 2 : i32
    %and3A_2362 = vector.broadcast %and3A_2361 : i32 to vector<1x512x128xi32>
    %and3A_2363 = arith.andi %iota3A_0, %and3A_2362 : vector<1x512x128xi32>
    %ne3A_2364 = arith.constant 0 : i32
    %ne3A_2365 = vector.broadcast %ne3A_2364 : i32 to vector<1x512x128xi32>
    %ne3A_2366 = arith.cmpi ne, %and3A_2363, %ne3A_2365 : vector<1x512x128xi32>
    %roll3A_2367 = arith.constant 2 : i32
    %roll3A_2368 = tpu.dynamic_rotate %select_n3A_2359 by %roll3A_2367 dim 2 : vector<1x512x128xi32>, i32 -> vector<1x512x128xi32>
    %roll3A_2369 = arith.constant 126 : i32
    %roll3A_2370 = tpu.dynamic_rotate %select_n3A_2359 by %roll3A_2369 dim 2 : vector<1x512x128xi32>, i32 -> vector<1x512x128xi32>
    %select_n3A_2371 = arith.select %ne3A_2366, %roll3A_2368, %roll3A_2370 : vector<1x512x128xi1>, vector<1x512x128xi32>
    %roll3A_2372 = arith.constant 2 : i32
    %roll3A_2373 = tpu.dynamic_rotate %select_n3A_2360 by %roll3A_2372 dim 2 : vector<1x512x128xi32>, i32 -> vector<1x512x128xi32>
    %roll3A_2374 = arith.constant 126 : i32
    %roll3A_2375 = tpu.dynamic_rotate %select_n3A_2360 by %roll3A_2374 dim 2 : vector<1x512x128xi32>, i32 -> vector<1x512x128xi32>
    %select_n3A_2376 = arith.select %ne3A_2366, %roll3A_2373, %roll3A_2375 : vector<1x512x128xi1>, vector<1x512x128xi32>
    %xor3A_2377 = arith.xori %ne3A_2366, %ne3A_2085 : vector<1x512x128xi1>
    %gt3A_2378 = arith.cmpi sgt, %select_n3A_2359, %select_n3A_2371 : vector<1x512x128xi32>
    %eq3A_2379 = arith.cmpi eq, %select_n3A_2359, %select_n3A_2371 : vector<1x512x128xi32>
    %lt3A_2380 = arith.cmpi slt, %select_n3A_2360, %select_n3A_2376 : vector<1x512x128xi32>
    %and3A_2381 = arith.andi %eq3A_2379, %lt3A_2380 : vector<1x512x128xi1>
    %or3A_2382 = arith.ori %gt3A_2378, %and3A_2381 : vector<1x512x128xi1>
    %xor3A_2383 = arith.xori %or3A_2382, %xor3A_2377 : vector<1x512x128xi1>
    %select_n3A_2384 = arith.select %xor3A_2383, %select_n3A_2359, %select_n3A_2371 : vector<1x512x128xi1>, vector<1x512x128xi32>
    %select_n3A_2385 = arith.select %xor3A_2383, %select_n3A_2360, %select_n3A_2376 : vector<1x512x128xi1>, vector<1x512x128xi32>
    %and3A_2386 = arith.constant 1 : i32
    %and3A_2387 = vector.broadcast %and3A_2386 : i32 to vector<1x512x128xi32>
    %and3A_2388 = arith.andi %iota3A_0, %and3A_2387 : vector<1x512x128xi32>
    %ne3A_2389 = arith.constant 0 : i32
    %ne3A_2390 = vector.broadcast %ne3A_2389 : i32 to vector<1x512x128xi32>
    %ne3A_2391 = arith.cmpi ne, %and3A_2388, %ne3A_2390 : vector<1x512x128xi32>
    %roll3A_2392 = arith.constant 1 : i32
    %roll3A_2393 = tpu.dynamic_rotate %select_n3A_2384 by %roll3A_2392 dim 2 : vector<1x512x128xi32>, i32 -> vector<1x512x128xi32>
    %roll3A_2394 = arith.constant 127 : i32
    %roll3A_2395 = tpu.dynamic_rotate %select_n3A_2384 by %roll3A_2394 dim 2 : vector<1x512x128xi32>, i32 -> vector<1x512x128xi32>
    %select_n3A_2396 = arith.select %ne3A_2391, %roll3A_2393, %roll3A_2395 : vector<1x512x128xi1>, vector<1x512x128xi32>
    %roll3A_2397 = arith.constant 1 : i32
    %roll3A_2398 = tpu.dynamic_rotate %select_n3A_2385 by %roll3A_2397 dim 2 : vector<1x512x128xi32>, i32 -> vector<1x512x128xi32>
    %roll3A_2399 = arith.constant 127 : i32
    %roll3A_2400 = tpu.dynamic_rotate %select_n3A_2385 by %roll3A_2399 dim 2 : vector<1x512x128xi32>, i32 -> vector<1x512x128xi32>
    %select_n3A_2401 = arith.select %ne3A_2391, %roll3A_2398, %roll3A_2400 : vector<1x512x128xi1>, vector<1x512x128xi32>
    %xor3A_2402 = arith.xori %ne3A_2391, %ne3A_2085 : vector<1x512x128xi1>
    %gt3A_2403 = arith.cmpi sgt, %select_n3A_2384, %select_n3A_2396 : vector<1x512x128xi32>
    %eq3A_2404 = arith.cmpi eq, %select_n3A_2384, %select_n3A_2396 : vector<1x512x128xi32>
    %lt3A_2405 = arith.cmpi slt, %select_n3A_2385, %select_n3A_2401 : vector<1x512x128xi32>
    %and3A_2406 = arith.andi %eq3A_2404, %lt3A_2405 : vector<1x512x128xi1>
    %or3A_2407 = arith.ori %gt3A_2403, %and3A_2406 : vector<1x512x128xi1>
    %xor3A_2408 = arith.xori %or3A_2407, %xor3A_2402 : vector<1x512x128xi1>
    %select_n3A_2409 = arith.select %xor3A_2408, %select_n3A_2384, %select_n3A_2396 : vector<1x512x128xi1>, vector<1x512x128xi32>
    %select_n3A_2410 = arith.select %xor3A_2408, %select_n3A_2385, %select_n3A_2401 : vector<1x512x128xi1>, vector<1x512x128xi32>
    %mul3A_2411 = arith.constant 65536 : i32
    %mul3A_2412 = arith.muli %arg0, %mul3A_2411 : i32
    %shift_right_arithmetic3A = arith.constant 6 : i32
    %shift_right_arithmetic3A_2413 = vector.broadcast %shift_right_arithmetic3A : i32 to vector<1x512x128xi32>
    %shift_right_arithmetic3A_2414 = arith.shrsi %iota3A, %shift_right_arithmetic3A_2413 : vector<1x512x128xi32>
    %mul3A_2415 = arith.constant 8192 : i32
    %mul3A_2416 = vector.broadcast %mul3A_2415 : i32 to vector<1x512x128xi32>
    %mul3A_2417 = arith.muli %shift_right_arithmetic3A_2414, %mul3A_2416 : vector<1x512x128xi32>
    %add3A_2418 = vector.broadcast %mul3A_2412 : i32 to vector<1x512x128xi32>
    %add3A_2419 = arith.addi %add3A_2418, %mul3A_2417 : vector<1x512x128xi32>
    %bitcast_convert_type3A_2420 = tpu.bitcast %select_n3A_2409 : vector<1x512x128xi32> -> vector<1x512x128xf32>
    %swap3A_2421 = arith.constant 0 : index
    %swap3A_2422 = arith.constant 0 : index
    %swap3A_2423 = arith.constant 0 : index
    %swap3A_2424 = vector.load %arg8[%swap3A_2421, %swap3A_2422, %swap3A_2423] : memref<1x512x128xf32, #tpu.memory_space<vmem>>, vector<1x512x128xf32>
    tpu.vector_store %arg8[%swap3A_2421, %swap3A_2422, %swap3A_2423], %bitcast_convert_type3A_2420 {strides = array<i32>} : memref<1x512x128xf32, #tpu.memory_space<vmem>>, vector<1x512x128xf32>,
    %add3A_2425 = arith.addi %select_n3A_2410, %add3A_2419 : vector<1x512x128xi32>
    %swap3A_2426 = arith.constant 0 : index
    %swap3A_2427 = arith.constant 0 : index
    %swap3A_2428 = arith.constant 0 : index
    %swap3A_2429 = vector.load %arg9[%swap3A_2426, %swap3A_2427, %swap3A_2428] : memref<1x512x128xi32, #tpu.memory_space<vmem>>, vector<1x512x128xi32>
    tpu.vector_store %arg9[%swap3A_2426, %swap3A_2427, %swap3A_2428], %add3A_2425 {strides = array<i32>} : memref<1x512x128xi32, #tpu.memory_space<vmem>>, vector<1x512x128xi32>,
    return
  }
  func.func @transform_0(%arg0: i32) -> (i32, i32, i32) {
    %c0_i32 = arith.constant 0 : i32
    %c0_i32_0 = arith.constant 0 : i32
    %c0_i32_1 = arith.constant 0 : i32
    return %arg0, %c0_i32, %c0_i32_0 : i32, i32, i32
  }
  func.func @transform_1(%arg0: i32) -> (i32, i32, i32) {
    %c0_i32 = arith.constant 0 : i32
    %c0_i32_0 = arith.constant 0 : i32
    %c0_i32_1 = arith.constant 0 : i32
    return %arg0, %c0_i32, %c0_i32_0 : i32, i32, i32
  }
  func.func @transform_2(%arg0: i32) -> (i32, i32, i32) {
    %c0_i32 = arith.constant 0 : i32
    %c0_i32_0 = arith.constant 0 : i32
    %c0_i32_1 = arith.constant 0 : i32
    return %arg0, %c0_i32, %c0_i32_0 : i32, i32, i32
  }
  func.func @transform_3(%arg0: i32) -> (i32, i32, i32) {
    %c0_i32 = arith.constant 0 : i32
    %c0_i32_0 = arith.constant 0 : i32
    %c0_i32_1 = arith.constant 0 : i32
    return %arg0, %c0_i32, %c0_i32_0 : i32, i32, i32
  }
  func.func @transform_4(%arg0: i32) -> (i32, i32, i32) {
    %c0_i32 = arith.constant 0 : i32
    %c0_i32_0 = arith.constant 0 : i32
    %c0_i32_1 = arith.constant 0 : i32
    return %arg0, %c0_i32, %c0_i32_0 : i32, i32, i32
  }
  func.func @transform_5(%arg0: i32) -> (i32, i32, i32) {
    %c0_i32 = arith.constant 0 : i32
    %c0_i32_0 = arith.constant 0 : i32
    %c0_i32_1 = arith.constant 0 : i32
    return %arg0, %c0_i32, %c0_i32_0 : i32, i32, i32
  }
  func.func @transform_6(%arg0: i32) -> (i32, i32, i32) {
    %c0_i32 = arith.constant 0 : i32
    %c0_i32_0 = arith.constant 0 : i32
    %c0_i32_1 = arith.constant 0 : i32
    return %arg0, %c0_i32, %c0_i32_0 : i32, i32, i32
  }
  func.func @transform_7(%arg0: i32) -> (i32, i32, i32) {
    %c0_i32 = arith.constant 0 : i32
    %c0_i32_0 = arith.constant 0 : i32
    %c0_i32_1 = arith.constant 0 : i32
    return %arg0, %c0_i32, %c0_i32_0 : i32, i32, i32
  }
  func.func @transform_8(%arg0: i32) -> (i32, i32, i32) {
    %c0_i32 = arith.constant 0 : i32
    %c0_i32_0 = arith.constant 0 : i32
    %c0_i32_1 = arith.constant 0 : i32
    return %arg0, %c0_i32, %c0_i32_0 : i32, i32, i32
  }
  func.func @transform_9(%arg0: i32) -> (i32, i32, i32) {
    %c0_i32 = arith.constant 0 : i32
    %c0_i32_0 = arith.constant 0 : i32
    %c0_i32_1 = arith.constant 0 : i32
    return %arg0, %c0_i32, %c0_i32_0 : i32, i32, i32
  }
  func.func @transform_10(%arg0: i32) -> (i32, i32, i32) {
    %c0_i32 = arith.constant 0 : i32
    %c0_i32_0 = arith.constant 0 : i32
    %c0_i32_1 = arith.constant 0 : i32
    return %arg0, %c0_i32, %c0_i32_0 : i32, i32, i32
  }
  func.func @transform_11(%arg0: i32) -> (i32, i32, i32) {
    %c0_i32 = arith.constant 0 : i32
    %c0_i32_0 = arith.constant 0 : i32
    %c0_i32_1 = arith.constant 0 : i32
    return %arg0, %c0_i32, %c0_i32_0 : i32, i32, i32
  }
  func.func @transform_12(%arg0: i32) -> (i32, i32, i32) {
    %c0_i32 = arith.constant 0 : i32
    %c0_i32_0 = arith.constant 0 : i32
    %c0_i32_1 = arith.constant 0 : i32
    return %arg0, %c0_i32, %c0_i32_0 : i32, i32, i32
  }
}

</mosaic_0001>

<sc_bundles>
// kernel: kernel.4.cloned.1.call-start
scs
__scs_entry_jumppad:
0x0: {  	(pc) =	sbr.rel $0x88, $3  }
0x1: {  	(tag) =	ssettag $0x0;
	lr =	simm.s32 $0x1  }
0x2: {  	[smem:$0x3F9E] =	sst lr;
	_ =	strace $0xD0000000  }
0x3: {  	_ = 	snop  }
0x4: {  	_ = 	snop  }
0x5: {  	_ = 	snop  }
0x6: {  	_ = 	snop  }
0x7: {  	_ = 	snop  }
__scs_overlays_trampoline_lowered:
0x8: {  	[smem:$0x3FAD] =	sst s0  }
0x9: {  	[smem:$0x3FAE] =	sst s1  }
0xa: {  	[smem:$0x3FAF] =	sst s2  }
0xb: {  	[smem:$0x3FB0] =	sst s3  }
0xc: {  	[smem:$0x3FB1] =	sst s4  }
0xd: {  	[smem:$0x3FB2] =	sst s5  }
0xe: {  	[smem:$0x3FB3] =	sst s6  }
0xf: {  	[smem:$0x3FB4] =	sst s7  }
0x10: {  	[smem:$0x3FB5] =	sst s8  }
0x11: {  	[smem:$0x3FB6] =	sst s9;
	s0 =	simm.s32 @!p0 $0x0  }
0x12: {  	s1 =	sld [smem:$0x3F9C];
	s0 =	simm.s32 @p0 $0x1  }
0x13: {  	[smem:$0x3FB7] =	sst s0;
	s0 =	simm.s32 @!p1 $0x0  }
0x14: {  	s2 =	sld [smem:$0x3F9B];
	s0 =	simm.s32 @p1 $0x1  }
0x15: {  	[smem:$0x3FB8] =	sst s0;
	s0 =	simm.s32 @!p2 $0x0  }
0x16: {  	s3 =	sld [smem:$0x3FDB];
	s0 =	simm.s32 @p2 $0x1  }
0x17: {  	s4 =	simm.s32 $0x1BF5;
	[smem:$0x3FBA] =	sst s0  }
0x18: {  	s0 =	sld [smem:$0x3F9D];
	_ =	swait.ge [sflag:s4], $0x0  }
0x19: {  	s7 =	sld [smem:$0x3F9E]  }
0x1a: {  	s8 =	sadd.s32 $0xFFFFE003, lr  }
0x1b: {  	s9 =	sadd.s32 $0xFFFFFEF7, lr;
	s5 =	simm.s32 $0xFFFFFFFF;
	p2 =	slt.u32 s8, $0xFFFFF086  }
0x1c: {  	p1 =	slt.u32 s9, $0xF7A;
	s5 =	simm.s32 @!p2 $0x0  }
0x1d: {  	s5 =	simm.s32 @p1 $0x1;
	p0 =	seq.s32 s7, s2  }
0x1e: {  	s7 =	smul.u32 @!p0 $0xF7A, s2;
	p2 =	seq.s32 @!p0 s5, $0x0  }
0x1f: {  	s9 =	smul.u32 $0xF7A, s1;
	s8 =	simm.s32 @!p0 $0x1BF5;
	p2 =	por !p2, p0  }
0x20: {  	[sflag:s8] =	ssyncset.s32 @!p0 $0xFFFFF086;
	s6 =	sadd.s32 @!p0 s3, s7;
	s7 =	simm.s32 @!p0 $0x108  }
0x21: {  	s3 =	sadd.s32 s3, s9;
	s6 =	sadd.s32 @!p0 $0x88, s6;
	s7 =	simm.s32 @p2 $0x1082  }
0x22: {  	[simem:s7], [sflag:s8] =	dma.local @!p0 [hbm:s6], $0xF7A  }
0x23: {  	s9 =	sor.u32 $0xD0000000, s2;
	s6 =	simm.s32 $0x108;
	_ =	swait.ge @!p0 [sflag:s8], $0x0  }
0x24: {  	s3 =	sadd.s32 $0x88, s3;
	s6 =	simm.s32 @!p1 $0x1082;
	[sflag:s4] =	ssyncset.s32 $0xFFFFF086  }
0x25: {  	[simem:s6], [sflag:s4] =	dma.local [hbm:s3], $0xF7A  }
0x26: {  	[smem:$0x3F9E] =	sst s1;
	(tag) =	ssettag s2;
	_ =	strace s9  }
0x27: {  	s1 =	sld [smem:$0x3FAE]  }
0x28: {  	s2 =	sld [smem:$0x3FAF]  }
0x29: {  	s4 =	sld [smem:$0x3FB1]  }
0x2a: {  	p0 =	seq.s32 s5, $0x0;
	s5 =	sld [smem:$0x3FB2]  }
0x2b: {  	s6 =	sld [smem:$0x3FB3]  }
0x2c: {  	s7 =	sld [smem:$0x3FB4]  }
0x2d: {  	s3 =	simm.s32 $0x108;
	s8 =	sld [smem:$0x3FB5]  }
0x2e: {  	s3 =	simm.s32 @!p0 $0x1082;
	s9 =	sld [smem:$0x3FB6]  }
0x2f: {  	lr =	sadd.s32 s0, s3;
	s0 =	sld [smem:$0x3FAD]  }
0x30: {  	s3 =	sld [smem:$0x3FB0]  }
0x31: {  	[smem:$0x3FB9] =	sst s10  }
0x32: {  	s10 =	sld [smem:$0x3FB7];
	_ =	sdelay $0x3  }
0x33: {  	p0 =	seq.s32 s10, $0x1;
	s10 =	sld [smem:$0x3FB9];
	_ =	sdelay $0x3  }
0x34: {  	[smem:$0x3FB9] =	sst s10  }
0x35: {  	s10 =	sld [smem:$0x3FB8];
	_ =	sdelay $0x3  }
0x36: {  	p1 =	seq.s32 s10, $0x1;
	s10 =	sld [smem:$0x3FB9];
	_ =	sdelay $0x3  }
0x37: {  	[smem:$0x3FB9] =	sst s10  }
0x38: {  	s10 =	sld [smem:$0x3FBA]  }
0x39: {  	_ = 	snop;
	(pc) =	sbr.ind lr, $3  }
0x3a: {  	_ = 	snop  }
0x3b: {  	_ = 	snop  }
0x3c: {  	p2 =	seq.s32 s10, $0x1;
	s10 =	sld [smem:$0x3FB9]  }
0x3d: {  	_ =	shalt  }
0x3e: {  	_ =	shalt  }
0x3f: {  	_ =	shalt  }
0x40: {  	_ =	shalt  }
0x41: {  	_ =	shalt  }
0x42: {  	_ =	shalt  }
0x43: {  	_ =	shalt  }
0x44: {  	_ =	shalt  }
0x45: {  	_ =	shalt  }
0x46: {  	_ =	shalt  }
0x47: {  	_ =	shalt  }
0x48: {  	_ =	shalt  }
0x49: {  	_ =	shalt  }
0x4a: {  	_ =	shalt  }
0x4b: {  	_ =	shalt  }
0x4c: {  	_ =	shalt  }
0x4d: {  	_ =	shalt  }
0x4e: {  	_ =	shalt  }
0x4f: {  	_ =	shalt  }
0x50: {  	_ =	shalt  }
0x51: {  	_ =	shalt  }
0x52: {  	_ =	shalt  }
0x53: {  	_ =	shalt  }
0x54: {  	_ =	shalt  }
0x55: {  	_ =	shalt  }
0x56: {  	_ =	shalt  }
0x57: {  	_ =	shalt  }
0x58: {  	_ =	shalt  }
0x59: {  	_ =	shalt  }
0x5a: {  	_ =	shalt  }
0x5b: {  	_ =	shalt  }
0x5c: {  	_ =	shalt  }
0x5d: {  	_ =	shalt  }
0x5e: {  	_ =	shalt  }
0x5f: {  	_ =	shalt  }
0x60: {  	_ =	shalt  }
0x61: {  	_ =	shalt  }
0x62: {  	_ =	shalt  }
0x63: {  	_ =	shalt  }
0x64: {  	_ =	shalt  }
0x65: {  	_ =	shalt  }
0x66: {  	_ =	shalt  }
0x67: {  	_ =	shalt  }
0x68: {  	_ =	shalt  }
0x69: {  	_ =	shalt  }
0x6a: {  	_ =	shalt  }
0x6b: {  	_ =	shalt  }
0x6c: {  	_ =	shalt  }
0x6d: {  	_ =	shalt  }
0x6e: {  	_ =	shalt  }
0x6f: {  	_ =	shalt  }
0x70: {  	_ =	shalt  }
0x71: {  	_ =	shalt  }
0x72: {  	_ =	shalt  }
0x73: {  	_ =	shalt  }
0x74: {  	_ =	shalt  }
0x75: {  	_ =	shalt  }
0x76: {  	_ =	shalt  }
0x77: {  	_ =	shalt  }
0x78: {  	_ =	shalt  }
0x79: {  	_ =	shalt  }
0x7a: {  	_ =	shalt  }
0x7b: {  	_ =	shalt  }
0x7c: {  	_ =	shalt  }
0x7d: {  	_ =	shalt  }
0x7e: {  	_ =	shalt  }
0x7f: {  	_ =	shalt  }
0x80: {  	_ =	shalt  }
0x81: {  	_ =	shalt  }
0x82: {  	_ =	shalt  }
0x83: {  	_ =	shalt  }
0x84: {  	_ =	shalt  }
0x85: {  	_ =	shalt  }
0x86: {  	_ =	shalt  }
0x87: {  	_ =	shalt  }
.Lfunc_end0:
.L_simem_size_0:
called_computation_lowered:
.L_overlay_start_0:
0x88: {  	s2 =	sld [smem:$0x3FD9]  }
0x89: {  	s3 =	sld [smem:$0x3FFE];
	_ =	sdelay $0x1  }
0x8a: {  	s1 =	srdreg.scid  }
0x8b: {  	s0 =	sand.u32 $0x1, s1  }
0x8c: {  	s14 =	sshll.u32 s0, $0xA;
	s2 =	sadd.s32 s3, s2  }
0x8d: {  	s2 =	sadd.s32 s2, s14  }
0x8e: {  	[smem:$0x3FC5] =	sst s2  }
0x8f: {  	_ = 	snop  }
0x90: {  	s2 =	sld [smem:$0x3FD0];
	_ =	sdelay $0x2  }
0x91: {  	s15 =	simm.s32 $0xA;
	s4 =	simm.s32 $0x10  }
0x92: {  	[smem:s4], [sflag:s15] =	dma.local [hbm:s2], $0x1  }
0x93: {  	_ =	swait.eq [sflag:s15], $0x1  }
0x94: {  	[sflag:s15] =	ssyncset.done $0x0  }
0x95: {  	[sflag:s15] =	ssyncadd.s32 $0xFFFFFFFF  }
0x96: {  	s16 =	sld [smem:$0x12];
	(tm) =	ssettm $0x1  }
0x97: {  	s17 =	sld [smem:$0x3FFB];
	_ =	sdelay $0x3  }
0x98: {  	_ =	strace s17  }
0x99: {  	s3 =	sld [smem:$0x3FFC];
	_ =	sdelay $0x3  }
0x9a: {  	_ =	strace s3  }
0x9b: {  	s3 =	sld [smem:$0x3FFD];
	_ =	sdelay $0x3  }
0x9c: {  	_ =	strace s3  }
0x9d: {  	_ =	strace $0x8FFFFFFF  }
0x9e: {  	s18 =	sld [smem:$0x3FDB];
	_ =	sdelay $0x1  }
0x9f: {  	s19 =	simm.s32 $_scs_section_size  }
0xa0: {  	s5 =	simm.s32 $_size__tile_overlayer_lowered;
	s6 =	simm.s32 $_tile_overlayer_lowered  }
0xa1: {  	s22 =	simm.s32 $0x1BFF;
	s21 =	sshll.u32 s6, $0x1;
	s3 =	sadd.s32 s19, s18  }
0xa2: {  	s7 =	simm.s32 $0x0;
	s20 =	sshll.u32 s5, $0x1;
	s5 =	sadd.s32 s21, s3  }
0xa3: {  	[timem:s7], [sflag:s22] =	dma.local [hbm:s5], s20  }
0xa4: {  	_ =	swait.ge [sflag:s22], s20  }
0xa5: {  	s4 =	ssub.s32 $0x0, s20;
	[sflag:s22] =	ssyncset.done $0x0  }
0xa6: {  	[sflag:s22] =	ssyncadd.s32 s4;
	_ =	sdelay $0x1  }
0xa7: {  	s23 =	simm.s32 $0x1B8B  }
0xa8: {  	_ =	swait.ge [sflag:s23], $0x1  }
0xa9: {  	[sflag:s23] =	ssyncset.done $0x0  }
0xaa: {  	s25 =	simm.s32 $0x1B8E;
	s24 =	sld [smem:$0x3FFE];
	[sflag:s23] =	ssyncadd.s32 $0xFFFFFFFF  }
0xab: {  	s26 =	simm.s32 $execute0_lowered;
	[smem:$0x3FD2] =	sst s25  }
0xac: {  	s5 =	sshll.u32 s26, $0x1;
	_ =	strace $0x80000046;
	[dreg:$0x1] =	wrdreg $0xFFFFFFFF  }
0xad: {  	s28 =	simm.s32 $_size_execute0_lowered;
	s3 =	sadd.s32 s3, s5;
	[dreg:$0x0] =	wrdreg $0x0  }
0xae: {  	s5 =	sshll.u32 s28, $0x1;
	[dreg:$0x2] =	wrdreg s3  }
0xaf: {  	[dreg:$0x3] =	wrdreg s5  }
0xb0: {  	[dreg:$0x4] =	wrdreg $0xC0  }
0xb1: {  	_ =	task [dreg:s7], $0x5FFFF  }
0xb2: {  	[dreg:$0x1] =	wrdreg $0xFFFFFFFF  }
0xb3: {  	[dreg:$0x0] =	wrdreg $0x60  }
0xb4: {  	[dreg:$0x2] =	wrdreg s16  }
0xb5: {  	[dreg:$0x3] =	wrdreg s24  }
0xb6: {  	[dreg:$0x4] =	wrdreg $0x9  }
0xb7: {  	_ =	task.clear_ibuf [dreg:s7], $0x5FFFF;
	_ =	strace $0x90000046  }
0xb8: {  	s29 =	simm.s32 $0x9;
	_ =	strace $0x80000048  }
0xb9: {  	_ =	swait.ge [sflag:s29], $0x1  }
0xba: {  	[sflag:s29] =	ssyncadd.s32 $0xFFFFFFFF  }
0xbb: {  	_ =	strace $0x90000048  }
0xbc: {  	_ =	sfence  }
0xbd: {  	s30 =	sld [smem:$0x0];
	_ =	sdelay $0x2  }
0xbe: {  	s31 =	sshll.u32 s1, $0xD;
	s1 =	sshrl.u32 s1, $0x2  }
0xbf: {  	s3 =	sand.u32 $0x4000, s31;
	s1 =	sadd.s32 s1, s30  }
0xc0: {  	s0 =	sor.u32 s3, s0;
	s1 =	sshll.u32 s1, $0x11  }
0xc1: {  	s0 =	sor.u32 s1, s0  }
0xc2: {  	s0 =	sadd.s32 $0x8F2B, s0  }
0xc3: {  	[sflag:s0] =	ssyncadd.remote.s32 $0x1  }
0xc4: {  	_ =	sfence.sel $0xFFFF  }
0xc5: {  	[dreg:$0x0] =	wrdreg $0xFFFFFFFF;
	(pc) =	sbr.abs _section_cstart, $3  }
0xc6: {  	[dreg:$0x1] =	wrdreg $0xFFFFFFFF  }
0xc7: {  	_ =	task.clear_ibuf [dreg:s7], $0x2FFFF;
	_ =	strace $0x9FFFFFFF  }
0xc8: {  	(tm) =	ssettm $0x7FFFFFFF  }
0xc9: {  	_ =	shalt  }
tec
execute0_lowered:
.L_overlay_start_1:
0x0: {  	(tag) =	ssettag $0x1  }
0x1: {  	s3 =	rddreg [dreg:$0x0]  }
0x2: {  	s14 =	rddreg [dreg:$0x1];
	s2 =	srdreg.scid  }
0x3: {  	s0 =	rddreg [dreg:$0x2];
	s1 =	stileid.u32;
	s16 =	sand.u32 $0x1, s2  }
0x4: {  	s2 =	simm.s32 $0x0;
	s4 =	sshll.u32 s1, $0xA;
	s5 =	sshll.u32 s16, $0x9  }
0x5: {  	[smem:$0x7FF] =	sst s2;
	s15 =	sor.u32 s5, s4  }
0x6: {  	_ =	strace $0x80000047;
	s4 =	sadd.s32 s3, s15;
	s3 =	simm.s32 $0x2  }
0x7: {  	[tilespmem:s2], [sflag:$0x2] =	stream.linear.gather [hbm4b:s4+s2], $0x1000, $0x38;
	[tilespmem:$0x5000] =	vst v63  }
0x8: {  	_ =	swait.ge [sflag:s3], $0x1000  }
0x9: {  	[sflag:s3] =	ssyncset.done $0x0  }
0xa: {  	s6 =	simm.s32 $0x1000;
	s5 =	sadd.s32 $0x1C00, s14;
	[sflag:s3] =	ssyncadd.s32 $0xFFFFF000  }
0xb: {  	[tilespmem:s6], [sflag:$0x1] =	stream.indirect.gather [hbm4b:s5+s6], $0x1, s2, s6, $0xb8;
	[tilespmem:$0x5000] =	vst v63  }
0xc: {  	s8 =	simm.s32 $0x2000;
	s7 =	sadd.s32 $0x5C00, s14  }
0xd: {  	[tilespmem:s8], [sflag:$0x1] =	stream.indirect.gather [hbm4b:s7+s6], $0x1, s2, s6, $0xb8;
	[tilespmem:$0x5000] =	vst v63  }
0xe: {  	s10 =	simm.s32 $0x3000;
	s9 =	sadd.s32 $0x9C00, s14  }
0xf: {  	[tilespmem:s10], [sflag:$0x1] =	stream.indirect.gather [hbm4b:s9+s6], $0x1, s2, s6, $0xb8;
	[tilespmem:$0x5000] =	vst v63  }
0x10: {  	s12 =	simm.s32 $0x4000;
	s13 =	simm.s32 $0x1;
	s11 =	sadd.s32 $0xDC00, s14  }
0x11: {  	[tilespmem:s12], [sflag:$0x1] =	stream.indirect.gather [hbm4b:s11+s6], $0x1, s2, s6, $0xb8;
	[tilespmem:$0x5000] =	vst v63  }
0x12: {  	_ =	swait.ge [sflag:s13], $0x1000  }
0x13: {  	[sflag:s13] =	ssyncset.done $0x0  }
0x14: {  	[sflag:s13] =	ssyncadd.s32 $0xFFFFF000  }
0x15: {  	_ =	swait.ge [sflag:s13], $0x1000  }
0x16: {  	[sflag:s13] =	ssyncset.done $0x0  }
0x17: {  	[sflag:s13] =	ssyncadd.s32 $0xFFFFF000  }
0x18: {  	_ =	swait.ge [sflag:s13], $0x1000  }
0x19: {  	[sflag:s13] =	ssyncset.done $0x0  }
0x1a: {  	[sflag:s13] =	ssyncadd.s32 $0xFFFFF000  }
0x1b: {  	_ =	swait.ge [sflag:s13], $0x1000  }
0x1c: {  	s17 =	sadd.s32 s15, s14;
	[sflag:s13] =	ssyncset.done $0x0  }
0x1d: {  	s14 =	sadd.s32 $0x1DC00, s17;
	[sflag:s13] =	ssyncadd.s32 $0xFFFFF000  }
0x1e: {  	[hbm4b:s14+s2] =	stream.linear.scatter [tilespmem:s6], [sflag:$0x2], $0x1000, $0x38;
	[tilespmem:$0x5000] =	vst v63  }
0x1f: {  	_ =	swait.ge [sflag:s3], $0x1000  }
0x20: {  	[sflag:s3] =	ssyncset.done $0x0  }
0x21: {  	s18 =	ssub.s32 $0x2, s16;
	s15 =	sadd.s32 $0x19C00, s17;
	[sflag:s3] =	ssyncadd.s32 $0xFFFFF000  }
0x22: {  	[hbm4b:s15+s2] =	stream.linear.scatter [tilespmem:s8], [sflag:$0x2], $0x1000, $0x38;
	[tilespmem:$0x5000] =	vst v63  }
0x23: {  	s19 =	sshrl.u32 s18, $0x1;
	_ =	swait.ge [sflag:s3], $0x1000  }
0x24: {  	s18 =	ssub.s32 s18, s19;
	[sflag:s3] =	ssyncset.done $0x0  }
0x25: {  	s16 =	sadd.s32 $0x15C00, s17;
	s18 =	smax.u32 s18, $0x1;
	[sflag:s3] =	ssyncadd.s32 $0xFFFFF000  }
0x26: {  	[hbm4b:s16+s2] =	stream.linear.scatter [tilespmem:s10], [sflag:$0x2], $0x1000, $0x38;
	[tilespmem:$0x5000] =	vst v63  }
0x27: {  	p0 =	sne.s32 s18, $0x1;
	_ =	swait.ge [sflag:s3], $0x1000  }
.Ltmp0:
0x28: {  	[sflag:s3] =	ssyncset.done $0x0;
	(pc) =	sbr.rel @!p0 .LBB2_2-.Ltmp0, $4  }
0x29: {  	s17 =	sadd.s32 $0x11C00, s17;
	[sflag:s3] =	ssyncadd.s32 $0xFFFFF000  }
0x2a: {  	[hbm4b:s17+s2] =	stream.linear.scatter [tilespmem:s12], [sflag:$0x2], $0x1000, $0x38;
	[tilespmem:$0x5000] =	vst v63  }
0x2b: {  	_ =	swait.ge [sflag:s3], $0x1000  }
0x2c: {  	s18 =	sadd.s32 $0xFFFFFFFF, s18;
	[sflag:s3] =	ssyncset.done $0x0  }
.LBB2_1:
0x2d: {  	p0 =	sne.s32 s18, $0x1;
	s18 =	sadd.s32 $0xFFFFFFFF, s18;
	[sflag:s3] =	ssyncadd.s32 $0xFFFFF000  }
0x2e: {  	[tilespmem:s2], [sflag:$0x2] =	stream.linear.gather [hbm4b:s4+s2], $0x1000, $0x38;
	[tilespmem:$0x5000] =	vst v63  }
0x2f: {  	_ =	swait.ge [sflag:s3], $0x1000  }
0x30: {  	[sflag:s3] =	ssyncset.done $0x0  }
0x31: {  	[sflag:s3] =	ssyncadd.s32 $0xFFFFF000  }
0x32: {  	[tilespmem:s6], [sflag:$0x1] =	stream.indirect.gather [hbm4b:s5+s6], $0x1, s2, s6, $0xb8;
	[tilespmem:$0x5000] =	vst v63  }
0x33: {  	_ = 	snop  }
0x34: {  	[tilespmem:s8], [sflag:$0x1] =	stream.indirect.gather [hbm4b:s7+s6], $0x1, s2, s6, $0xb8;
	[tilespmem:$0x5000] =	vst v63  }
0x35: {  	_ = 	snop  }
0x36: {  	[tilespmem:s10], [sflag:$0x1] =	stream.indirect.gather [hbm4b:s9+s6], $0x1, s2, s6, $0xb8;
	[tilespmem:$0x5000] =	vst v63  }
0x37: {  	_ = 	snop  }
0x38: {  	[tilespmem:s12], [sflag:$0x1] =	stream.indirect.gather [hbm4b:s11+s6], $0x1, s2, s6, $0xb8;
	[tilespmem:$0x5000] =	vst v63  }
0x39: {  	_ =	swait.ge [sflag:s13], $0x1000  }
0x3a: {  	[sflag:s13] =	ssyncset.done $0x0  }
0x3b: {  	[sflag:s13] =	ssyncadd.s32 $0xFFFFF000  }
0x3c: {  	_ =	swait.ge [sflag:s13], $0x1000  }
0x3d: {  	[sflag:s13] =	ssyncset.done $0x0  }
0x3e: {  	[sflag:s13] =	ssyncadd.s32 $0xFFFFF000  }
0x3f: {  	_ =	swait.ge [sflag:s13], $0x1000  }
0x40: {  	[sflag:s13] =	ssyncset.done $0x0  }
0x41: {  	[sflag:s13] =	ssyncadd.s32 $0xFFFFF000  }
0x42: {  	_ =	swait.ge [sflag:s13], $0x1000  }
0x43: {  	[sflag:s13] =	ssyncset.done $0x0  }
0x44: {  	[sflag:s13] =	ssyncadd.s32 $0xFFFFF000  }
0x45: {  	[hbm4b:s14+s2] =	stream.linear.scatter [tilespmem:s6], [sflag:$0x2], $0x1000, $0x38;
	[tilespmem:$0x5000] =	vst v63  }
0x46: {  	_ =	swait.ge [sflag:s3], $0x1000  }
0x47: {  	[sflag:s3] =	ssyncset.done $0x0  }
0x48: {  	[sflag:s3] =	ssyncadd.s32 $0xFFFFF000  }
0x49: {  	[hbm4b:s15+s2] =	stream.linear.scatter [tilespmem:s8], [sflag:$0x2], $0x1000, $0x38;
	[tilespmem:$0x5000] =	vst v63  }
0x4a: {  	_ =	swait.ge [sflag:s3], $0x1000  }
0x4b: {  	[sflag:s3] =	ssyncset.done $0x0  }
0x4c: {  	[sflag:s3] =	ssyncadd.s32 $0xFFFFF000  }
0x4d: {  	[hbm4b:s16+s2] =	stream.linear.scatter [tilespmem:s10], [sflag:$0x2], $0x1000, $0x38;
	[tilespmem:$0x5000] =	vst v63  }
0x4e: {  	_ =	swait.ge [sflag:s3], $0x1000  }
.Ltmp1:
0x4f: {  	[sflag:s3] =	ssyncset.done $0x0;
	(pc) =	sbr.rel @p0 .LBB2_1-.Ltmp1, $4  }
0x50: {  	[sflag:s3] =	ssyncadd.s32 $0xFFFFF000  }
0x51: {  	[hbm4b:s17+s2] =	stream.linear.scatter [tilespmem:s12], [sflag:$0x2], $0x1000, $0x38;
	[tilespmem:$0x5000] =	vst v63  }
0x52: {  	_ =	swait.ge [sflag:s3], $0x1000  }
0x53: {  	[sflag:s3] =	ssyncset.done $0x0  }
.LBB2_2:
0x54: {  	[sflag:s3] =	ssyncadd.s32 $0xFFFFF000  }
0x55: {  	_ =	sfence.sel $0x180000  }
0x56: {  	[bflag:$0x0] =	sbarrier.arrive $0xFFFF  }
0x57: {  	p0 =	sne.s32 s1, $0x0;
	_ =	strace $0x90000047  }
0x58: {  	s0 =	sadd.s32 @!p0 $0x100000, s0;
	[bflag:$0x2] =	sbarrier.arrive $0xFFFF  }
0x59: {  	[sflag:s0] =	ssyncadd.tile.s32 @!p0 $0x1;
	_ =	shalt  }
.Lfunc_end2:
_tile_overlayer_lowered:
.L_overlay_start_2:
0x5a: {  	(tag) =	ssettag $0x2  }
0x5b: {  	s0 =	rddreg [dreg:$0x0];
	s2 =	stileid.u32  }
0x5c: {  	s1 =	rddreg [dreg:$0x1];
	p0 =	sne.s32 s2, $0x0  }
0x5d: {  	s3 =	rddreg [dreg:$0x2];
	[bflag:$0x3] =	sbarrier.arrive $0xFFFF;
	s2 =	simm.s32 @!p0 $0x1C02  }
0x5e: {  	[timem:s3], [sflag:s2] =	dma.local @!p0 [hbm:s0], s1  }
0x5f: {  	s0 =	simm.s32 @!p0 $0x2  }
0x60: {  	_ =	swait.ge @!p0 [sflag:s0], s1  }
0x61: {  	s1 =	ssub.s32 @!p0 $0x0, s1;
	[sflag:s0] =	ssyncset.done @!p0 $0x0  }
0x62: {  	[sflag:s0] =	ssyncadd.s32 @!p0 s1  }
0x63: {  	[bflag:$0x3] =	sbarrier.arrive $0xFFFF  }
0x64: {  	_ =	shalt  }

</sc_bundles>
